<compile_context>
chip_gen: v7x
topology: tpu7x:2x2x1
jax: 0.10.2.dev20260603
libtpu: 0.0.44.dev20260713+nightly
codegen_flags: <defaults>
</compile_context>

<pallas_src>
import functools

import jax
import jax.numpy as jnp
from jax import lax
from jax.experimental import pallas as pl
from jax.experimental.pallas import tpu as pltpu
from jax.experimental.pallas import tpu_sc as plsc

_N = 2 * 1 * 128 * 128 * 128
_H = 2048
_W = 2048
_BH = 256

_NB = 65536
_SHIFT = 15
_NC = 2
_NS = 16
_NTILES = _NC * _NS
_PER_TILE = _N // _NTILES
_CHUNK = 8192
_NCHUNK = _PER_TILE // _CHUNK
_L = 16
_U = 8


_SHAPE = (2, 1, 128, 128, 128)
_BD = 32


def _bce_keys_body(l_ref, t_ref, key_ref, possum_ref):
    l = l_ref[...]
    t = t_ref[...]
    loss = jnp.maximum(l, 0.0) - l * t + jnp.log1p(jnp.exp(-jnp.abs(l)))
    neg = t <= 0.5
    key_ref[...] = jnp.where(neg, lax.bitcast_convert_type(loss, jnp.int32),
                             jnp.int32(-1))
    ps = jnp.sum(jnp.where(neg, 0.0, loss))

    @pl.when((pl.program_id(0) == 0) & (pl.program_id(1) == 0))
    def _():
        possum_ref[...] = jnp.zeros_like(possum_ref)

    possum_ref[...] += ps.reshape(1, 1)


_bce_keys = pl.pallas_call(
    _bce_keys_body,
    grid=(2, 128 // _BD),
    in_specs=[
        pl.BlockSpec((1, 1, _BD, 128, 128), lambda i, j: (i, 0, j, 0, 0)),
        pl.BlockSpec((1, 1, _BD, 128, 128), lambda i, j: (i, 0, j, 0, 0)),
    ],
    out_specs=[
        pl.BlockSpec((1, 1, _BD, 128, 128), lambda i, j: (i, 0, j, 0, 0)),
        pl.BlockSpec((1, 1), lambda i, j: (0, 0)),
    ],
    out_shape=[
        jax.ShapeDtypeStruct(_SHAPE, jnp.int32),
        jax.ShapeDtypeStruct((1, 1), jnp.float32),
    ],
    compiler_params=pltpu.CompilerParams(
        dimension_semantics=("arbitrary", "arbitrary"),
    ),
)


def _hist_body(keys_hbm, spread_hbm, cnt_out, chunk0, chunk1, cnt_v, spread_v,
               sem0, sem1):
    wid = lax.axis_index("s") * _NC + lax.axis_index("c")
    zeros = jnp.zeros((_L,), jnp.float32)
    ones = jnp.ones((_L,), jnp.float32)

    def zero_body(i, carry):
        b = i * (_L * _U)
        for u in range(_U):
            cnt_v[pl.ds(b + u * _L, _L)] = zeros
        return carry

    lax.fori_loop(0, _NB // (_L * _U), zero_body, 0)

    pltpu.sync_copy(spread_hbm, spread_v)
    spread = spread_v[...]

    base = wid * _PER_TILE
    bufs = (chunk0, chunk1)
    sems = (sem0, sem1)

    def process(chunk_v):
        def vec_body(g, carry):
            b = g * (_L * _U)
            keys = [chunk_v[pl.ds(b + u * _L, _L)] for u in range(_U)]
            digits = [
                jnp.where(key >= 0,
                          lax.shift_right_logical(key, _SHIFT), spread)
                for key in keys
            ]
            for digit in digits:
                plsc.addupdate_scatter(cnt_v, [digit], ones)
            return carry

        lax.fori_loop(0, _CHUNK // (_L * _U), vec_body, 0)

    handles = [None] * _NCHUNK
    handles[0] = pltpu.async_copy(
        keys_hbm.at[pl.ds(base, _CHUNK)], bufs[0], sems[0])
    for c in range(_NCHUNK):
        if c + 1 < _NCHUNK:
            handles[c + 1] = pltpu.async_copy(
                keys_hbm.at[pl.ds(base + (c + 1) * _CHUNK, _CHUNK)],
                bufs[(c + 1) % 2], sems[(c + 1) % 2])
        handles[c].wait()
        process(bufs[c % 2])

    pltpu.sync_copy(cnt_v, cnt_out.at[wid])


_hist = pl.kernel(
    _hist_body,
    out_type=jax.ShapeDtypeStruct((_NTILES, _NB), jnp.float32),
    mesh=plsc.VectorSubcoreMesh(core_axis_name="c", subcore_axis_name="s"),
    scratch_types=[
        pltpu.VMEM((_CHUNK,), jnp.int32),
        pltpu.VMEM((_CHUNK,), jnp.int32),
        pltpu.VMEM((_NB,), jnp.float32),
        pltpu.VMEM((_L,), jnp.int32),
        pltpu.SemaphoreType.DMA,
        pltpu.SemaphoreType.DMA,
    ],
    compiler_params=pltpu.CompilerParams(needs_layout_passes=False),
)


def kernel(logits, targets):
    keys, pos_sum = _bce_keys(logits, targets)
    spread = jnp.arange(65280, 65280 + _L, dtype=jnp.int32)
    cnt_tiles = _hist(keys.reshape(-1), spread)

    cnt = jnp.sum(cnt_tiles, axis=0)
    bins = jnp.arange(_NB, dtype=jnp.int32)
    v_mid = lax.bitcast_convert_type(
        jnp.left_shift(bins, _SHIFT) + jnp.int32(1 << (_SHIFT - 1)), jnp.float32)
    finite = jnp.isfinite(v_mid)
    cnt = jnp.where(finite, cnt, 0.0)
    v_mid = jnp.where(finite, v_mid, 0.0)
    vsum = cnt * v_mid

    n_neg_f = jnp.sum(cnt)
    n_neg = n_neg_f.astype(jnp.int32)
    n_pos = _N - n_neg
    pos_mean = jnp.where(
        n_pos > 0,
        pos_sum[0, 0] / jnp.maximum(n_pos, 1).astype(jnp.float32),
        jnp.float32(0.0),
    )

    k = jnp.maximum(jnp.int32(1024), jnp.round(0.1 * n_neg_f).astype(jnp.int32))
    k = jnp.minimum(k, n_neg)
    k_f = k.astype(jnp.float32)

    cnt_desc = cnt[::-1]
    sum_desc = vsum[::-1]
    cum_cnt = jnp.cumsum(cnt_desc)
    cum_sum = jnp.cumsum(sum_desc)
    j = jnp.argmax(cum_cnt >= k_f)
    base_cnt = cum_cnt[j] - cnt_desc[j]
    base_sum = cum_sum[j] - sum_desc[j]
    vthr = v_mid[::-1][j]
    hard_sum = base_sum + (k_f - base_cnt) * vthr
    neg_mean = jnp.where(
        n_neg > 0,
        hard_sum / jnp.maximum(k, 1).astype(jnp.float32),
        jnp.float32(0.0),
    )
    return pos_mean + neg_mean

# --- scband reference (transcript-rebuilt; emitter-appended) ---
"""Pipeline reference for scband-ohembcewith-logits-loss-37847251812781 (READ-ONLY COPY).

The authoritative reference and input builder live on the scoring server;
editing this copy changes nothing except your own understanding.
"""

import jax, jax.numpy as jnp
import numpy as np

NEG_FRACTION = 0.1
MIN_NEG = 1024
POS_WEIGHT = 1.0
NEG_WEIGHT = 1.0


def _bce_with_logits(logits, targets):
    # numerically stable elementwise BCE-with-logits (reduction='none')
    return jnp.maximum(logits, 0.0) - logits * targets + jnp.log1p(jnp.exp(-jnp.abs(logits)))


def setup_inputs(seed: int = 0) -> dict:
    key = jax.random.key(seed)
    k1, k2 = jax.random.split(key)
    shape = (2, 1, 128, 128, 128)
    logits = jax.random.normal(k1, shape, dtype=jnp.float32)
    targets = jax.random.uniform(k2, shape, dtype=jnp.float32)
    return {"logits": logits, "targets": targets}


def reference(logits, targets):
    loss = _bce_with_logits(logits, targets).reshape(-1)
    t = targets.reshape(-1)
    pos_mask = t > 0.5
    neg_mask = jnp.logical_not(pos_mask)

    n_pos = jnp.sum(pos_mask)
    n_neg = jnp.sum(neg_mask)

    pos_sum = jnp.sum(jnp.where(pos_mask, loss, 0.0))
    pos_mean = jnp.where(
        n_pos > 0,
        pos_sum / jnp.maximum(n_pos, 1).astype(loss.dtype),
        jnp.array(0.0, dtype=loss.dtype),
    )

    frac = float(max(0.0, min(1.0, NEG_FRACTION)))
    k = jnp.maximum(
        MIN_NEG,
        jnp.round(frac * n_neg.astype(jnp.float64)).astype(n_neg.dtype),
    )
    k = jnp.minimum(k, n_neg)
    # mask out positives with -inf, then global descending sort over all elements;
    # since k <= n_neg, every selected value is a finite negative-voxel loss
    neg_vals = jnp.where(neg_mask, loss, -jnp.inf)
    sorted_neg = jax.lax.top_k(neg_vals, neg_vals.shape[0])[0]
    idx = jnp.arange(sorted_neg.shape[0], dtype=k.dtype)
    hard_sum = jnp.sum(jnp.where(idx < k, sorted_neg, 0.0))
    neg_mean = jnp.where(
        n_neg > 0,
        hard_sum / jnp.maximum(k, 1).astype(loss.dtype),
        jnp.array(0.0, dtype=loss.dtype),
    )

    return POS_WEIGHT * pos_mean + NEG_WEIGHT * neg_mean

if __name__ == "__main__":
    import jax
    _d = setup_inputs()
    print(jax.jit(kernel)(*tuple(_d.values())))

</pallas_src>

<mosaic_0001>
#map = affine_map<(d0, d1) -> (0)>
#map1 = affine_map<(d0, d1) -> (0, 0)>
module attributes {stable_mosaic.version = 14 : i64} {
  func.func @_hist_body(%arg0: i32, %arg1: i32, %arg2: memref<4194304xi32, #tpu.memory_space<hbm>>, %arg3: memref<16xi32, #tpu.memory_space<hbm>>, %arg4: memref<32x65536xf32, #tpu.memory_space<hbm>>, %arg5: memref<8192xi32, #tpu.memory_space<vmem>>, %arg6: memref<8192xi32, #tpu.memory_space<vmem>>, %arg7: memref<65536xf32, #tpu.memory_space<vmem>>, %arg8: memref<16xi32, #tpu.memory_space<vmem>>, %arg9: memref<!tpu.dma_semaphore, #tpu.memory_space<semaphore_mem>>, %arg10: memref<!tpu.dma_semaphore, #tpu.memory_space<semaphore_mem>>) attributes {dimension_semantics = [#tpu.dimension_semantics<core_parallel>, #tpu.dimension_semantics<subcore_parallel>], iteration_bounds = array<i64: 2, 16>, scalar_prefetch = 0 : i64, scratch_operands = 6 : i64, tpu.core_type = #tpu.core_type<sc_vector_subcore>, window_params = [{transform_indices = #map}, {transform_indices = #map}, {transform_indices = #map1}]} {
    %mul3A = arith.constant 2 : i32
    %mul3A_0 = arith.muli %arg1, %mul3A : i32
    %add3A = arith.addi %mul3A_0, %arg0 : i32
    %broadcast_in_dim3A = arith.constant 0.000000e+00 : f32
    %broadcast_in_dim3A_1 = vector.broadcast %broadcast_in_dim3A : f32 to vector<16xf32>
    %broadcast_in_dim3A_2 = arith.constant 1.000000e+00 : f32
    %broadcast_in_dim3A_3 = vector.broadcast %broadcast_in_dim3A_2 : f32 to vector<16xf32>
    %scan3A = arith.constant 0 : i32
    %scan3A_4 = arith.constant 0 : i32
    %scan3A_5 = arith.constant 512 : i32
    %scan3A_6 = arith.addi %scan3A_4, %scan3A_5 : i32
    %scan3A_7 = arith.constant 1 : i32
    scf.for %scan3A_200 = %scan3A_4 to %scan3A_6 step %scan3A_7  : i32 {
      %mul3A_201 = arith.constant 128 : i32
      %mul3A_202 = arith.muli %scan3A_200, %mul3A_201 : i32
      %add3A_203 = arith.constant 0 : i32
      %add3A_204 = arith.addi %mul3A_202, %add3A_203 : i32
      %swap3A = arith.index_cast %add3A_204 : i32 to index
      %swap3A_205 = tpu.vector_load %arg7[%swap3A] {strides = array<i32>} : memref<65536xf32, #tpu.memory_space<vmem>>, vector<16xf32>,
      tpu.vector_store %arg7[%swap3A], %broadcast_in_dim3A_1 {strides = array<i32>} : memref<65536xf32, #tpu.memory_space<vmem>>, vector<16xf32>,
      %add3A_206 = arith.constant 16 : i32
      %add3A_207 = arith.addi %mul3A_202, %add3A_206 : i32
      %swap3A_208 = arith.index_cast %add3A_207 : i32 to index
      %swap3A_209 = tpu.vector_load %arg7[%swap3A_208] {strides = array<i32>} : memref<65536xf32, #tpu.memory_space<vmem>>, vector<16xf32>,
      tpu.vector_store %arg7[%swap3A_208], %broadcast_in_dim3A_1 {strides = array<i32>} : memref<65536xf32, #tpu.memory_space<vmem>>, vector<16xf32>,
      %add3A_210 = arith.constant 32 : i32
      %add3A_211 = arith.addi %mul3A_202, %add3A_210 : i32
      %swap3A_212 = arith.index_cast %add3A_211 : i32 to index
      %swap3A_213 = tpu.vector_load %arg7[%swap3A_212] {strides = array<i32>} : memref<65536xf32, #tpu.memory_space<vmem>>, vector<16xf32>,
      tpu.vector_store %arg7[%swap3A_212], %broadcast_in_dim3A_1 {strides = array<i32>} : memref<65536xf32, #tpu.memory_space<vmem>>, vector<16xf32>,
      %add3A_214 = arith.constant 48 : i32
      %add3A_215 = arith.addi %mul3A_202, %add3A_214 : i32
      %swap3A_216 = arith.index_cast %add3A_215 : i32 to index
      %swap3A_217 = tpu.vector_load %arg7[%swap3A_216] {strides = array<i32>} : memref<65536xf32, #tpu.memory_space<vmem>>, vector<16xf32>,
      tpu.vector_store %arg7[%swap3A_216], %broadcast_in_dim3A_1 {strides = array<i32>} : memref<65536xf32, #tpu.memory_space<vmem>>, vector<16xf32>,
      %add3A_218 = arith.constant 64 : i32
      %add3A_219 = arith.addi %mul3A_202, %add3A_218 : i32
      %swap3A_220 = arith.index_cast %add3A_219 : i32 to index
      %swap3A_221 = tpu.vector_load %arg7[%swap3A_220] {strides = array<i32>} : memref<65536xf32, #tpu.memory_space<vmem>>, vector<16xf32>,
      tpu.vector_store %arg7[%swap3A_220], %broadcast_in_dim3A_1 {strides = array<i32>} : memref<65536xf32, #tpu.memory_space<vmem>>, vector<16xf32>,
      %add3A_222 = arith.constant 80 : i32
      %add3A_223 = arith.addi %mul3A_202, %add3A_222 : i32
      %swap3A_224 = arith.index_cast %add3A_223 : i32 to index
      %swap3A_225 = tpu.vector_load %arg7[%swap3A_224] {strides = array<i32>} : memref<65536xf32, #tpu.memory_space<vmem>>, vector<16xf32>,
      tpu.vector_store %arg7[%swap3A_224], %broadcast_in_dim3A_1 {strides = array<i32>} : memref<65536xf32, #tpu.memory_space<vmem>>, vector<16xf32>,
      %add3A_226 = arith.constant 96 : i32
      %add3A_227 = arith.addi %mul3A_202, %add3A_226 : i32
      %swap3A_228 = arith.index_cast %add3A_227 : i32 to index
      %swap3A_229 = tpu.vector_load %arg7[%swap3A_228] {strides = array<i32>} : memref<65536xf32, #tpu.memory_space<vmem>>, vector<16xf32>,
      tpu.vector_store %arg7[%swap3A_228], %broadcast_in_dim3A_1 {strides = array<i32>} : memref<65536xf32, #tpu.memory_space<vmem>>, vector<16xf32>,
      %add3A_230 = arith.constant 112 : i32
      %add3A_231 = arith.addi %mul3A_202, %add3A_230 : i32
      %swap3A_232 = arith.index_cast %add3A_231 : i32 to index
      %swap3A_233 = tpu.vector_load %arg7[%swap3A_232] {strides = array<i32>} : memref<65536xf32, #tpu.memory_space<vmem>>, vector<16xf32>,
      tpu.vector_store %arg7[%swap3A_232], %broadcast_in_dim3A_1 {strides = array<i32>} : memref<65536xf32, #tpu.memory_space<vmem>>, vector<16xf32>,
    }
    %scan3A_8 = arith.constant 512 : i32
    "tpu.region"() ({
      %run_scoped3A = tpu.sem_alloc : memref<!tpu.dma_semaphore, #tpu.memory_space<semaphore_mem>>
      tpu.enqueue_dma source(%arg3 : memref<16xi32, #tpu.memory_space<hbm>>) target(%arg8 : memref<16xi32, #tpu.memory_space<vmem>>) target_semaphore(%run_scoped3A : memref<!tpu.dma_semaphore, #tpu.memory_space<semaphore_mem>>)
      tpu.wait_dma2 semaphore(%run_scoped3A : memref<!tpu.dma_semaphore, #tpu.memory_space<semaphore_mem>>) src(%arg3 : memref<16xi32, #tpu.memory_space<hbm>>) dst(%arg8 : memref<16xi32, #tpu.memory_space<vmem>>)
      tpu.yield
    }) : () -> ()
    %get3A = arith.constant 0 : index
    %get3A_9 = tpu.vector_load %arg8[%get3A] {strides = array<i32>} : memref<16xi32, #tpu.memory_space<vmem>>, vector<16xi32>,
    %mul3A_10 = arith.constant 131072 : i32
    %mul3A_11 = arith.muli %add3A, %mul3A_10 : i32
    %dma_start3A = tpu.memref_slice %arg2[%mul3A_11] : memref<4194304xi32, #tpu.memory_space<hbm>> -> memref<8192xi32, #tpu.memory_space<hbm>>
    %dma_start3A_12 = tpu.memref_slice %arg2[%mul3A_11] : memref<4194304xi32, #tpu.memory_space<hbm>> -> memref<8192xi32, #tpu.memory_space<hbm>>
    tpu.enqueue_dma source(%dma_start3A_12 : memref<8192xi32, #tpu.memory_space<hbm>>) target(%arg5 : memref<8192xi32, #tpu.memory_space<vmem>>) target_semaphore(%arg9 : memref<!tpu.dma_semaphore, #tpu.memory_space<semaphore_mem>>)
    %add3A_13 = arith.constant 8192 : i32
    %add3A_14 = arith.addi %mul3A_11, %add3A_13 : i32
    %dma_start3A_15 = tpu.memref_slice %arg2[%add3A_14] : memref<4194304xi32, #tpu.memory_space<hbm>> -> memref<8192xi32, #tpu.memory_space<hbm>>
    %dma_start3A_16 = tpu.memref_slice %arg2[%add3A_14] : memref<4194304xi32, #tpu.memory_space<hbm>> -> memref<8192xi32, #tpu.memory_space<hbm>>
    tpu.enqueue_dma source(%dma_start3A_16 : memref<8192xi32, #tpu.memory_space<hbm>>) target(%arg6 : memref<8192xi32, #tpu.memory_space<vmem>>) target_semaphore(%arg10 : memref<!tpu.dma_semaphore, #tpu.memory_space<semaphore_mem>>)
    %dma_wait3A = tpu.memref_slice %arg2[%mul3A_11] : memref<4194304xi32, #tpu.memory_space<hbm>> -> memref<8192xi32, #tpu.memory_space<hbm>>
    %dma_wait3A_17 = tpu.memref_slice %arg2[%mul3A_11] : memref<4194304xi32, #tpu.memory_space<hbm>> -> memref<8192xi32, #tpu.memory_space<hbm>>
    tpu.wait_dma2 semaphore(%arg9 : memref<!tpu.dma_semaphore, #tpu.memory_space<semaphore_mem>>) src(%dma_wait3A_17 : memref<8192xi32, #tpu.memory_space<hbm>>) dst(%arg5 : memref<8192xi32, #tpu.memory_space<vmem>>)
    %scan3A_18 = arith.constant 0 : i32
    %scan3A_19 = arith.constant 0 : i32
    %scan3A_20 = arith.constant 64 : i32
    %scan3A_21 = arith.addi %scan3A_19, %scan3A_20 : i32
    %scan3A_22 = arith.constant 1 : i32
    scf.for %scan3A_200 = %scan3A_19 to %scan3A_21 step %scan3A_22  : i32 {
      %mul3A_201 = arith.constant 128 : i32
      %mul3A_202 = arith.muli %scan3A_200, %mul3A_201 : i32
      %add3A_203 = arith.constant 0 : i32
      %add3A_204 = arith.addi %mul3A_202, %add3A_203 : i32
      %get3A_205 = arith.index_cast %add3A_204 : i32 to index
      %get3A_206 = tpu.vector_load %arg5[%get3A_205] {strides = array<i32>} : memref<8192xi32, #tpu.memory_space<vmem>>, vector<16xi32>,
      %add3A_207 = arith.constant 16 : i32
      %add3A_208 = arith.addi %mul3A_202, %add3A_207 : i32
      %get3A_209 = arith.index_cast %add3A_208 : i32 to index
      %get3A_210 = tpu.vector_load %arg5[%get3A_209] {strides = array<i32>} : memref<8192xi32, #tpu.memory_space<vmem>>, vector<16xi32>,
      %add3A_211 = arith.constant 32 : i32
      %add3A_212 = arith.addi %mul3A_202, %add3A_211 : i32
      %get3A_213 = arith.index_cast %add3A_212 : i32 to index
      %get3A_214 = tpu.vector_load %arg5[%get3A_213] {strides = array<i32>} : memref<8192xi32, #tpu.memory_space<vmem>>, vector<16xi32>,
      %add3A_215 = arith.constant 48 : i32
      %add3A_216 = arith.addi %mul3A_202, %add3A_215 : i32
      %get3A_217 = arith.index_cast %add3A_216 : i32 to index
      %get3A_218 = tpu.vector_load %arg5[%get3A_217] {strides = array<i32>} : memref<8192xi32, #tpu.memory_space<vmem>>, vector<16xi32>,
      %add3A_219 = arith.constant 64 : i32
      %add3A_220 = arith.addi %mul3A_202, %add3A_219 : i32
      %get3A_221 = arith.index_cast %add3A_220 : i32 to index
      %get3A_222 = tpu.vector_load %arg5[%get3A_221] {strides = array<i32>} : memref<8192xi32, #tpu.memory_space<vmem>>, vector<16xi32>,
      %add3A_223 = arith.constant 80 : i32
      %add3A_224 = arith.addi %mul3A_202, %add3A_223 : i32
      %get3A_225 = arith.index_cast %add3A_224 : i32 to index
      %get3A_226 = tpu.vector_load %arg5[%get3A_225] {strides = array<i32>} : memref<8192xi32, #tpu.memory_space<vmem>>, vector<16xi32>,
      %add3A_227 = arith.constant 96 : i32
      %add3A_228 = arith.addi %mul3A_202, %add3A_227 : i32
      %get3A_229 = arith.index_cast %add3A_228 : i32 to index
      %get3A_230 = tpu.vector_load %arg5[%get3A_229] {strides = array<i32>} : memref<8192xi32, #tpu.memory_space<vmem>>, vector<16xi32>,
      %add3A_231 = arith.constant 112 : i32
      %add3A_232 = arith.addi %mul3A_202, %add3A_231 : i32
      %get3A_233 = arith.index_cast %add3A_232 : i32 to index
      %get3A_234 = tpu.vector_load %arg5[%get3A_233] {strides = array<i32>} : memref<8192xi32, #tpu.memory_space<vmem>>, vector<16xi32>,
      %ge3A = arith.constant 0 : i32
      %ge3A_235 = vector.broadcast %ge3A : i32 to vector<16xi32>
      %ge3A_236 = arith.cmpi sge, %get3A_206, %ge3A_235 : vector<16xi32>
      %shift_right_logical3A = arith.constant 15 : i32
      %shift_right_logical3A_237 = vector.broadcast %shift_right_logical3A : i32 to vector<16xi32>
      %shift_right_logical3A_238 = arith.shrui %get3A_206, %shift_right_logical3A_237 : vector<16xi32>
      %select_n3A = arith.select %ge3A_236, %shift_right_logical3A_238, %get3A_9 : vector<16xi1>, vector<16xi32>
      %ge3A_239 = arith.constant 0 : i32
      %ge3A_240 = vector.broadcast %ge3A_239 : i32 to vector<16xi32>
      %ge3A_241 = arith.cmpi sge, %get3A_210, %ge3A_240 : vector<16xi32>
      %shift_right_logical3A_242 = arith.constant 15 : i32
      %shift_right_logical3A_243 = vector.broadcast %shift_right_logical3A_242 : i32 to vector<16xi32>
      %shift_right_logical3A_244 = arith.shrui %get3A_210, %shift_right_logical3A_243 : vector<16xi32>
      %select_n3A_245 = arith.select %ge3A_241, %shift_right_logical3A_244, %get3A_9 : vector<16xi1>, vector<16xi32>
      %ge3A_246 = arith.constant 0 : i32
      %ge3A_247 = vector.broadcast %ge3A_246 : i32 to vector<16xi32>
      %ge3A_248 = arith.cmpi sge, %get3A_214, %ge3A_247 : vector<16xi32>
      %shift_right_logical3A_249 = arith.constant 15 : i32
      %shift_right_logical3A_250 = vector.broadcast %shift_right_logical3A_249 : i32 to vector<16xi32>
      %shift_right_logical3A_251 = arith.shrui %get3A_214, %shift_right_logical3A_250 : vector<16xi32>
      %select_n3A_252 = arith.select %ge3A_248, %shift_right_logical3A_251, %get3A_9 : vector<16xi1>, vector<16xi32>
      %ge3A_253 = arith.constant 0 : i32
      %ge3A_254 = vector.broadcast %ge3A_253 : i32 to vector<16xi32>
      %ge3A_255 = arith.cmpi sge, %get3A_218, %ge3A_254 : vector<16xi32>
      %shift_right_logical3A_256 = arith.constant 15 : i32
      %shift_right_logical3A_257 = vector.broadcast %shift_right_logical3A_256 : i32 to vector<16xi32>
      %shift_right_logical3A_258 = arith.shrui %get3A_218, %shift_right_logical3A_257 : vector<16xi32>
      %select_n3A_259 = arith.select %ge3A_255, %shift_right_logical3A_258, %get3A_9 : vector<16xi1>, vector<16xi32>
      %ge3A_260 = arith.constant 0 : i32
      %ge3A_261 = vector.broadcast %ge3A_260 : i32 to vector<16xi32>
      %ge3A_262 = arith.cmpi sge, %get3A_222, %ge3A_261 : vector<16xi32>
      %shift_right_logical3A_263 = arith.constant 15 : i32
      %shift_right_logical3A_264 = vector.broadcast %shift_right_logical3A_263 : i32 to vector<16xi32>
      %shift_right_logical3A_265 = arith.shrui %get3A_222, %shift_right_logical3A_264 : vector<16xi32>
      %select_n3A_266 = arith.select %ge3A_262, %shift_right_logical3A_265, %get3A_9 : vector<16xi1>, vector<16xi32>
      %ge3A_267 = arith.constant 0 : i32
      %ge3A_268 = vector.broadcast %ge3A_267 : i32 to vector<16xi32>
      %ge3A_269 = arith.cmpi sge, %get3A_226, %ge3A_268 : vector<16xi32>
      %shift_right_logical3A_270 = arith.constant 15 : i32
      %shift_right_logical3A_271 = vector.broadcast %shift_right_logical3A_270 : i32 to vector<16xi32>
      %shift_right_logical3A_272 = arith.shrui %get3A_226, %shift_right_logical3A_271 : vector<16xi32>
      %select_n3A_273 = arith.select %ge3A_269, %shift_right_logical3A_272, %get3A_9 : vector<16xi1>, vector<16xi32>
      %ge3A_274 = arith.constant 0 : i32
      %ge3A_275 = vector.broadcast %ge3A_274 : i32 to vector<16xi32>
      %ge3A_276 = arith.cmpi sge, %get3A_230, %ge3A_275 : vector<16xi32>
      %shift_right_logical3A_277 = arith.constant 15 : i32
      %shift_right_logical3A_278 = vector.broadcast %shift_right_logical3A_277 : i32 to vector<16xi32>
      %shift_right_logical3A_279 = arith.shrui %get3A_230, %shift_right_logical3A_278 : vector<16xi32>
      %select_n3A_280 = arith.select %ge3A_276, %shift_right_logical3A_279, %get3A_9 : vector<16xi1>, vector<16xi32>
      %ge3A_281 = arith.constant 0 : i32
      %ge3A_282 = vector.broadcast %ge3A_281 : i32 to vector<16xi32>
      %ge3A_283 = arith.cmpi sge, %get3A_234, %ge3A_282 : vector<16xi32>
      %shift_right_logical3A_284 = arith.constant 15 : i32
      %shift_right_logical3A_285 = vector.broadcast %shift_right_logical3A_284 : i32 to vector<16xi32>
      %shift_right_logical3A_286 = arith.shrui %get3A_234, %shift_right_logical3A_285 : vector<16xi32>
      %select_n3A_287 = arith.select %ge3A_283, %shift_right_logical3A_286, %get3A_9 : vector<16xi1>, vector<16xi32>
      tpu.vector_store_idx %arg7[%select_n3A], %broadcast_in_dim3A_3 {add = true} : memref<65536xf32, #tpu.memory_space<vmem>>[vector<16xi32>], vector<16xf32>,
      tpu.vector_store_idx %arg7[%select_n3A_245], %broadcast_in_dim3A_3 {add = true} : memref<65536xf32, #tpu.memory_space<vmem>>[vector<16xi32>], vector<16xf32>,
      tpu.vector_store_idx %arg7[%select_n3A_252], %broadcast_in_dim3A_3 {add = true} : memref<65536xf32, #tpu.memory_space<vmem>>[vector<16xi32>], vector<16xf32>,
      tpu.vector_store_idx %arg7[%select_n3A_259], %broadcast_in_dim3A_3 {add = true} : memref<65536xf32, #tpu.memory_space<vmem>>[vector<16xi32>], vector<16xf32>,
      tpu.vector_store_idx %arg7[%select_n3A_266], %broadcast_in_dim3A_3 {add = true} : memref<65536xf32, #tpu.memory_space<vmem>>[vector<16xi32>], vector<16xf32>,
      tpu.vector_store_idx %arg7[%select_n3A_273], %broadcast_in_dim3A_3 {add = true} : memref<65536xf32, #tpu.memory_space<vmem>>[vector<16xi32>], vector<16xf32>,
      tpu.vector_store_idx %arg7[%select_n3A_280], %broadcast_in_dim3A_3 {add = true} : memref<65536xf32, #tpu.memory_space<vmem>>[vector<16xi32>], vector<16xf32>,
      tpu.vector_store_idx %arg7[%select_n3A_287], %broadcast_in_dim3A_3 {add = true} : memref<65536xf32, #tpu.memory_space<vmem>>[vector<16xi32>], vector<16xf32>,
    }
    %scan3A_23 = arith.constant 64 : i32
    %add3A_24 = arith.constant 16384 : i32
    %add3A_25 = arith.addi %mul3A_11, %add3A_24 : i32
    %dma_start3A_26 = tpu.memref_slice %arg2[%add3A_25] : memref<4194304xi32, #tpu.memory_space<hbm>> -> memref<8192xi32, #tpu.memory_space<hbm>>
    %dma_start3A_27 = tpu.memref_slice %arg2[%add3A_25] : memref<4194304xi32, #tpu.memory_space<hbm>> -> memref<8192xi32, #tpu.memory_space<hbm>>
    tpu.enqueue_dma source(%dma_start3A_27 : memref<8192xi32, #tpu.memory_space<hbm>>) target(%arg5 : memref<8192xi32, #tpu.memory_space<vmem>>) target_semaphore(%arg9 : memref<!tpu.dma_semaphore, #tpu.memory_space<semaphore_mem>>)
    %dma_wait3A_28 = tpu.memref_slice %arg2[%add3A_14] : memref<4194304xi32, #tpu.memory_space<hbm>> -> memref<8192xi32, #tpu.memory_space<hbm>>
    %dma_wait3A_29 = tpu.memref_slice %arg2[%add3A_14] : memref<4194304xi32, #tpu.memory_space<hbm>> -> memref<8192xi32, #tpu.memory_space<hbm>>
    tpu.wait_dma2 semaphore(%arg10 : memref<!tpu.dma_semaphore, #tpu.memory_space<semaphore_mem>>) src(%dma_wait3A_29 : memref<8192xi32, #tpu.memory_space<hbm>>) dst(%arg6 : memref<8192xi32, #tpu.memory_space<vmem>>)
    %scan3A_30 = arith.constant 0 : i32
    %scan3A_31 = arith.constant 0 : i32
    %scan3A_32 = arith.constant 64 : i32
    %scan3A_33 = arith.addi %scan3A_31, %scan3A_32 : i32
    %scan3A_34 = arith.constant 1 : i32
    scf.for %scan3A_200 = %scan3A_31 to %scan3A_33 step %scan3A_34  : i32 {
      %mul3A_201 = arith.constant 128 : i32
      %mul3A_202 = arith.muli %scan3A_200, %mul3A_201 : i32
      %add3A_203 = arith.constant 0 : i32
      %add3A_204 = arith.addi %mul3A_202, %add3A_203 : i32
      %get3A_205 = arith.index_cast %add3A_204 : i32 to index
      %get3A_206 = tpu.vector_load %arg6[%get3A_205] {strides = array<i32>} : memref<8192xi32, #tpu.memory_space<vmem>>, vector<16xi32>,
      %add3A_207 = arith.constant 16 : i32
      %add3A_208 = arith.addi %mul3A_202, %add3A_207 : i32
      %get3A_209 = arith.index_cast %add3A_208 : i32 to index
      %get3A_210 = tpu.vector_load %arg6[%get3A_209] {strides = array<i32>} : memref<8192xi32, #tpu.memory_space<vmem>>, vector<16xi32>,
      %add3A_211 = arith.constant 32 : i32
      %add3A_212 = arith.addi %mul3A_202, %add3A_211 : i32
      %get3A_213 = arith.index_cast %add3A_212 : i32 to index
      %get3A_214 = tpu.vector_load %arg6[%get3A_213] {strides = array<i32>} : memref<8192xi32, #tpu.memory_space<vmem>>, vector<16xi32>,
      %add3A_215 = arith.constant 48 : i32
      %add3A_216 = arith.addi %mul3A_202, %add3A_215 : i32
      %get3A_217 = arith.index_cast %add3A_216 : i32 to index
      %get3A_218 = tpu.vector_load %arg6[%get3A_217] {strides = array<i32>} : memref<8192xi32, #tpu.memory_space<vmem>>, vector<16xi32>,
      %add3A_219 = arith.constant 64 : i32
      %add3A_220 = arith.addi %mul3A_202, %add3A_219 : i32
      %get3A_221 = arith.index_cast %add3A_220 : i32 to index
      %get3A_222 = tpu.vector_load %arg6[%get3A_221] {strides = array<i32>} : memref<8192xi32, #tpu.memory_space<vmem>>, vector<16xi32>,
      %add3A_223 = arith.constant 80 : i32
      %add3A_224 = arith.addi %mul3A_202, %add3A_223 : i32
      %get3A_225 = arith.index_cast %add3A_224 : i32 to index
      %get3A_226 = tpu.vector_load %arg6[%get3A_225] {strides = array<i32>} : memref<8192xi32, #tpu.memory_space<vmem>>, vector<16xi32>,
      %add3A_227 = arith.constant 96 : i32
      %add3A_228 = arith.addi %mul3A_202, %add3A_227 : i32
      %get3A_229 = arith.index_cast %add3A_228 : i32 to index
      %get3A_230 = tpu.vector_load %arg6[%get3A_229] {strides = array<i32>} : memref<8192xi32, #tpu.memory_space<vmem>>, vector<16xi32>,
      %add3A_231 = arith.constant 112 : i32
      %add3A_232 = arith.addi %mul3A_202, %add3A_231 : i32
      %get3A_233 = arith.index_cast %add3A_232 : i32 to index
      %get3A_234 = tpu.vector_load %arg6[%get3A_233] {strides = array<i32>} : memref<8192xi32, #tpu.memory_space<vmem>>, vector<16xi32>,
      %ge3A = arith.constant 0 : i32
      %ge3A_235 = vector.broadcast %ge3A : i32 to vector<16xi32>
      %ge3A_236 = arith.cmpi sge, %get3A_206, %ge3A_235 : vector<16xi32>
      %shift_right_logical3A = arith.constant 15 : i32
      %shift_right_logical3A_237 = vector.broadcast %shift_right_logical3A : i32 to vector<16xi32>
      %shift_right_logical3A_238 = arith.shrui %get3A_206, %shift_right_logical3A_237 : vector<16xi32>
      %select_n3A = arith.select %ge3A_236, %shift_right_logical3A_238, %get3A_9 : vector<16xi1>, vector<16xi32>
      %ge3A_239 = arith.constant 0 : i32
      %ge3A_240 = vector.broadcast %ge3A_239 : i32 to vector<16xi32>
      %ge3A_241 = arith.cmpi sge, %get3A_210, %ge3A_240 : vector<16xi32>
      %shift_right_logical3A_242 = arith.constant 15 : i32
      %shift_right_logical3A_243 = vector.broadcast %shift_right_logical3A_242 : i32 to vector<16xi32>
      %shift_right_logical3A_244 = arith.shrui %get3A_210, %shift_right_logical3A_243 : vector<16xi32>
      %select_n3A_245 = arith.select %ge3A_241, %shift_right_logical3A_244, %get3A_9 : vector<16xi1>, vector<16xi32>
      %ge3A_246 = arith.constant 0 : i32
      %ge3A_247 = vector.broadcast %ge3A_246 : i32 to vector<16xi32>
      %ge3A_248 = arith.cmpi sge, %get3A_214, %ge3A_247 : vector<16xi32>
      %shift_right_logical3A_249 = arith.constant 15 : i32
      %shift_right_logical3A_250 = vector.broadcast %shift_right_logical3A_249 : i32 to vector<16xi32>
      %shift_right_logical3A_251 = arith.shrui %get3A_214, %shift_right_logical3A_250 : vector<16xi32>
      %select_n3A_252 = arith.select %ge3A_248, %shift_right_logical3A_251, %get3A_9 : vector<16xi1>, vector<16xi32>
      %ge3A_253 = arith.constant 0 : i32
      %ge3A_254 = vector.broadcast %ge3A_253 : i32 to vector<16xi32>
      %ge3A_255 = arith.cmpi sge, %get3A_218, %ge3A_254 : vector<16xi32>
      %shift_right_logical3A_256 = arith.constant 15 : i32
      %shift_right_logical3A_257 = vector.broadcast %shift_right_logical3A_256 : i32 to vector<16xi32>
      %shift_right_logical3A_258 = arith.shrui %get3A_218, %shift_right_logical3A_257 : vector<16xi32>
      %select_n3A_259 = arith.select %ge3A_255, %shift_right_logical3A_258, %get3A_9 : vector<16xi1>, vector<16xi32>
      %ge3A_260 = arith.constant 0 : i32
      %ge3A_261 = vector.broadcast %ge3A_260 : i32 to vector<16xi32>
      %ge3A_262 = arith.cmpi sge, %get3A_222, %ge3A_261 : vector<16xi32>
      %shift_right_logical3A_263 = arith.constant 15 : i32
      %shift_right_logical3A_264 = vector.broadcast %shift_right_logical3A_263 : i32 to vector<16xi32>
      %shift_right_logical3A_265 = arith.shrui %get3A_222, %shift_right_logical3A_264 : vector<16xi32>
      %select_n3A_266 = arith.select %ge3A_262, %shift_right_logical3A_265, %get3A_9 : vector<16xi1>, vector<16xi32>
      %ge3A_267 = arith.constant 0 : i32
      %ge3A_268 = vector.broadcast %ge3A_267 : i32 to vector<16xi32>
      %ge3A_269 = arith.cmpi sge, %get3A_226, %ge3A_268 : vector<16xi32>
      %shift_right_logical3A_270 = arith.constant 15 : i32
      %shift_right_logical3A_271 = vector.broadcast %shift_right_logical3A_270 : i32 to vector<16xi32>
      %shift_right_logical3A_272 = arith.shrui %get3A_226, %shift_right_logical3A_271 : vector<16xi32>
      %select_n3A_273 = arith.select %ge3A_269, %shift_right_logical3A_272, %get3A_9 : vector<16xi1>, vector<16xi32>
      %ge3A_274 = arith.constant 0 : i32
      %ge3A_275 = vector.broadcast %ge3A_274 : i32 to vector<16xi32>
      %ge3A_276 = arith.cmpi sge, %get3A_230, %ge3A_275 : vector<16xi32>
      %shift_right_logical3A_277 = arith.constant 15 : i32
      %shift_right_logical3A_278 = vector.broadcast %shift_right_logical3A_277 : i32 to vector<16xi32>
      %shift_right_logical3A_279 = arith.shrui %get3A_230, %shift_right_logical3A_278 : vector<16xi32>
      %select_n3A_280 = arith.select %ge3A_276, %shift_right_logical3A_279, %get3A_9 : vector<16xi1>, vector<16xi32>
      %ge3A_281 = arith.constant 0 : i32
      %ge3A_282 = vector.broadcast %ge3A_281 : i32 to vector<16xi32>
      %ge3A_283 = arith.cmpi sge, %get3A_234, %ge3A_282 : vector<16xi32>
      %shift_right_logical3A_284 = arith.constant 15 : i32
      %shift_right_logical3A_285 = vector.broadcast %shift_right_logical3A_284 : i32 to vector<16xi32>
      %shift_right_logical3A_286 = arith.shrui %get3A_234, %shift_right_logical3A_285 : vector<16xi32>
      %select_n3A_287 = arith.select %ge3A_283, %shift_right_logical3A_286, %get3A_9 : vector<16xi1>, vector<16xi32>
      tpu.vector_store_idx %arg7[%select_n3A], %broadcast_in_dim3A_3 {add = true} : memref<65536xf32, #tpu.memory_space<vmem>>[vector<16xi32>], vector<16xf32>,
      tpu.vector_store_idx %arg7[%select_n3A_245], %broadcast_in_dim3A_3 {add = true} : memref<65536xf32, #tpu.memory_space<vmem>>[vector<16xi32>], vector<16xf32>,
      tpu.vector_store_idx %arg7[%select_n3A_252], %broadcast_in_dim3A_3 {add = true} : memref<65536xf32, #tpu.memory_space<vmem>>[vector<16xi32>], vector<16xf32>,
      tpu.vector_store_idx %arg7[%select_n3A_259], %broadcast_in_dim3A_3 {add = true} : memref<65536xf32, #tpu.memory_space<vmem>>[vector<16xi32>], vector<16xf32>,
      tpu.vector_store_idx %arg7[%select_n3A_266], %broadcast_in_dim3A_3 {add = true} : memref<65536xf32, #tpu.memory_space<vmem>>[vector<16xi32>], vector<16xf32>,
      tpu.vector_store_idx %arg7[%select_n3A_273], %broadcast_in_dim3A_3 {add = true} : memref<65536xf32, #tpu.memory_space<vmem>>[vector<16xi32>], vector<16xf32>,
      tpu.vector_store_idx %arg7[%select_n3A_280], %broadcast_in_dim3A_3 {add = true} : memref<65536xf32, #tpu.memory_space<vmem>>[vector<16xi32>], vector<16xf32>,
      tpu.vector_store_idx %arg7[%select_n3A_287], %broadcast_in_dim3A_3 {add = true} : memref<65536xf32, #tpu.memory_space<vmem>>[vector<16xi32>], vector<16xf32>,
    }
    %scan3A_35 = arith.constant 64 : i32
    %add3A_36 = arith.constant 24576 : i32
    %add3A_37 = arith.addi %mul3A_11, %add3A_36 : i32
    %dma_start3A_38 = tpu.memref_slice %arg2[%add3A_37] : memref<4194304xi32, #tpu.memory_space<hbm>> -> memref<8192xi32, #tpu.memory_space<hbm>>
    %dma_start3A_39 = tpu.memref_slice %arg2[%add3A_37] : memref<4194304xi32, #tpu.memory_space<hbm>> -> memref<8192xi32, #tpu.memory_space<hbm>>
    tpu.enqueue_dma source(%dma_start3A_39 : memref<8192xi32, #tpu.memory_space<hbm>>) target(%arg6 : memref<8192xi32, #tpu.memory_space<vmem>>) target_semaphore(%arg10 : memref<!tpu.dma_semaphore, #tpu.memory_space<semaphore_mem>>)
    %dma_wait3A_40 = tpu.memref_slice %arg2[%add3A_25] : memref<4194304xi32, #tpu.memory_space<hbm>> -> memref<8192xi32, #tpu.memory_space<hbm>>
    %dma_wait3A_41 = tpu.memref_slice %arg2[%add3A_25] : memref<4194304xi32, #tpu.memory_space<hbm>> -> memref<8192xi32, #tpu.memory_space<hbm>>
    tpu.wait_dma2 semaphore(%arg9 : memref<!tpu.dma_semaphore, #tpu.memory_space<semaphore_mem>>) src(%dma_wait3A_41 : memref<8192xi32, #tpu.memory_space<hbm>>) dst(%arg5 : memref<8192xi32, #tpu.memory_space<vmem>>)
    %scan3A_42 = arith.constant 0 : i32
    %scan3A_43 = arith.constant 0 : i32
    %scan3A_44 = arith.constant 64 : i32
    %scan3A_45 = arith.addi %scan3A_43, %scan3A_44 : i32
    %scan3A_46 = arith.constant 1 : i32
    scf.for %scan3A_200 = %scan3A_43 to %scan3A_45 step %scan3A_46  : i32 {
      %mul3A_201 = arith.constant 128 : i32
      %mul3A_202 = arith.muli %scan3A_200, %mul3A_201 : i32
      %add3A_203 = arith.constant 0 : i32
      %add3A_204 = arith.addi %mul3A_202, %add3A_203 : i32
      %get3A_205 = arith.index_cast %add3A_204 : i32 to index
      %get3A_206 = tpu.vector_load %arg5[%get3A_205] {strides = array<i32>} : memref<8192xi32, #tpu.memory_space<vmem>>, vector<16xi32>,
      %add3A_207 = arith.constant 16 : i32
      %add3A_208 = arith.addi %mul3A_202, %add3A_207 : i32
      %get3A_209 = arith.index_cast %add3A_208 : i32 to index
      %get3A_210 = tpu.vector_load %arg5[%get3A_209] {strides = array<i32>} : memref<8192xi32, #tpu.memory_space<vmem>>, vector<16xi32>,
      %add3A_211 = arith.constant 32 : i32
      %add3A_212 = arith.addi %mul3A_202, %add3A_211 : i32
      %get3A_213 = arith.index_cast %add3A_212 : i32 to index
      %get3A_214 = tpu.vector_load %arg5[%get3A_213] {strides = array<i32>} : memref<8192xi32, #tpu.memory_space<vmem>>, vector<16xi32>,
      %add3A_215 = arith.constant 48 : i32
      %add3A_216 = arith.addi %mul3A_202, %add3A_215 : i32
      %get3A_217 = arith.index_cast %add3A_216 : i32 to index
      %get3A_218 = tpu.vector_load %arg5[%get3A_217] {strides = array<i32>} : memref<8192xi32, #tpu.memory_space<vmem>>, vector<16xi32>,
      %add3A_219 = arith.constant 64 : i32
      %add3A_220 = arith.addi %mul3A_202, %add3A_219 : i32
      %get3A_221 = arith.index_cast %add3A_220 : i32 to index
      %get3A_222 = tpu.vector_load %arg5[%get3A_221] {strides = array<i32>} : memref<8192xi32, #tpu.memory_space<vmem>>, vector<16xi32>,
      %add3A_223 = arith.constant 80 : i32
      %add3A_224 = arith.addi %mul3A_202, %add3A_223 : i32
      %get3A_225 = arith.index_cast %add3A_224 : i32 to index
      %get3A_226 = tpu.vector_load %arg5[%get3A_225] {strides = array<i32>} : memref<8192xi32, #tpu.memory_space<vmem>>, vector<16xi32>,
      %add3A_227 = arith.constant 96 : i32
      %add3A_228 = arith.addi %mul3A_202, %add3A_227 : i32
      %get3A_229 = arith.index_cast %add3A_228 : i32 to index
      %get3A_230 = tpu.vector_load %arg5[%get3A_229] {strides = array<i32>} : memref<8192xi32, #tpu.memory_space<vmem>>, vector<16xi32>,
      %add3A_231 = arith.constant 112 : i32
      %add3A_232 = arith.addi %mul3A_202, %add3A_231 : i32
      %get3A_233 = arith.index_cast %add3A_232 : i32 to index
      %get3A_234 = tpu.vector_load %arg5[%get3A_233] {strides = array<i32>} : memref<8192xi32, #tpu.memory_space<vmem>>, vector<16xi32>,
      %ge3A = arith.constant 0 : i32
      %ge3A_235 = vector.broadcast %ge3A : i32 to vector<16xi32>
      %ge3A_236 = arith.cmpi sge, %get3A_206, %ge3A_235 : vector<16xi32>
      %shift_right_logical3A = arith.constant 15 : i32
      %shift_right_logical3A_237 = vector.broadcast %shift_right_logical3A : i32 to vector<16xi32>
      %shift_right_logical3A_238 = arith.shrui %get3A_206, %shift_right_logical3A_237 : vector<16xi32>
      %select_n3A = arith.select %ge3A_236, %shift_right_logical3A_238, %get3A_9 : vector<16xi1>, vector<16xi32>
      %ge3A_239 = arith.constant 0 : i32
      %ge3A_240 = vector.broadcast %ge3A_239 : i32 to vector<16xi32>
      %ge3A_241 = arith.cmpi sge, %get3A_210, %ge3A_240 : vector<16xi32>
      %shift_right_logical3A_242 = arith.constant 15 : i32
      %shift_right_logical3A_243 = vector.broadcast %shift_right_logical3A_242 : i32 to vector<16xi32>
      %shift_right_logical3A_244 = arith.shrui %get3A_210, %shift_right_logical3A_243 : vector<16xi32>
      %select_n3A_245 = arith.select %ge3A_241, %shift_right_logical3A_244, %get3A_9 : vector<16xi1>, vector<16xi32>
      %ge3A_246 = arith.constant 0 : i32
      %ge3A_247 = vector.broadcast %ge3A_246 : i32 to vector<16xi32>
      %ge3A_248 = arith.cmpi sge, %get3A_214, %ge3A_247 : vector<16xi32>
      %shift_right_logical3A_249 = arith.constant 15 : i32
      %shift_right_logical3A_250 = vector.broadcast %shift_right_logical3A_249 : i32 to vector<16xi32>
      %shift_right_logical3A_251 = arith.shrui %get3A_214, %shift_right_logical3A_250 : vector<16xi32>
      %select_n3A_252 = arith.select %ge3A_248, %shift_right_logical3A_251, %get3A_9 : vector<16xi1>, vector<16xi32>
      %ge3A_253 = arith.constant 0 : i32
      %ge3A_254 = vector.broadcast %ge3A_253 : i32 to vector<16xi32>
      %ge3A_255 = arith.cmpi sge, %get3A_218, %ge3A_254 : vector<16xi32>
      %shift_right_logical3A_256 = arith.constant 15 : i32
      %shift_right_logical3A_257 = vector.broadcast %shift_right_logical3A_256 : i32 to vector<16xi32>
      %shift_right_logical3A_258 = arith.shrui %get3A_218, %shift_right_logical3A_257 : vector<16xi32>
      %select_n3A_259 = arith.select %ge3A_255, %shift_right_logical3A_258, %get3A_9 : vector<16xi1>, vector<16xi32>
      %ge3A_260 = arith.constant 0 : i32
      %ge3A_261 = vector.broadcast %ge3A_260 : i32 to vector<16xi32>
      %ge3A_262 = arith.cmpi sge, %get3A_222, %ge3A_261 : vector<16xi32>
      %shift_right_logical3A_263 = arith.constant 15 : i32
      %shift_right_logical3A_264 = vector.broadcast %shift_right_logical3A_263 : i32 to vector<16xi32>
      %shift_right_logical3A_265 = arith.shrui %get3A_222, %shift_right_logical3A_264 : vector<16xi32>
      %select_n3A_266 = arith.select %ge3A_262, %shift_right_logical3A_265, %get3A_9 : vector<16xi1>, vector<16xi32>
      %ge3A_267 = arith.constant 0 : i32
      %ge3A_268 = vector.broadcast %ge3A_267 : i32 to vector<16xi32>
      %ge3A_269 = arith.cmpi sge, %get3A_226, %ge3A_268 : vector<16xi32>
      %shift_right_logical3A_270 = arith.constant 15 : i32
      %shift_right_logical3A_271 = vector.broadcast %shift_right_logical3A_270 : i32 to vector<16xi32>
      %shift_right_logical3A_272 = arith.shrui %get3A_226, %shift_right_logical3A_271 : vector<16xi32>
      %select_n3A_273 = arith.select %ge3A_269, %shift_right_logical3A_272, %get3A_9 : vector<16xi1>, vector<16xi32>
      %ge3A_274 = arith.constant 0 : i32
      %ge3A_275 = vector.broadcast %ge3A_274 : i32 to vector<16xi32>
      %ge3A_276 = arith.cmpi sge, %get3A_230, %ge3A_275 : vector<16xi32>
      %shift_right_logical3A_277 = arith.constant 15 : i32
      %shift_right_logical3A_278 = vector.broadcast %shift_right_logical3A_277 : i32 to vector<16xi32>
      %shift_right_logical3A_279 = arith.shrui %get3A_230, %shift_right_logical3A_278 : vector<16xi32>
      %select_n3A_280 = arith.select %ge3A_276, %shift_right_logical3A_279, %get3A_9 : vector<16xi1>, vector<16xi32>
      %ge3A_281 = arith.constant 0 : i32
      %ge3A_282 = vector.broadcast %ge3A_281 : i32 to vector<16xi32>
      %ge3A_283 = arith.cmpi sge, %get3A_234, %ge3A_282 : vector<16xi32>
      %shift_right_logical3A_284 = arith.constant 15 : i32
      %shift_right_logical3A_285 = vector.broadcast %shift_right_logical3A_284 : i32 to vector<16xi32>
      %shift_right_logical3A_286 = arith.shrui %get3A_234, %shift_right_logical3A_285 : vector<16xi32>
      %select_n3A_287 = arith.select %ge3A_283, %shift_right_logical3A_286, %get3A_9 : vector<16xi1>, vector<16xi32>
      tpu.vector_store_idx %arg7[%select_n3A], %broadcast_in_dim3A_3 {add = true} : memref<65536xf32, #tpu.memory_space<vmem>>[vector<16xi32>], vector<16xf32>,
      tpu.vector_store_idx %arg7[%select_n3A_245], %broadcast_in_dim3A_3 {add = true} : memref<65536xf32, #tpu.memory_space<vmem>>[vector<16xi32>], vector<16xf32>,
      tpu.vector_store_idx %arg7[%select_n3A_252], %broadcast_in_dim3A_3 {add = true} : memref<65536xf32, #tpu.memory_space<vmem>>[vector<16xi32>], vector<16xf32>,
      tpu.vector_store_idx %arg7[%select_n3A_259], %broadcast_in_dim3A_3 {add = true} : memref<65536xf32, #tpu.memory_space<vmem>>[vector<16xi32>], vector<16xf32>,
      tpu.vector_store_idx %arg7[%select_n3A_266], %broadcast_in_dim3A_3 {add = true} : memref<65536xf32, #tpu.memory_space<vmem>>[vector<16xi32>], vector<16xf32>,
      tpu.vector_store_idx %arg7[%select_n3A_273], %broadcast_in_dim3A_3 {add = true} : memref<65536xf32, #tpu.memory_space<vmem>>[vector<16xi32>], vector<16xf32>,
      tpu.vector_store_idx %arg7[%select_n3A_280], %broadcast_in_dim3A_3 {add = true} : memref<65536xf32, #tpu.memory_space<vmem>>[vector<16xi32>], vector<16xf32>,
      tpu.vector_store_idx %arg7[%select_n3A_287], %broadcast_in_dim3A_3 {add = true} : memref<65536xf32, #tpu.memory_space<vmem>>[vector<16xi32>], vector<16xf32>,
    }
    %scan3A_47 = arith.constant 64 : i32
    %add3A_48 = arith.constant 32768 : i32
    %add3A_49 = arith.addi %mul3A_11, %add3A_48 : i32
    %dma_start3A_50 = tpu.memref_slice %arg2[%add3A_49] : memref<4194304xi32, #tpu.memory_space<hbm>> -> memref<8192xi32, #tpu.memory_space<hbm>>
    %dma_start3A_51 = tpu.memref_slice %arg2[%add3A_49] : memref<4194304xi32, #tpu.memory_space<hbm>> -> memref<8192xi32, #tpu.memory_space<hbm>>
    tpu.enqueue_dma source(%dma_start3A_51 : memref<8192xi32, #tpu.memory_space<hbm>>) target(%arg5 : memref<8192xi32, #tpu.memory_space<vmem>>) target_semaphore(%arg9 : memref<!tpu.dma_semaphore, #tpu.memory_space<semaphore_mem>>)
    %dma_wait3A_52 = tpu.memref_slice %arg2[%add3A_37] : memref<4194304xi32, #tpu.memory_space<hbm>> -> memref<8192xi32, #tpu.memory_space<hbm>>
    %dma_wait3A_53 = tpu.memref_slice %arg2[%add3A_37] : memref<4194304xi32, #tpu.memory_space<hbm>> -> memref<8192xi32, #tpu.memory_space<hbm>>
    tpu.wait_dma2 semaphore(%arg10 : memref<!tpu.dma_semaphore, #tpu.memory_space<semaphore_mem>>) src(%dma_wait3A_53 : memref<8192xi32, #tpu.memory_space<hbm>>) dst(%arg6 : memref<8192xi32, #tpu.memory_space<vmem>>)
    %scan3A_54 = arith.constant 0 : i32
    %scan3A_55 = arith.constant 0 : i32
    %scan3A_56 = arith.constant 64 : i32
    %scan3A_57 = arith.addi %scan3A_55, %scan3A_56 : i32
    %scan3A_58 = arith.constant 1 : i32
    scf.for %scan3A_200 = %scan3A_55 to %scan3A_57 step %scan3A_58  : i32 {
      %mul3A_201 = arith.constant 128 : i32
      %mul3A_202 = arith.muli %scan3A_200, %mul3A_201 : i32
      %add3A_203 = arith.constant 0 : i32
      %add3A_204 = arith.addi %mul3A_202, %add3A_203 : i32
      %get3A_205 = arith.index_cast %add3A_204 : i32 to index
      %get3A_206 = tpu.vector_load %arg6[%get3A_205] {strides = array<i32>} : memref<8192xi32, #tpu.memory_space<vmem>>, vector<16xi32>,
      %add3A_207 = arith.constant 16 : i32
      %add3A_208 = arith.addi %mul3A_202, %add3A_207 : i32
      %get3A_209 = arith.index_cast %add3A_208 : i32 to index
      %get3A_210 = tpu.vector_load %arg6[%get3A_209] {strides = array<i32>} : memref<8192xi32, #tpu.memory_space<vmem>>, vector<16xi32>,
      %add3A_211 = arith.constant 32 : i32
      %add3A_212 = arith.addi %mul3A_202, %add3A_211 : i32
      %get3A_213 = arith.index_cast %add3A_212 : i32 to index
      %get3A_214 = tpu.vector_load %arg6[%get3A_213] {strides = array<i32>} : memref<8192xi32, #tpu.memory_space<vmem>>, vector<16xi32>,
      %add3A_215 = arith.constant 48 : i32
      %add3A_216 = arith.addi %mul3A_202, %add3A_215 : i32
      %get3A_217 = arith.index_cast %add3A_216 : i32 to index
      %get3A_218 = tpu.vector_load %arg6[%get3A_217] {strides = array<i32>} : memref<8192xi32, #tpu.memory_space<vmem>>, vector<16xi32>,
      %add3A_219 = arith.constant 64 : i32
      %add3A_220 = arith.addi %mul3A_202, %add3A_219 : i32
      %get3A_221 = arith.index_cast %add3A_220 : i32 to index
      %get3A_222 = tpu.vector_load %arg6[%get3A_221] {strides = array<i32>} : memref<8192xi32, #tpu.memory_space<vmem>>, vector<16xi32>,
      %add3A_223 = arith.constant 80 : i32
      %add3A_224 = arith.addi %mul3A_202, %add3A_223 : i32
      %get3A_225 = arith.index_cast %add3A_224 : i32 to index
      %get3A_226 = tpu.vector_load %arg6[%get3A_225] {strides = array<i32>} : memref<8192xi32, #tpu.memory_space<vmem>>, vector<16xi32>,
      %add3A_227 = arith.constant 96 : i32
      %add3A_228 = arith.addi %mul3A_202, %add3A_227 : i32
      %get3A_229 = arith.index_cast %add3A_228 : i32 to index
      %get3A_230 = tpu.vector_load %arg6[%get3A_229] {strides = array<i32>} : memref<8192xi32, #tpu.memory_space<vmem>>, vector<16xi32>,
      %add3A_231 = arith.constant 112 : i32
      %add3A_232 = arith.addi %mul3A_202, %add3A_231 : i32
      %get3A_233 = arith.index_cast %add3A_232 : i32 to index
      %get3A_234 = tpu.vector_load %arg6[%get3A_233] {strides = array<i32>} : memref<8192xi32, #tpu.memory_space<vmem>>, vector<16xi32>,
      %ge3A = arith.constant 0 : i32
      %ge3A_235 = vector.broadcast %ge3A : i32 to vector<16xi32>
      %ge3A_236 = arith.cmpi sge, %get3A_206, %ge3A_235 : vector<16xi32>
      %shift_right_logical3A = arith.constant 15 : i32
      %shift_right_logical3A_237 = vector.broadcast %shift_right_logical3A : i32 to vector<16xi32>
      %shift_right_logical3A_238 = arith.shrui %get3A_206, %shift_right_logical3A_237 : vector<16xi32>
      %select_n3A = arith.select %ge3A_236, %shift_right_logical3A_238, %get3A_9 : vector<16xi1>, vector<16xi32>
      %ge3A_239 = arith.constant 0 : i32
      %ge3A_240 = vector.broadcast %ge3A_239 : i32 to vector<16xi32>
      %ge3A_241 = arith.cmpi sge, %get3A_210, %ge3A_240 : vector<16xi32>
      %shift_right_logical3A_242 = arith.constant 15 : i32
      %shift_right_logical3A_243 = vector.broadcast %shift_right_logical3A_242 : i32 to vector<16xi32>
      %shift_right_logical3A_244 = arith.shrui %get3A_210, %shift_right_logical3A_243 : vector<16xi32>
      %select_n3A_245 = arith.select %ge3A_241, %shift_right_logical3A_244, %get3A_9 : vector<16xi1>, vector<16xi32>
      %ge3A_246 = arith.constant 0 : i32
      %ge3A_247 = vector.broadcast %ge3A_246 : i32 to vector<16xi32>
      %ge3A_248 = arith.cmpi sge, %get3A_214, %ge3A_247 : vector<16xi32>
      %shift_right_logical3A_249 = arith.constant 15 : i32
      %shift_right_logical3A_250 = vector.broadcast %shift_right_logical3A_249 : i32 to vector<16xi32>
      %shift_right_logical3A_251 = arith.shrui %get3A_214, %shift_right_logical3A_250 : vector<16xi32>
      %select_n3A_252 = arith.select %ge3A_248, %shift_right_logical3A_251, %get3A_9 : vector<16xi1>, vector<16xi32>
      %ge3A_253 = arith.constant 0 : i32
      %ge3A_254 = vector.broadcast %ge3A_253 : i32 to vector<16xi32>
      %ge3A_255 = arith.cmpi sge, %get3A_218, %ge3A_254 : vector<16xi32>
      %shift_right_logical3A_256 = arith.constant 15 : i32
      %shift_right_logical3A_257 = vector.broadcast %shift_right_logical3A_256 : i32 to vector<16xi32>
      %shift_right_logical3A_258 = arith.shrui %get3A_218, %shift_right_logical3A_257 : vector<16xi32>
      %select_n3A_259 = arith.select %ge3A_255, %shift_right_logical3A_258, %get3A_9 : vector<16xi1>, vector<16xi32>
      %ge3A_260 = arith.constant 0 : i32
      %ge3A_261 = vector.broadcast %ge3A_260 : i32 to vector<16xi32>
      %ge3A_262 = arith.cmpi sge, %get3A_222, %ge3A_261 : vector<16xi32>
      %shift_right_logical3A_263 = arith.constant 15 : i32
      %shift_right_logical3A_264 = vector.broadcast %shift_right_logical3A_263 : i32 to vector<16xi32>
      %shift_right_logical3A_265 = arith.shrui %get3A_222, %shift_right_logical3A_264 : vector<16xi32>
      %select_n3A_266 = arith.select %ge3A_262, %shift_right_logical3A_265, %get3A_9 : vector<16xi1>, vector<16xi32>
      %ge3A_267 = arith.constant 0 : i32
      %ge3A_268 = vector.broadcast %ge3A_267 : i32 to vector<16xi32>
      %ge3A_269 = arith.cmpi sge, %get3A_226, %ge3A_268 : vector<16xi32>
      %shift_right_logical3A_270 = arith.constant 15 : i32
      %shift_right_logical3A_271 = vector.broadcast %shift_right_logical3A_270 : i32 to vector<16xi32>
      %shift_right_logical3A_272 = arith.shrui %get3A_226, %shift_right_logical3A_271 : vector<16xi32>
      %select_n3A_273 = arith.select %ge3A_269, %shift_right_logical3A_272, %get3A_9 : vector<16xi1>, vector<16xi32>
      %ge3A_274 = arith.constant 0 : i32
      %ge3A_275 = vector.broadcast %ge3A_274 : i32 to vector<16xi32>
      %ge3A_276 = arith.cmpi sge, %get3A_230, %ge3A_275 : vector<16xi32>
      %shift_right_logical3A_277 = arith.constant 15 : i32
      %shift_right_logical3A_278 = vector.broadcast %shift_right_logical3A_277 : i32 to vector<16xi32>
      %shift_right_logical3A_279 = arith.shrui %get3A_230, %shift_right_logical3A_278 : vector<16xi32>
      %select_n3A_280 = arith.select %ge3A_276, %shift_right_logical3A_279, %get3A_9 : vector<16xi1>, vector<16xi32>
      %ge3A_281 = arith.constant 0 : i32
      %ge3A_282 = vector.broadcast %ge3A_281 : i32 to vector<16xi32>
      %ge3A_283 = arith.cmpi sge, %get3A_234, %ge3A_282 : vector<16xi32>
      %shift_right_logical3A_284 = arith.constant 15 : i32
      %shift_right_logical3A_285 = vector.broadcast %shift_right_logical3A_284 : i32 to vector<16xi32>
      %shift_right_logical3A_286 = arith.shrui %get3A_234, %shift_right_logical3A_285 : vector<16xi32>
      %select_n3A_287 = arith.select %ge3A_283, %shift_right_logical3A_286, %get3A_9 : vector<16xi1>, vector<16xi32>
      tpu.vector_store_idx %arg7[%select_n3A], %broadcast_in_dim3A_3 {add = true} : memref<65536xf32, #tpu.memory_space<vmem>>[vector<16xi32>], vector<16xf32>,
      tpu.vector_store_idx %arg7[%select_n3A_245], %broadcast_in_dim3A_3 {add = true} : memref<65536xf32, #tpu.memory_space<vmem>>[vector<16xi32>], vector<16xf32>,
      tpu.vector_store_idx %arg7[%select_n3A_252], %broadcast_in_dim3A_3 {add = true} : memref<65536xf32, #tpu.memory_space<vmem>>[vector<16xi32>], vector<16xf32>,
      tpu.vector_store_idx %arg7[%select_n3A_259], %broadcast_in_dim3A_3 {add = true} : memref<65536xf32, #tpu.memory_space<vmem>>[vector<16xi32>], vector<16xf32>,
      tpu.vector_store_idx %arg7[%select_n3A_266], %broadcast_in_dim3A_3 {add = true} : memref<65536xf32, #tpu.memory_space<vmem>>[vector<16xi32>], vector<16xf32>,
      tpu.vector_store_idx %arg7[%select_n3A_273], %broadcast_in_dim3A_3 {add = true} : memref<65536xf32, #tpu.memory_space<vmem>>[vector<16xi32>], vector<16xf32>,
      tpu.vector_store_idx %arg7[%select_n3A_280], %broadcast_in_dim3A_3 {add = true} : memref<65536xf32, #tpu.memory_space<vmem>>[vector<16xi32>], vector<16xf32>,
      tpu.vector_store_idx %arg7[%select_n3A_287], %broadcast_in_dim3A_3 {add = true} : memref<65536xf32, #tpu.memory_space<vmem>>[vector<16xi32>], vector<16xf32>,
    }
    %scan3A_59 = arith.constant 64 : i32
    %add3A_60 = arith.constant 40960 : i32
    %add3A_61 = arith.addi %mul3A_11, %add3A_60 : i32
    %dma_start3A_62 = tpu.memref_slice %arg2[%add3A_61] : memref<4194304xi32, #tpu.memory_space<hbm>> -> memref<8192xi32, #tpu.memory_space<hbm>>
    %dma_start3A_63 = tpu.memref_slice %arg2[%add3A_61] : memref<4194304xi32, #tpu.memory_space<hbm>> -> memref<8192xi32, #tpu.memory_space<hbm>>
    tpu.enqueue_dma source(%dma_start3A_63 : memref<8192xi32, #tpu.memory_space<hbm>>) target(%arg6 : memref<8192xi32, #tpu.memory_space<vmem>>) target_semaphore(%arg10 : memref<!tpu.dma_semaphore, #tpu.memory_space<semaphore_mem>>)
    %dma_wait3A_64 = tpu.memref_slice %arg2[%add3A_49] : memref<4194304xi32, #tpu.memory_space<hbm>> -> memref<8192xi32, #tpu.memory_space<hbm>>
    %dma_wait3A_65 = tpu.memref_slice %arg2[%add3A_49] : memref<4194304xi32, #tpu.memory_space<hbm>> -> memref<8192xi32, #tpu.memory_space<hbm>>
    tpu.wait_dma2 semaphore(%arg9 : memref<!tpu.dma_semaphore, #tpu.memory_space<semaphore_mem>>) src(%dma_wait3A_65 : memref<8192xi32, #tpu.memory_space<hbm>>) dst(%arg5 : memref<8192xi32, #tpu.memory_space<vmem>>)
    %scan3A_66 = arith.constant 0 : i32
    %scan3A_67 = arith.constant 0 : i32
    %scan3A_68 = arith.constant 64 : i32
    %scan3A_69 = arith.addi %scan3A_67, %scan3A_68 : i32
    %scan3A_70 = arith.constant 1 : i32
    scf.for %scan3A_200 = %scan3A_67 to %scan3A_69 step %scan3A_70  : i32 {
      %mul3A_201 = arith.constant 128 : i32
      %mul3A_202 = arith.muli %scan3A_200, %mul3A_201 : i32
      %add3A_203 = arith.constant 0 : i32
      %add3A_204 = arith.addi %mul3A_202, %add3A_203 : i32
      %get3A_205 = arith.index_cast %add3A_204 : i32 to index
      %get3A_206 = tpu.vector_load %arg5[%get3A_205] {strides = array<i32>} : memref<8192xi32, #tpu.memory_space<vmem>>, vector<16xi32>,
      %add3A_207 = arith.constant 16 : i32
      %add3A_208 = arith.addi %mul3A_202, %add3A_207 : i32
      %get3A_209 = arith.index_cast %add3A_208 : i32 to index
      %get3A_210 = tpu.vector_load %arg5[%get3A_209] {strides = array<i32>} : memref<8192xi32, #tpu.memory_space<vmem>>, vector<16xi32>,
      %add3A_211 = arith.constant 32 : i32
      %add3A_212 = arith.addi %mul3A_202, %add3A_211 : i32
      %get3A_213 = arith.index_cast %add3A_212 : i32 to index
      %get3A_214 = tpu.vector_load %arg5[%get3A_213] {strides = array<i32>} : memref<8192xi32, #tpu.memory_space<vmem>>, vector<16xi32>,
      %add3A_215 = arith.constant 48 : i32
      %add3A_216 = arith.addi %mul3A_202, %add3A_215 : i32
      %get3A_217 = arith.index_cast %add3A_216 : i32 to index
      %get3A_218 = tpu.vector_load %arg5[%get3A_217] {strides = array<i32>} : memref<8192xi32, #tpu.memory_space<vmem>>, vector<16xi32>,
      %add3A_219 = arith.constant 64 : i32
      %add3A_220 = arith.addi %mul3A_202, %add3A_219 : i32
      %get3A_221 = arith.index_cast %add3A_220 : i32 to index
      %get3A_222 = tpu.vector_load %arg5[%get3A_221] {strides = array<i32>} : memref<8192xi32, #tpu.memory_space<vmem>>, vector<16xi32>,
      %add3A_223 = arith.constant 80 : i32
      %add3A_224 = arith.addi %mul3A_202, %add3A_223 : i32
      %get3A_225 = arith.index_cast %add3A_224 : i32 to index
      %get3A_226 = tpu.vector_load %arg5[%get3A_225] {strides = array<i32>} : memref<8192xi32, #tpu.memory_space<vmem>>, vector<16xi32>,
      %add3A_227 = arith.constant 96 : i32
      %add3A_228 = arith.addi %mul3A_202, %add3A_227 : i32
      %get3A_229 = arith.index_cast %add3A_228 : i32 to index
      %get3A_230 = tpu.vector_load %arg5[%get3A_229] {strides = array<i32>} : memref<8192xi32, #tpu.memory_space<vmem>>, vector<16xi32>,
      %add3A_231 = arith.constant 112 : i32
      %add3A_232 = arith.addi %mul3A_202, %add3A_231 : i32
      %get3A_233 = arith.index_cast %add3A_232 : i32 to index
      %get3A_234 = tpu.vector_load %arg5[%get3A_233] {strides = array<i32>} : memref<8192xi32, #tpu.memory_space<vmem>>, vector<16xi32>,
      %ge3A = arith.constant 0 : i32
      %ge3A_235 = vector.broadcast %ge3A : i32 to vector<16xi32>
      %ge3A_236 = arith.cmpi sge, %get3A_206, %ge3A_235 : vector<16xi32>
      %shift_right_logical3A = arith.constant 15 : i32
      %shift_right_logical3A_237 = vector.broadcast %shift_right_logical3A : i32 to vector<16xi32>
      %shift_right_logical3A_238 = arith.shrui %get3A_206, %shift_right_logical3A_237 : vector<16xi32>
      %select_n3A = arith.select %ge3A_236, %shift_right_logical3A_238, %get3A_9 : vector<16xi1>, vector<16xi32>
      %ge3A_239 = arith.constant 0 : i32
      %ge3A_240 = vector.broadcast %ge3A_239 : i32 to vector<16xi32>
      %ge3A_241 = arith.cmpi sge, %get3A_210, %ge3A_240 : vector<16xi32>
      %shift_right_logical3A_242 = arith.constant 15 : i32
      %shift_right_logical3A_243 = vector.broadcast %shift_right_logical3A_242 : i32 to vector<16xi32>
      %shift_right_logical3A_244 = arith.shrui %get3A_210, %shift_right_logical3A_243 : vector<16xi32>
      %select_n3A_245 = arith.select %ge3A_241, %shift_right_logical3A_244, %get3A_9 : vector<16xi1>, vector<16xi32>
      %ge3A_246 = arith.constant 0 : i32
      %ge3A_247 = vector.broadcast %ge3A_246 : i32 to vector<16xi32>
      %ge3A_248 = arith.cmpi sge, %get3A_214, %ge3A_247 : vector<16xi32>
      %shift_right_logical3A_249 = arith.constant 15 : i32
      %shift_right_logical3A_250 = vector.broadcast %shift_right_logical3A_249 : i32 to vector<16xi32>
      %shift_right_logical3A_251 = arith.shrui %get3A_214, %shift_right_logical3A_250 : vector<16xi32>
      %select_n3A_252 = arith.select %ge3A_248, %shift_right_logical3A_251, %get3A_9 : vector<16xi1>, vector<16xi32>
      %ge3A_253 = arith.constant 0 : i32
      %ge3A_254 = vector.broadcast %ge3A_253 : i32 to vector<16xi32>
      %ge3A_255 = arith.cmpi sge, %get3A_218, %ge3A_254 : vector<16xi32>
      %shift_right_logical3A_256 = arith.constant 15 : i32
      %shift_right_logical3A_257 = vector.broadcast %shift_right_logical3A_256 : i32 to vector<16xi32>
      %shift_right_logical3A_258 = arith.shrui %get3A_218, %shift_right_logical3A_257 : vector<16xi32>
      %select_n3A_259 = arith.select %ge3A_255, %shift_right_logical3A_258, %get3A_9 : vector<16xi1>, vector<16xi32>
      %ge3A_260 = arith.constant 0 : i32
      %ge3A_261 = vector.broadcast %ge3A_260 : i32 to vector<16xi32>
      %ge3A_262 = arith.cmpi sge, %get3A_222, %ge3A_261 : vector<16xi32>
      %shift_right_logical3A_263 = arith.constant 15 : i32
      %shift_right_logical3A_264 = vector.broadcast %shift_right_logical3A_263 : i32 to vector<16xi32>
      %shift_right_logical3A_265 = arith.shrui %get3A_222, %shift_right_logical3A_264 : vector<16xi32>
      %select_n3A_266 = arith.select %ge3A_262, %shift_right_logical3A_265, %get3A_9 : vector<16xi1>, vector<16xi32>
      %ge3A_267 = arith.constant 0 : i32
      %ge3A_268 = vector.broadcast %ge3A_267 : i32 to vector<16xi32>
      %ge3A_269 = arith.cmpi sge, %get3A_226, %ge3A_268 : vector<16xi32>
      %shift_right_logical3A_270 = arith.constant 15 : i32
      %shift_right_logical3A_271 = vector.broadcast %shift_right_logical3A_270 : i32 to vector<16xi32>
      %shift_right_logical3A_272 = arith.shrui %get3A_226, %shift_right_logical3A_271 : vector<16xi32>
      %select_n3A_273 = arith.select %ge3A_269, %shift_right_logical3A_272, %get3A_9 : vector<16xi1>, vector<16xi32>
      %ge3A_274 = arith.constant 0 : i32
      %ge3A_275 = vector.broadcast %ge3A_274 : i32 to vector<16xi32>
      %ge3A_276 = arith.cmpi sge, %get3A_230, %ge3A_275 : vector<16xi32>
      %shift_right_logical3A_277 = arith.constant 15 : i32
      %shift_right_logical3A_278 = vector.broadcast %shift_right_logical3A_277 : i32 to vector<16xi32>
      %shift_right_logical3A_279 = arith.shrui %get3A_230, %shift_right_logical3A_278 : vector<16xi32>
      %select_n3A_280 = arith.select %ge3A_276, %shift_right_logical3A_279, %get3A_9 : vector<16xi1>, vector<16xi32>
      %ge3A_281 = arith.constant 0 : i32
      %ge3A_282 = vector.broadcast %ge3A_281 : i32 to vector<16xi32>
      %ge3A_283 = arith.cmpi sge, %get3A_234, %ge3A_282 : vector<16xi32>
      %shift_right_logical3A_284 = arith.constant 15 : i32
      %shift_right_logical3A_285 = vector.broadcast %shift_right_logical3A_284 : i32 to vector<16xi32>
      %shift_right_logical3A_286 = arith.shrui %get3A_234, %shift_right_logical3A_285 : vector<16xi32>
      %select_n3A_287 = arith.select %ge3A_283, %shift_right_logical3A_286, %get3A_9 : vector<16xi1>, vector<16xi32>
      tpu.vector_store_idx %arg7[%select_n3A], %broadcast_in_dim3A_3 {add = true} : memref<65536xf32, #tpu.memory_space<vmem>>[vector<16xi32>], vector<16xf32>,
      tpu.vector_store_idx %arg7[%select_n3A_245], %broadcast_in_dim3A_3 {add = true} : memref<65536xf32, #tpu.memory_space<vmem>>[vector<16xi32>], vector<16xf32>,
      tpu.vector_store_idx %arg7[%select_n3A_252], %broadcast_in_dim3A_3 {add = true} : memref<65536xf32, #tpu.memory_space<vmem>>[vector<16xi32>], vector<16xf32>,
      tpu.vector_store_idx %arg7[%select_n3A_259], %broadcast_in_dim3A_3 {add = true} : memref<65536xf32, #tpu.memory_space<vmem>>[vector<16xi32>], vector<16xf32>,
      tpu.vector_store_idx %arg7[%select_n3A_266], %broadcast_in_dim3A_3 {add = true} : memref<65536xf32, #tpu.memory_space<vmem>>[vector<16xi32>], vector<16xf32>,
      tpu.vector_store_idx %arg7[%select_n3A_273], %broadcast_in_dim3A_3 {add = true} : memref<65536xf32, #tpu.memory_space<vmem>>[vector<16xi32>], vector<16xf32>,
      tpu.vector_store_idx %arg7[%select_n3A_280], %broadcast_in_dim3A_3 {add = true} : memref<65536xf32, #tpu.memory_space<vmem>>[vector<16xi32>], vector<16xf32>,
      tpu.vector_store_idx %arg7[%select_n3A_287], %broadcast_in_dim3A_3 {add = true} : memref<65536xf32, #tpu.memory_space<vmem>>[vector<16xi32>], vector<16xf32>,
    }
    %scan3A_71 = arith.constant 64 : i32
    %add3A_72 = arith.constant 49152 : i32
    %add3A_73 = arith.addi %mul3A_11, %add3A_72 : i32
    %dma_start3A_74 = tpu.memref_slice %arg2[%add3A_73] : memref<4194304xi32, #tpu.memory_space<hbm>> -> memref<8192xi32, #tpu.memory_space<hbm>>
    %dma_start3A_75 = tpu.memref_slice %arg2[%add3A_73] : memref<4194304xi32, #tpu.memory_space<hbm>> -> memref<8192xi32, #tpu.memory_space<hbm>>
    tpu.enqueue_dma source(%dma_start3A_75 : memref<8192xi32, #tpu.memory_space<hbm>>) target(%arg5 : memref<8192xi32, #tpu.memory_space<vmem>>) target_semaphore(%arg9 : memref<!tpu.dma_semaphore, #tpu.memory_space<semaphore_mem>>)
    %dma_wait3A_76 = tpu.memref_slice %arg2[%add3A_61] : memref<4194304xi32, #tpu.memory_space<hbm>> -> memref<8192xi32, #tpu.memory_space<hbm>>
    %dma_wait3A_77 = tpu.memref_slice %arg2[%add3A_61] : memref<4194304xi32, #tpu.memory_space<hbm>> -> memref<8192xi32, #tpu.memory_space<hbm>>
    tpu.wait_dma2 semaphore(%arg10 : memref<!tpu.dma_semaphore, #tpu.memory_space<semaphore_mem>>) src(%dma_wait3A_77 : memref<8192xi32, #tpu.memory_space<hbm>>) dst(%arg6 : memref<8192xi32, #tpu.memory_space<vmem>>)
    %scan3A_78 = arith.constant 0 : i32
    %scan3A_79 = arith.constant 0 : i32
    %scan3A_80 = arith.constant 64 : i32
    %scan3A_81 = arith.addi %scan3A_79, %scan3A_80 : i32
    %scan3A_82 = arith.constant 1 : i32
    scf.for %scan3A_200 = %scan3A_79 to %scan3A_81 step %scan3A_82  : i32 {
      %mul3A_201 = arith.constant 128 : i32
      %mul3A_202 = arith.muli %scan3A_200, %mul3A_201 : i32
      %add3A_203 = arith.constant 0 : i32
      %add3A_204 = arith.addi %mul3A_202, %add3A_203 : i32
      %get3A_205 = arith.index_cast %add3A_204 : i32 to index
      %get3A_206 = tpu.vector_load %arg6[%get3A_205] {strides = array<i32>} : memref<8192xi32, #tpu.memory_space<vmem>>, vector<16xi32>,
      %add3A_207 = arith.constant 16 : i32
      %add3A_208 = arith.addi %mul3A_202, %add3A_207 : i32
      %get3A_209 = arith.index_cast %add3A_208 : i32 to index
      %get3A_210 = tpu.vector_load %arg6[%get3A_209] {strides = array<i32>} : memref<8192xi32, #tpu.memory_space<vmem>>, vector<16xi32>,
      %add3A_211 = arith.constant 32 : i32
      %add3A_212 = arith.addi %mul3A_202, %add3A_211 : i32
      %get3A_213 = arith.index_cast %add3A_212 : i32 to index
      %get3A_214 = tpu.vector_load %arg6[%get3A_213] {strides = array<i32>} : memref<8192xi32, #tpu.memory_space<vmem>>, vector<16xi32>,
      %add3A_215 = arith.constant 48 : i32
      %add3A_216 = arith.addi %mul3A_202, %add3A_215 : i32
      %get3A_217 = arith.index_cast %add3A_216 : i32 to index
      %get3A_218 = tpu.vector_load %arg6[%get3A_217] {strides = array<i32>} : memref<8192xi32, #tpu.memory_space<vmem>>, vector<16xi32>,
      %add3A_219 = arith.constant 64 : i32
      %add3A_220 = arith.addi %mul3A_202, %add3A_219 : i32
      %get3A_221 = arith.index_cast %add3A_220 : i32 to index
      %get3A_222 = tpu.vector_load %arg6[%get3A_221] {strides = array<i32>} : memref<8192xi32, #tpu.memory_space<vmem>>, vector<16xi32>,
      %add3A_223 = arith.constant 80 : i32
      %add3A_224 = arith.addi %mul3A_202, %add3A_223 : i32
      %get3A_225 = arith.index_cast %add3A_224 : i32 to index
      %get3A_226 = tpu.vector_load %arg6[%get3A_225] {strides = array<i32>} : memref<8192xi32, #tpu.memory_space<vmem>>, vector<16xi32>,
      %add3A_227 = arith.constant 96 : i32
      %add3A_228 = arith.addi %mul3A_202, %add3A_227 : i32
      %get3A_229 = arith.index_cast %add3A_228 : i32 to index
      %get3A_230 = tpu.vector_load %arg6[%get3A_229] {strides = array<i32>} : memref<8192xi32, #tpu.memory_space<vmem>>, vector<16xi32>,
      %add3A_231 = arith.constant 112 : i32
      %add3A_232 = arith.addi %mul3A_202, %add3A_231 : i32
      %get3A_233 = arith.index_cast %add3A_232 : i32 to index
      %get3A_234 = tpu.vector_load %arg6[%get3A_233] {strides = array<i32>} : memref<8192xi32, #tpu.memory_space<vmem>>, vector<16xi32>,
      %ge3A = arith.constant 0 : i32
      %ge3A_235 = vector.broadcast %ge3A : i32 to vector<16xi32>
      %ge3A_236 = arith.cmpi sge, %get3A_206, %ge3A_235 : vector<16xi32>
      %shift_right_logical3A = arith.constant 15 : i32
      %shift_right_logical3A_237 = vector.broadcast %shift_right_logical3A : i32 to vector<16xi32>
      %shift_right_logical3A_238 = arith.shrui %get3A_206, %shift_right_logical3A_237 : vector<16xi32>
      %select_n3A = arith.select %ge3A_236, %shift_right_logical3A_238, %get3A_9 : vector<16xi1>, vector<16xi32>
      %ge3A_239 = arith.constant 0 : i32
      %ge3A_240 = vector.broadcast %ge3A_239 : i32 to vector<16xi32>
      %ge3A_241 = arith.cmpi sge, %get3A_210, %ge3A_240 : vector<16xi32>
      %shift_right_logical3A_242 = arith.constant 15 : i32
      %shift_right_logical3A_243 = vector.broadcast %shift_right_logical3A_242 : i32 to vector<16xi32>
      %shift_right_logical3A_244 = arith.shrui %get3A_210, %shift_right_logical3A_243 : vector<16xi32>
      %select_n3A_245 = arith.select %ge3A_241, %shift_right_logical3A_244, %get3A_9 : vector<16xi1>, vector<16xi32>
      %ge3A_246 = arith.constant 0 : i32
      %ge3A_247 = vector.broadcast %ge3A_246 : i32 to vector<16xi32>
      %ge3A_248 = arith.cmpi sge, %get3A_214, %ge3A_247 : vector<16xi32>
      %shift_right_logical3A_249 = arith.constant 15 : i32
      %shift_right_logical3A_250 = vector.broadcast %shift_right_logical3A_249 : i32 to vector<16xi32>
      %shift_right_logical3A_251 = arith.shrui %get3A_214, %shift_right_logical3A_250 : vector<16xi32>
      %select_n3A_252 = arith.select %ge3A_248, %shift_right_logical3A_251, %get3A_9 : vector<16xi1>, vector<16xi32>
      %ge3A_253 = arith.constant 0 : i32
      %ge3A_254 = vector.broadcast %ge3A_253 : i32 to vector<16xi32>
      %ge3A_255 = arith.cmpi sge, %get3A_218, %ge3A_254 : vector<16xi32>
      %shift_right_logical3A_256 = arith.constant 15 : i32
      %shift_right_logical3A_257 = vector.broadcast %shift_right_logical3A_256 : i32 to vector<16xi32>
      %shift_right_logical3A_258 = arith.shrui %get3A_218, %shift_right_logical3A_257 : vector<16xi32>
      %select_n3A_259 = arith.select %ge3A_255, %shift_right_logical3A_258, %get3A_9 : vector<16xi1>, vector<16xi32>
      %ge3A_260 = arith.constant 0 : i32
      %ge3A_261 = vector.broadcast %ge3A_260 : i32 to vector<16xi32>
      %ge3A_262 = arith.cmpi sge, %get3A_222, %ge3A_261 : vector<16xi32>
      %shift_right_logical3A_263 = arith.constant 15 : i32
      %shift_right_logical3A_264 = vector.broadcast %shift_right_logical3A_263 : i32 to vector<16xi32>
      %shift_right_logical3A_265 = arith.shrui %get3A_222, %shift_right_logical3A_264 : vector<16xi32>
      %select_n3A_266 = arith.select %ge3A_262, %shift_right_logical3A_265, %get3A_9 : vector<16xi1>, vector<16xi32>
      %ge3A_267 = arith.constant 0 : i32
      %ge3A_268 = vector.broadcast %ge3A_267 : i32 to vector<16xi32>
      %ge3A_269 = arith.cmpi sge, %get3A_226, %ge3A_268 : vector<16xi32>
      %shift_right_logical3A_270 = arith.constant 15 : i32
      %shift_right_logical3A_271 = vector.broadcast %shift_right_logical3A_270 : i32 to vector<16xi32>
      %shift_right_logical3A_272 = arith.shrui %get3A_226, %shift_right_logical3A_271 : vector<16xi32>
      %select_n3A_273 = arith.select %ge3A_269, %shift_right_logical3A_272, %get3A_9 : vector<16xi1>, vector<16xi32>
      %ge3A_274 = arith.constant 0 : i32
      %ge3A_275 = vector.broadcast %ge3A_274 : i32 to vector<16xi32>
      %ge3A_276 = arith.cmpi sge, %get3A_230, %ge3A_275 : vector<16xi32>
      %shift_right_logical3A_277 = arith.constant 15 : i32
      %shift_right_logical3A_278 = vector.broadcast %shift_right_logical3A_277 : i32 to vector<16xi32>
      %shift_right_logical3A_279 = arith.shrui %get3A_230, %shift_right_logical3A_278 : vector<16xi32>
      %select_n3A_280 = arith.select %ge3A_276, %shift_right_logical3A_279, %get3A_9 : vector<16xi1>, vector<16xi32>
      %ge3A_281 = arith.constant 0 : i32
      %ge3A_282 = vector.broadcast %ge3A_281 : i32 to vector<16xi32>
      %ge3A_283 = arith.cmpi sge, %get3A_234, %ge3A_282 : vector<16xi32>
      %shift_right_logical3A_284 = arith.constant 15 : i32
      %shift_right_logical3A_285 = vector.broadcast %shift_right_logical3A_284 : i32 to vector<16xi32>
      %shift_right_logical3A_286 = arith.shrui %get3A_234, %shift_right_logical3A_285 : vector<16xi32>
      %select_n3A_287 = arith.select %ge3A_283, %shift_right_logical3A_286, %get3A_9 : vector<16xi1>, vector<16xi32>
      tpu.vector_store_idx %arg7[%select_n3A], %broadcast_in_dim3A_3 {add = true} : memref<65536xf32, #tpu.memory_space<vmem>>[vector<16xi32>], vector<16xf32>,
      tpu.vector_store_idx %arg7[%select_n3A_245], %broadcast_in_dim3A_3 {add = true} : memref<65536xf32, #tpu.memory_space<vmem>>[vector<16xi32>], vector<16xf32>,
      tpu.vector_store_idx %arg7[%select_n3A_252], %broadcast_in_dim3A_3 {add = true} : memref<65536xf32, #tpu.memory_space<vmem>>[vector<16xi32>], vector<16xf32>,
      tpu.vector_store_idx %arg7[%select_n3A_259], %broadcast_in_dim3A_3 {add = true} : memref<65536xf32, #tpu.memory_space<vmem>>[vector<16xi32>], vector<16xf32>,
      tpu.vector_store_idx %arg7[%select_n3A_266], %broadcast_in_dim3A_3 {add = true} : memref<65536xf32, #tpu.memory_space<vmem>>[vector<16xi32>], vector<16xf32>,
      tpu.vector_store_idx %arg7[%select_n3A_273], %broadcast_in_dim3A_3 {add = true} : memref<65536xf32, #tpu.memory_space<vmem>>[vector<16xi32>], vector<16xf32>,
      tpu.vector_store_idx %arg7[%select_n3A_280], %broadcast_in_dim3A_3 {add = true} : memref<65536xf32, #tpu.memory_space<vmem>>[vector<16xi32>], vector<16xf32>,
      tpu.vector_store_idx %arg7[%select_n3A_287], %broadcast_in_dim3A_3 {add = true} : memref<65536xf32, #tpu.memory_space<vmem>>[vector<16xi32>], vector<16xf32>,
    }
    %scan3A_83 = arith.constant 64 : i32
    %add3A_84 = arith.constant 57344 : i32
    %add3A_85 = arith.addi %mul3A_11, %add3A_84 : i32
    %dma_start3A_86 = tpu.memref_slice %arg2[%add3A_85] : memref<4194304xi32, #tpu.memory_space<hbm>> -> memref<8192xi32, #tpu.memory_space<hbm>>
    %dma_start3A_87 = tpu.memref_slice %arg2[%add3A_85] : memref<4194304xi32, #tpu.memory_space<hbm>> -> memref<8192xi32, #tpu.memory_space<hbm>>
    tpu.enqueue_dma source(%dma_start3A_87 : memref<8192xi32, #tpu.memory_space<hbm>>) target(%arg6 : memref<8192xi32, #tpu.memory_space<vmem>>) target_semaphore(%arg10 : memref<!tpu.dma_semaphore, #tpu.memory_space<semaphore_mem>>)
    %dma_wait3A_88 = tpu.memref_slice %arg2[%add3A_73] : memref<4194304xi32, #tpu.memory_space<hbm>> -> memref<8192xi32, #tpu.memory_space<hbm>>
    %dma_wait3A_89 = tpu.memref_slice %arg2[%add3A_73] : memref<4194304xi32, #tpu.memory_space<hbm>> -> memref<8192xi32, #tpu.memory_space<hbm>>
    tpu.wait_dma2 semaphore(%arg9 : memref<!tpu.dma_semaphore, #tpu.memory_space<semaphore_mem>>) src(%dma_wait3A_89 : memref<8192xi32, #tpu.memory_space<hbm>>) dst(%arg5 : memref<8192xi32, #tpu.memory_space<vmem>>)
    %scan3A_90 = arith.constant 0 : i32
    %scan3A_91 = arith.constant 0 : i32
    %scan3A_92 = arith.constant 64 : i32
    %scan3A_93 = arith.addi %scan3A_91, %scan3A_92 : i32
    %scan3A_94 = arith.constant 1 : i32
    scf.for %scan3A_200 = %scan3A_91 to %scan3A_93 step %scan3A_94  : i32 {
      %mul3A_201 = arith.constant 128 : i32
      %mul3A_202 = arith.muli %scan3A_200, %mul3A_201 : i32
      %add3A_203 = arith.constant 0 : i32
      %add3A_204 = arith.addi %mul3A_202, %add3A_203 : i32
      %get3A_205 = arith.index_cast %add3A_204 : i32 to index
      %get3A_206 = tpu.vector_load %arg5[%get3A_205] {strides = array<i32>} : memref<8192xi32, #tpu.memory_space<vmem>>, vector<16xi32>,
      %add3A_207 = arith.constant 16 : i32
      %add3A_208 = arith.addi %mul3A_202, %add3A_207 : i32
      %get3A_209 = arith.index_cast %add3A_208 : i32 to index
      %get3A_210 = tpu.vector_load %arg5[%get3A_209] {strides = array<i32>} : memref<8192xi32, #tpu.memory_space<vmem>>, vector<16xi32>,
      %add3A_211 = arith.constant 32 : i32
      %add3A_212 = arith.addi %mul3A_202, %add3A_211 : i32
      %get3A_213 = arith.index_cast %add3A_212 : i32 to index
      %get3A_214 = tpu.vector_load %arg5[%get3A_213] {strides = array<i32>} : memref<8192xi32, #tpu.memory_space<vmem>>, vector<16xi32>,
      %add3A_215 = arith.constant 48 : i32
      %add3A_216 = arith.addi %mul3A_202, %add3A_215 : i32
      %get3A_217 = arith.index_cast %add3A_216 : i32 to index
      %get3A_218 = tpu.vector_load %arg5[%get3A_217] {strides = array<i32>} : memref<8192xi32, #tpu.memory_space<vmem>>, vector<16xi32>,
      %add3A_219 = arith.constant 64 : i32
      %add3A_220 = arith.addi %mul3A_202, %add3A_219 : i32
      %get3A_221 = arith.index_cast %add3A_220 : i32 to index
      %get3A_222 = tpu.vector_load %arg5[%get3A_221] {strides = array<i32>} : memref<8192xi32, #tpu.memory_space<vmem>>, vector<16xi32>,
      %add3A_223 = arith.constant 80 : i32
      %add3A_224 = arith.addi %mul3A_202, %add3A_223 : i32
      %get3A_225 = arith.index_cast %add3A_224 : i32 to index
      %get3A_226 = tpu.vector_load %arg5[%get3A_225] {strides = array<i32>} : memref<8192xi32, #tpu.memory_space<vmem>>, vector<16xi32>,
      %add3A_227 = arith.constant 96 : i32
      %add3A_228 = arith.addi %mul3A_202, %add3A_227 : i32
      %get3A_229 = arith.index_cast %add3A_228 : i32 to index
      %get3A_230 = tpu.vector_load %arg5[%get3A_229] {strides = array<i32>} : memref<8192xi32, #tpu.memory_space<vmem>>, vector<16xi32>,
      %add3A_231 = arith.constant 112 : i32
      %add3A_232 = arith.addi %mul3A_202, %add3A_231 : i32
      %get3A_233 = arith.index_cast %add3A_232 : i32 to index
      %get3A_234 = tpu.vector_load %arg5[%get3A_233] {strides = array<i32>} : memref<8192xi32, #tpu.memory_space<vmem>>, vector<16xi32>,
      %ge3A = arith.constant 0 : i32
      %ge3A_235 = vector.broadcast %ge3A : i32 to vector<16xi32>
      %ge3A_236 = arith.cmpi sge, %get3A_206, %ge3A_235 : vector<16xi32>
      %shift_right_logical3A = arith.constant 15 : i32
      %shift_right_logical3A_237 = vector.broadcast %shift_right_logical3A : i32 to vector<16xi32>
      %shift_right_logical3A_238 = arith.shrui %get3A_206, %shift_right_logical3A_237 : vector<16xi32>
      %select_n3A = arith.select %ge3A_236, %shift_right_logical3A_238, %get3A_9 : vector<16xi1>, vector<16xi32>
      %ge3A_239 = arith.constant 0 : i32
      %ge3A_240 = vector.broadcast %ge3A_239 : i32 to vector<16xi32>
      %ge3A_241 = arith.cmpi sge, %get3A_210, %ge3A_240 : vector<16xi32>
      %shift_right_logical3A_242 = arith.constant 15 : i32
      %shift_right_logical3A_243 = vector.broadcast %shift_right_logical3A_242 : i32 to vector<16xi32>
      %shift_right_logical3A_244 = arith.shrui %get3A_210, %shift_right_logical3A_243 : vector<16xi32>
      %select_n3A_245 = arith.select %ge3A_241, %shift_right_logical3A_244, %get3A_9 : vector<16xi1>, vector<16xi32>
      %ge3A_246 = arith.constant 0 : i32
      %ge3A_247 = vector.broadcast %ge3A_246 : i32 to vector<16xi32>
      %ge3A_248 = arith.cmpi sge, %get3A_214, %ge3A_247 : vector<16xi32>
      %shift_right_logical3A_249 = arith.constant 15 : i32
      %shift_right_logical3A_250 = vector.broadcast %shift_right_logical3A_249 : i32 to vector<16xi32>
      %shift_right_logical3A_251 = arith.shrui %get3A_214, %shift_right_logical3A_250 : vector<16xi32>
      %select_n3A_252 = arith.select %ge3A_248, %shift_right_logical3A_251, %get3A_9 : vector<16xi1>, vector<16xi32>
      %ge3A_253 = arith.constant 0 : i32
      %ge3A_254 = vector.broadcast %ge3A_253 : i32 to vector<16xi32>
      %ge3A_255 = arith.cmpi sge, %get3A_218, %ge3A_254 : vector<16xi32>
      %shift_right_logical3A_256 = arith.constant 15 : i32
      %shift_right_logical3A_257 = vector.broadcast %shift_right_logical3A_256 : i32 to vector<16xi32>
      %shift_right_logical3A_258 = arith.shrui %get3A_218, %shift_right_logical3A_257 : vector<16xi32>
      %select_n3A_259 = arith.select %ge3A_255, %shift_right_logical3A_258, %get3A_9 : vector<16xi1>, vector<16xi32>
      %ge3A_260 = arith.constant 0 : i32
      %ge3A_261 = vector.broadcast %ge3A_260 : i32 to vector<16xi32>
      %ge3A_262 = arith.cmpi sge, %get3A_222, %ge3A_261 : vector<16xi32>
      %shift_right_logical3A_263 = arith.constant 15 : i32
      %shift_right_logical3A_264 = vector.broadcast %shift_right_logical3A_263 : i32 to vector<16xi32>
      %shift_right_logical3A_265 = arith.shrui %get3A_222, %shift_right_logical3A_264 : vector<16xi32>
      %select_n3A_266 = arith.select %ge3A_262, %shift_right_logical3A_265, %get3A_9 : vector<16xi1>, vector<16xi32>
      %ge3A_267 = arith.constant 0 : i32
      %ge3A_268 = vector.broadcast %ge3A_267 : i32 to vector<16xi32>
      %ge3A_269 = arith.cmpi sge, %get3A_226, %ge3A_268 : vector<16xi32>
      %shift_right_logical3A_270 = arith.constant 15 : i32
      %shift_right_logical3A_271 = vector.broadcast %shift_right_logical3A_270 : i32 to vector<16xi32>
      %shift_right_logical3A_272 = arith.shrui %get3A_226, %shift_right_logical3A_271 : vector<16xi32>
      %select_n3A_273 = arith.select %ge3A_269, %shift_right_logical3A_272, %get3A_9 : vector<16xi1>, vector<16xi32>
      %ge3A_274 = arith.constant 0 : i32
      %ge3A_275 = vector.broadcast %ge3A_274 : i32 to vector<16xi32>
      %ge3A_276 = arith.cmpi sge, %get3A_230, %ge3A_275 : vector<16xi32>
      %shift_right_logical3A_277 = arith.constant 15 : i32
      %shift_right_logical3A_278 = vector.broadcast %shift_right_logical3A_277 : i32 to vector<16xi32>
      %shift_right_logical3A_279 = arith.shrui %get3A_230, %shift_right_logical3A_278 : vector<16xi32>
      %select_n3A_280 = arith.select %ge3A_276, %shift_right_logical3A_279, %get3A_9 : vector<16xi1>, vector<16xi32>
      %ge3A_281 = arith.constant 0 : i32
      %ge3A_282 = vector.broadcast %ge3A_281 : i32 to vector<16xi32>
      %ge3A_283 = arith.cmpi sge, %get3A_234, %ge3A_282 : vector<16xi32>
      %shift_right_logical3A_284 = arith.constant 15 : i32
      %shift_right_logical3A_285 = vector.broadcast %shift_right_logical3A_284 : i32 to vector<16xi32>
      %shift_right_logical3A_286 = arith.shrui %get3A_234, %shift_right_logical3A_285 : vector<16xi32>
      %select_n3A_287 = arith.select %ge3A_283, %shift_right_logical3A_286, %get3A_9 : vector<16xi1>, vector<16xi32>
      tpu.vector_store_idx %arg7[%select_n3A], %broadcast_in_dim3A_3 {add = true} : memref<65536xf32, #tpu.memory_space<vmem>>[vector<16xi32>], vector<16xf32>,
      tpu.vector_store_idx %arg7[%select_n3A_245], %broadcast_in_dim3A_3 {add = true} : memref<65536xf32, #tpu.memory_space<vmem>>[vector<16xi32>], vector<16xf32>,
      tpu.vector_store_idx %arg7[%select_n3A_252], %broadcast_in_dim3A_3 {add = true} : memref<65536xf32, #tpu.memory_space<vmem>>[vector<16xi32>], vector<16xf32>,
      tpu.vector_store_idx %arg7[%select_n3A_259], %broadcast_in_dim3A_3 {add = true} : memref<65536xf32, #tpu.memory_space<vmem>>[vector<16xi32>], vector<16xf32>,
      tpu.vector_store_idx %arg7[%select_n3A_266], %broadcast_in_dim3A_3 {add = true} : memref<65536xf32, #tpu.memory_space<vmem>>[vector<16xi32>], vector<16xf32>,
      tpu.vector_store_idx %arg7[%select_n3A_273], %broadcast_in_dim3A_3 {add = true} : memref<65536xf32, #tpu.memory_space<vmem>>[vector<16xi32>], vector<16xf32>,
      tpu.vector_store_idx %arg7[%select_n3A_280], %broadcast_in_dim3A_3 {add = true} : memref<65536xf32, #tpu.memory_space<vmem>>[vector<16xi32>], vector<16xf32>,
      tpu.vector_store_idx %arg7[%select_n3A_287], %broadcast_in_dim3A_3 {add = true} : memref<65536xf32, #tpu.memory_space<vmem>>[vector<16xi32>], vector<16xf32>,
    }
    %scan3A_95 = arith.constant 64 : i32
    %add3A_96 = arith.constant 65536 : i32
    %add3A_97 = arith.addi %mul3A_11, %add3A_96 : i32
    %dma_start3A_98 = tpu.memref_slice %arg2[%add3A_97] : memref<4194304xi32, #tpu.memory_space<hbm>> -> memref<8192xi32, #tpu.memory_space<hbm>>
    %dma_start3A_99 = tpu.memref_slice %arg2[%add3A_97] : memref<4194304xi32, #tpu.memory_space<hbm>> -> memref<8192xi32, #tpu.memory_space<hbm>>
    tpu.enqueue_dma source(%dma_start3A_99 : memref<8192xi32, #tpu.memory_space<hbm>>) target(%arg5 : memref<8192xi32, #tpu.memory_space<vmem>>) target_semaphore(%arg9 : memref<!tpu.dma_semaphore, #tpu.memory_space<semaphore_mem>>)
    %dma_wait3A_100 = tpu.memref_slice %arg2[%add3A_85] : memref<4194304xi32, #tpu.memory_space<hbm>> -> memref<8192xi32, #tpu.memory_space<hbm>>
    %dma_wait3A_101 = tpu.memref_slice %arg2[%add3A_85] : memref<4194304xi32, #tpu.memory_space<hbm>> -> memref<8192xi32, #tpu.memory_space<hbm>>
    tpu.wait_dma2 semaphore(%arg10 : memref<!tpu.dma_semaphore, #tpu.memory_space<semaphore_mem>>) src(%dma_wait3A_101 : memref<8192xi32, #tpu.memory_space<hbm>>) dst(%arg6 : memref<8192xi32, #tpu.memory_space<vmem>>)
    %scan3A_102 = arith.constant 0 : i32
    %scan3A_103 = arith.constant 0 : i32
    %scan3A_104 = arith.constant 64 : i32
    %scan3A_105 = arith.addi %scan3A_103, %scan3A_104 : i32
    %scan3A_106 = arith.constant 1 : i32
    scf.for %scan3A_200 = %scan3A_103 to %scan3A_105 step %scan3A_106  : i32 {
      %mul3A_201 = arith.constant 128 : i32
      %mul3A_202 = arith.muli %scan3A_200, %mul3A_201 : i32
      %add3A_203 = arith.constant 0 : i32
      %add3A_204 = arith.addi %mul3A_202, %add3A_203 : i32
      %get3A_205 = arith.index_cast %add3A_204 : i32 to index
      %get3A_206 = tpu.vector_load %arg6[%get3A_205] {strides = array<i32>} : memref<8192xi32, #tpu.memory_space<vmem>>, vector<16xi32>,
      %add3A_207 = arith.constant 16 : i32
      %add3A_208 = arith.addi %mul3A_202, %add3A_207 : i32
      %get3A_209 = arith.index_cast %add3A_208 : i32 to index
      %get3A_210 = tpu.vector_load %arg6[%get3A_209] {strides = array<i32>} : memref<8192xi32, #tpu.memory_space<vmem>>, vector<16xi32>,
      %add3A_211 = arith.constant 32 : i32
      %add3A_212 = arith.addi %mul3A_202, %add3A_211 : i32
      %get3A_213 = arith.index_cast %add3A_212 : i32 to index
      %get3A_214 = tpu.vector_load %arg6[%get3A_213] {strides = array<i32>} : memref<8192xi32, #tpu.memory_space<vmem>>, vector<16xi32>,
      %add3A_215 = arith.constant 48 : i32
      %add3A_216 = arith.addi %mul3A_202, %add3A_215 : i32
      %get3A_217 = arith.index_cast %add3A_216 : i32 to index
      %get3A_218 = tpu.vector_load %arg6[%get3A_217] {strides = array<i32>} : memref<8192xi32, #tpu.memory_space<vmem>>, vector<16xi32>,
      %add3A_219 = arith.constant 64 : i32
      %add3A_220 = arith.addi %mul3A_202, %add3A_219 : i32
      %get3A_221 = arith.index_cast %add3A_220 : i32 to index
      %get3A_222 = tpu.vector_load %arg6[%get3A_221] {strides = array<i32>} : memref<8192xi32, #tpu.memory_space<vmem>>, vector<16xi32>,
      %add3A_223 = arith.constant 80 : i32
      %add3A_224 = arith.addi %mul3A_202, %add3A_223 : i32
      %get3A_225 = arith.index_cast %add3A_224 : i32 to index
      %get3A_226 = tpu.vector_load %arg6[%get3A_225] {strides = array<i32>} : memref<8192xi32, #tpu.memory_space<vmem>>, vector<16xi32>,
      %add3A_227 = arith.constant 96 : i32
      %add3A_228 = arith.addi %mul3A_202, %add3A_227 : i32
      %get3A_229 = arith.index_cast %add3A_228 : i32 to index
      %get3A_230 = tpu.vector_load %arg6[%get3A_229] {strides = array<i32>} : memref<8192xi32, #tpu.memory_space<vmem>>, vector<16xi32>,
      %add3A_231 = arith.constant 112 : i32
      %add3A_232 = arith.addi %mul3A_202, %add3A_231 : i32
      %get3A_233 = arith.index_cast %add3A_232 : i32 to index
      %get3A_234 = tpu.vector_load %arg6[%get3A_233] {strides = array<i32>} : memref<8192xi32, #tpu.memory_space<vmem>>, vector<16xi32>,
      %ge3A = arith.constant 0 : i32
      %ge3A_235 = vector.broadcast %ge3A : i32 to vector<16xi32>
      %ge3A_236 = arith.cmpi sge, %get3A_206, %ge3A_235 : vector<16xi32>
      %shift_right_logical3A = arith.constant 15 : i32
      %shift_right_logical3A_237 = vector.broadcast %shift_right_logical3A : i32 to vector<16xi32>
      %shift_right_logical3A_238 = arith.shrui %get3A_206, %shift_right_logical3A_237 : vector<16xi32>
      %select_n3A = arith.select %ge3A_236, %shift_right_logical3A_238, %get3A_9 : vector<16xi1>, vector<16xi32>
      %ge3A_239 = arith.constant 0 : i32
      %ge3A_240 = vector.broadcast %ge3A_239 : i32 to vector<16xi32>
      %ge3A_241 = arith.cmpi sge, %get3A_210, %ge3A_240 : vector<16xi32>
      %shift_right_logical3A_242 = arith.constant 15 : i32
      %shift_right_logical3A_243 = vector.broadcast %shift_right_logical3A_242 : i32 to vector<16xi32>
      %shift_right_logical3A_244 = arith.shrui %get3A_210, %shift_right_logical3A_243 : vector<16xi32>
      %select_n3A_245 = arith.select %ge3A_241, %shift_right_logical3A_244, %get3A_9 : vector<16xi1>, vector<16xi32>
      %ge3A_246 = arith.constant 0 : i32
      %ge3A_247 = vector.broadcast %ge3A_246 : i32 to vector<16xi32>
      %ge3A_248 = arith.cmpi sge, %get3A_214, %ge3A_247 : vector<16xi32>
      %shift_right_logical3A_249 = arith.constant 15 : i32
      %shift_right_logical3A_250 = vector.broadcast %shift_right_logical3A_249 : i32 to vector<16xi32>
      %shift_right_logical3A_251 = arith.shrui %get3A_214, %shift_right_logical3A_250 : vector<16xi32>
      %select_n3A_252 = arith.select %ge3A_248, %shift_right_logical3A_251, %get3A_9 : vector<16xi1>, vector<16xi32>
      %ge3A_253 = arith.constant 0 : i32
      %ge3A_254 = vector.broadcast %ge3A_253 : i32 to vector<16xi32>
      %ge3A_255 = arith.cmpi sge, %get3A_218, %ge3A_254 : vector<16xi32>
      %shift_right_logical3A_256 = arith.constant 15 : i32
      %shift_right_logical3A_257 = vector.broadcast %shift_right_logical3A_256 : i32 to vector<16xi32>
      %shift_right_logical3A_258 = arith.shrui %get3A_218, %shift_right_logical3A_257 : vector<16xi32>
      %select_n3A_259 = arith.select %ge3A_255, %shift_right_logical3A_258, %get3A_9 : vector<16xi1>, vector<16xi32>
      %ge3A_260 = arith.constant 0 : i32
      %ge3A_261 = vector.broadcast %ge3A_260 : i32 to vector<16xi32>
      %ge3A_262 = arith.cmpi sge, %get3A_222, %ge3A_261 : vector<16xi32>
      %shift_right_logical3A_263 = arith.constant 15 : i32
      %shift_right_logical3A_264 = vector.broadcast %shift_right_logical3A_263 : i32 to vector<16xi32>
      %shift_right_logical3A_265 = arith.shrui %get3A_222, %shift_right_logical3A_264 : vector<16xi32>
      %select_n3A_266 = arith.select %ge3A_262, %shift_right_logical3A_265, %get3A_9 : vector<16xi1>, vector<16xi32>
      %ge3A_267 = arith.constant 0 : i32
      %ge3A_268 = vector.broadcast %ge3A_267 : i32 to vector<16xi32>
      %ge3A_269 = arith.cmpi sge, %get3A_226, %ge3A_268 : vector<16xi32>
      %shift_right_logical3A_270 = arith.constant 15 : i32
      %shift_right_logical3A_271 = vector.broadcast %shift_right_logical3A_270 : i32 to vector<16xi32>
      %shift_right_logical3A_272 = arith.shrui %get3A_226, %shift_right_logical3A_271 : vector<16xi32>
      %select_n3A_273 = arith.select %ge3A_269, %shift_right_logical3A_272, %get3A_9 : vector<16xi1>, vector<16xi32>
      %ge3A_274 = arith.constant 0 : i32
      %ge3A_275 = vector.broadcast %ge3A_274 : i32 to vector<16xi32>
      %ge3A_276 = arith.cmpi sge, %get3A_230, %ge3A_275 : vector<16xi32>
      %shift_right_logical3A_277 = arith.constant 15 : i32
      %shift_right_logical3A_278 = vector.broadcast %shift_right_logical3A_277 : i32 to vector<16xi32>
      %shift_right_logical3A_279 = arith.shrui %get3A_230, %shift_right_logical3A_278 : vector<16xi32>
      %select_n3A_280 = arith.select %ge3A_276, %shift_right_logical3A_279, %get3A_9 : vector<16xi1>, vector<16xi32>
      %ge3A_281 = arith.constant 0 : i32
      %ge3A_282 = vector.broadcast %ge3A_281 : i32 to vector<16xi32>
      %ge3A_283 = arith.cmpi sge, %get3A_234, %ge3A_282 : vector<16xi32>
      %shift_right_logical3A_284 = arith.constant 15 : i32
      %shift_right_logical3A_285 = vector.broadcast %shift_right_logical3A_284 : i32 to vector<16xi32>
      %shift_right_logical3A_286 = arith.shrui %get3A_234, %shift_right_logical3A_285 : vector<16xi32>
      %select_n3A_287 = arith.select %ge3A_283, %shift_right_logical3A_286, %get3A_9 : vector<16xi1>, vector<16xi32>
      tpu.vector_store_idx %arg7[%select_n3A], %broadcast_in_dim3A_3 {add = true} : memref<65536xf32, #tpu.memory_space<vmem>>[vector<16xi32>], vector<16xf32>,
      tpu.vector_store_idx %arg7[%select_n3A_245], %broadcast_in_dim3A_3 {add = true} : memref<65536xf32, #tpu.memory_space<vmem>>[vector<16xi32>], vector<16xf32>,
      tpu.vector_store_idx %arg7[%select_n3A_252], %broadcast_in_dim3A_3 {add = true} : memref<65536xf32, #tpu.memory_space<vmem>>[vector<16xi32>], vector<16xf32>,
      tpu.vector_store_idx %arg7[%select_n3A_259], %broadcast_in_dim3A_3 {add = true} : memref<65536xf32, #tpu.memory_space<vmem>>[vector<16xi32>], vector<16xf32>,
      tpu.vector_store_idx %arg7[%select_n3A_266], %broadcast_in_dim3A_3 {add = true} : memref<65536xf32, #tpu.memory_space<vmem>>[vector<16xi32>], vector<16xf32>,
      tpu.vector_store_idx %arg7[%select_n3A_273], %broadcast_in_dim3A_3 {add = true} : memref<65536xf32, #tpu.memory_space<vmem>>[vector<16xi32>], vector<16xf32>,
      tpu.vector_store_idx %arg7[%select_n3A_280], %broadcast_in_dim3A_3 {add = true} : memref<65536xf32, #tpu.memory_space<vmem>>[vector<16xi32>], vector<16xf32>,
      tpu.vector_store_idx %arg7[%select_n3A_287], %broadcast_in_dim3A_3 {add = true} : memref<65536xf32, #tpu.memory_space<vmem>>[vector<16xi32>], vector<16xf32>,
    }
    %scan3A_107 = arith.constant 64 : i32
    %add3A_108 = arith.constant 73728 : i32
    %add3A_109 = arith.addi %mul3A_11, %add3A_108 : i32
    %dma_start3A_110 = tpu.memref_slice %arg2[%add3A_109] : memref<4194304xi32, #tpu.memory_space<hbm>> -> memref<8192xi32, #tpu.memory_space<hbm>>
    %dma_start3A_111 = tpu.memref_slice %arg2[%add3A_109] : memref<4194304xi32, #tpu.memory_space<hbm>> -> memref<8192xi32, #tpu.memory_space<hbm>>
    tpu.enqueue_dma source(%dma_start3A_111 : memref<8192xi32, #tpu.memory_space<hbm>>) target(%arg6 : memref<8192xi32, #tpu.memory_space<vmem>>) target_semaphore(%arg10 : memref<!tpu.dma_semaphore, #tpu.memory_space<semaphore_mem>>)
    %dma_wait3A_112 = tpu.memref_slice %arg2[%add3A_97] : memref<4194304xi32, #tpu.memory_space<hbm>> -> memref<8192xi32, #tpu.memory_space<hbm>>
    %dma_wait3A_113 = tpu.memref_slice %arg2[%add3A_97] : memref<4194304xi32, #tpu.memory_space<hbm>> -> memref<8192xi32, #tpu.memory_space<hbm>>
    tpu.wait_dma2 semaphore(%arg9 : memref<!tpu.dma_semaphore, #tpu.memory_space<semaphore_mem>>) src(%dma_wait3A_113 : memref<8192xi32, #tpu.memory_space<hbm>>) dst(%arg5 : memref<8192xi32, #tpu.memory_space<vmem>>)
    %scan3A_114 = arith.constant 0 : i32
    %scan3A_115 = arith.constant 0 : i32
    %scan3A_116 = arith.constant 64 : i32
    %scan3A_117 = arith.addi %scan3A_115, %scan3A_116 : i32
    %scan3A_118 = arith.constant 1 : i32
    scf.for %scan3A_200 = %scan3A_115 to %scan3A_117 step %scan3A_118  : i32 {
      %mul3A_201 = arith.constant 128 : i32
      %mul3A_202 = arith.muli %scan3A_200, %mul3A_201 : i32
      %add3A_203 = arith.constant 0 : i32
      %add3A_204 = arith.addi %mul3A_202, %add3A_203 : i32
      %get3A_205 = arith.index_cast %add3A_204 : i32 to index
      %get3A_206 = tpu.vector_load %arg5[%get3A_205] {strides = array<i32>} : memref<8192xi32, #tpu.memory_space<vmem>>, vector<16xi32>,
      %add3A_207 = arith.constant 16 : i32
      %add3A_208 = arith.addi %mul3A_202, %add3A_207 : i32
      %get3A_209 = arith.index_cast %add3A_208 : i32 to index
      %get3A_210 = tpu.vector_load %arg5[%get3A_209] {strides = array<i32>} : memref<8192xi32, #tpu.memory_space<vmem>>, vector<16xi32>,
      %add3A_211 = arith.constant 32 : i32
      %add3A_212 = arith.addi %mul3A_202, %add3A_211 : i32
      %get3A_213 = arith.index_cast %add3A_212 : i32 to index
      %get3A_214 = tpu.vector_load %arg5[%get3A_213] {strides = array<i32>} : memref<8192xi32, #tpu.memory_space<vmem>>, vector<16xi32>,
      %add3A_215 = arith.constant 48 : i32
      %add3A_216 = arith.addi %mul3A_202, %add3A_215 : i32
      %get3A_217 = arith.index_cast %add3A_216 : i32 to index
      %get3A_218 = tpu.vector_load %arg5[%get3A_217] {strides = array<i32>} : memref<8192xi32, #tpu.memory_space<vmem>>, vector<16xi32>,
      %add3A_219 = arith.constant 64 : i32
      %add3A_220 = arith.addi %mul3A_202, %add3A_219 : i32
      %get3A_221 = arith.index_cast %add3A_220 : i32 to index
      %get3A_222 = tpu.vector_load %arg5[%get3A_221] {strides = array<i32>} : memref<8192xi32, #tpu.memory_space<vmem>>, vector<16xi32>,
      %add3A_223 = arith.constant 80 : i32
      %add3A_224 = arith.addi %mul3A_202, %add3A_223 : i32
      %get3A_225 = arith.index_cast %add3A_224 : i32 to index
      %get3A_226 = tpu.vector_load %arg5[%get3A_225] {strides = array<i32>} : memref<8192xi32, #tpu.memory_space<vmem>>, vector<16xi32>,
      %add3A_227 = arith.constant 96 : i32
      %add3A_228 = arith.addi %mul3A_202, %add3A_227 : i32
      %get3A_229 = arith.index_cast %add3A_228 : i32 to index
      %get3A_230 = tpu.vector_load %arg5[%get3A_229] {strides = array<i32>} : memref<8192xi32, #tpu.memory_space<vmem>>, vector<16xi32>,
      %add3A_231 = arith.constant 112 : i32
      %add3A_232 = arith.addi %mul3A_202, %add3A_231 : i32
      %get3A_233 = arith.index_cast %add3A_232 : i32 to index
      %get3A_234 = tpu.vector_load %arg5[%get3A_233] {strides = array<i32>} : memref<8192xi32, #tpu.memory_space<vmem>>, vector<16xi32>,
      %ge3A = arith.constant 0 : i32
      %ge3A_235 = vector.broadcast %ge3A : i32 to vector<16xi32>
      %ge3A_236 = arith.cmpi sge, %get3A_206, %ge3A_235 : vector<16xi32>
      %shift_right_logical3A = arith.constant 15 : i32
      %shift_right_logical3A_237 = vector.broadcast %shift_right_logical3A : i32 to vector<16xi32>
      %shift_right_logical3A_238 = arith.shrui %get3A_206, %shift_right_logical3A_237 : vector<16xi32>
      %select_n3A = arith.select %ge3A_236, %shift_right_logical3A_238, %get3A_9 : vector<16xi1>, vector<16xi32>
      %ge3A_239 = arith.constant 0 : i32
      %ge3A_240 = vector.broadcast %ge3A_239 : i32 to vector<16xi32>
      %ge3A_241 = arith.cmpi sge, %get3A_210, %ge3A_240 : vector<16xi32>
      %shift_right_logical3A_242 = arith.constant 15 : i32
      %shift_right_logical3A_243 = vector.broadcast %shift_right_logical3A_242 : i32 to vector<16xi32>
      %shift_right_logical3A_244 = arith.shrui %get3A_210, %shift_right_logical3A_243 : vector<16xi32>
      %select_n3A_245 = arith.select %ge3A_241, %shift_right_logical3A_244, %get3A_9 : vector<16xi1>, vector<16xi32>
      %ge3A_246 = arith.constant 0 : i32
      %ge3A_247 = vector.broadcast %ge3A_246 : i32 to vector<16xi32>
      %ge3A_248 = arith.cmpi sge, %get3A_214, %ge3A_247 : vector<16xi32>
      %shift_right_logical3A_249 = arith.constant 15 : i32
      %shift_right_logical3A_250 = vector.broadcast %shift_right_logical3A_249 : i32 to vector<16xi32>
      %shift_right_logical3A_251 = arith.shrui %get3A_214, %shift_right_logical3A_250 : vector<16xi32>
      %select_n3A_252 = arith.select %ge3A_248, %shift_right_logical3A_251, %get3A_9 : vector<16xi1>, vector<16xi32>
      %ge3A_253 = arith.constant 0 : i32
      %ge3A_254 = vector.broadcast %ge3A_253 : i32 to vector<16xi32>
      %ge3A_255 = arith.cmpi sge, %get3A_218, %ge3A_254 : vector<16xi32>
      %shift_right_logical3A_256 = arith.constant 15 : i32
      %shift_right_logical3A_257 = vector.broadcast %shift_right_logical3A_256 : i32 to vector<16xi32>
      %shift_right_logical3A_258 = arith.shrui %get3A_218, %shift_right_logical3A_257 : vector<16xi32>
      %select_n3A_259 = arith.select %ge3A_255, %shift_right_logical3A_258, %get3A_9 : vector<16xi1>, vector<16xi32>
      %ge3A_260 = arith.constant 0 : i32
      %ge3A_261 = vector.broadcast %ge3A_260 : i32 to vector<16xi32>
      %ge3A_262 = arith.cmpi sge, %get3A_222, %ge3A_261 : vector<16xi32>
      %shift_right_logical3A_263 = arith.constant 15 : i32
      %shift_right_logical3A_264 = vector.broadcast %shift_right_logical3A_263 : i32 to vector<16xi32>
      %shift_right_logical3A_265 = arith.shrui %get3A_222, %shift_right_logical3A_264 : vector<16xi32>
      %select_n3A_266 = arith.select %ge3A_262, %shift_right_logical3A_265, %get3A_9 : vector<16xi1>, vector<16xi32>
      %ge3A_267 = arith.constant 0 : i32
      %ge3A_268 = vector.broadcast %ge3A_267 : i32 to vector<16xi32>
      %ge3A_269 = arith.cmpi sge, %get3A_226, %ge3A_268 : vector<16xi32>
      %shift_right_logical3A_270 = arith.constant 15 : i32
      %shift_right_logical3A_271 = vector.broadcast %shift_right_logical3A_270 : i32 to vector<16xi32>
      %shift_right_logical3A_272 = arith.shrui %get3A_226, %shift_right_logical3A_271 : vector<16xi32>
      %select_n3A_273 = arith.select %ge3A_269, %shift_right_logical3A_272, %get3A_9 : vector<16xi1>, vector<16xi32>
      %ge3A_274 = arith.constant 0 : i32
      %ge3A_275 = vector.broadcast %ge3A_274 : i32 to vector<16xi32>
      %ge3A_276 = arith.cmpi sge, %get3A_230, %ge3A_275 : vector<16xi32>
      %shift_right_logical3A_277 = arith.constant 15 : i32
      %shift_right_logical3A_278 = vector.broadcast %shift_right_logical3A_277 : i32 to vector<16xi32>
      %shift_right_logical3A_279 = arith.shrui %get3A_230, %shift_right_logical3A_278 : vector<16xi32>
      %select_n3A_280 = arith.select %ge3A_276, %shift_right_logical3A_279, %get3A_9 : vector<16xi1>, vector<16xi32>
      %ge3A_281 = arith.constant 0 : i32
      %ge3A_282 = vector.broadcast %ge3A_281 : i32 to vector<16xi32>
      %ge3A_283 = arith.cmpi sge, %get3A_234, %ge3A_282 : vector<16xi32>
      %shift_right_logical3A_284 = arith.constant 15 : i32
      %shift_right_logical3A_285 = vector.broadcast %shift_right_logical3A_284 : i32 to vector<16xi32>
      %shift_right_logical3A_286 = arith.shrui %get3A_234, %shift_right_logical3A_285 : vector<16xi32>
      %select_n3A_287 = arith.select %ge3A_283, %shift_right_logical3A_286, %get3A_9 : vector<16xi1>, vector<16xi32>
      tpu.vector_store_idx %arg7[%select_n3A], %broadcast_in_dim3A_3 {add = true} : memref<65536xf32, #tpu.memory_space<vmem>>[vector<16xi32>], vector<16xf32>,
      tpu.vector_store_idx %arg7[%select_n3A_245], %broadcast_in_dim3A_3 {add = true} : memref<65536xf32, #tpu.memory_space<vmem>>[vector<16xi32>], vector<16xf32>,
      tpu.vector_store_idx %arg7[%select_n3A_252], %broadcast_in_dim3A_3 {add = true} : memref<65536xf32, #tpu.memory_space<vmem>>[vector<16xi32>], vector<16xf32>,
      tpu.vector_store_idx %arg7[%select_n3A_259], %broadcast_in_dim3A_3 {add = true} : memref<65536xf32, #tpu.memory_space<vmem>>[vector<16xi32>], vector<16xf32>,
      tpu.vector_store_idx %arg7[%select_n3A_266], %broadcast_in_dim3A_3 {add = true} : memref<65536xf32, #tpu.memory_space<vmem>>[vector<16xi32>], vector<16xf32>,
      tpu.vector_store_idx %arg7[%select_n3A_273], %broadcast_in_dim3A_3 {add = true} : memref<65536xf32, #tpu.memory_space<vmem>>[vector<16xi32>], vector<16xf32>,
      tpu.vector_store_idx %arg7[%select_n3A_280], %broadcast_in_dim3A_3 {add = true} : memref<65536xf32, #tpu.memory_space<vmem>>[vector<16xi32>], vector<16xf32>,
      tpu.vector_store_idx %arg7[%select_n3A_287], %broadcast_in_dim3A_3 {add = true} : memref<65536xf32, #tpu.memory_space<vmem>>[vector<16xi32>], vector<16xf32>,
    }
    %scan3A_119 = arith.constant 64 : i32
    %add3A_120 = arith.constant 81920 : i32
    %add3A_121 = arith.addi %mul3A_11, %add3A_120 : i32
    %dma_start3A_122 = tpu.memref_slice %arg2[%add3A_121] : memref<4194304xi32, #tpu.memory_space<hbm>> -> memref<8192xi32, #tpu.memory_space<hbm>>
    %dma_start3A_123 = tpu.memref_slice %arg2[%add3A_121] : memref<4194304xi32, #tpu.memory_space<hbm>> -> memref<8192xi32, #tpu.memory_space<hbm>>
    tpu.enqueue_dma source(%dma_start3A_123 : memref<8192xi32, #tpu.memory_space<hbm>>) target(%arg5 : memref<8192xi32, #tpu.memory_space<vmem>>) target_semaphore(%arg9 : memref<!tpu.dma_semaphore, #tpu.memory_space<semaphore_mem>>)
    %dma_wait3A_124 = tpu.memref_slice %arg2[%add3A_109] : memref<4194304xi32, #tpu.memory_space<hbm>> -> memref<8192xi32, #tpu.memory_space<hbm>>
    %dma_wait3A_125 = tpu.memref_slice %arg2[%add3A_109] : memref<4194304xi32, #tpu.memory_space<hbm>> -> memref<8192xi32, #tpu.memory_space<hbm>>
    tpu.wait_dma2 semaphore(%arg10 : memref<!tpu.dma_semaphore, #tpu.memory_space<semaphore_mem>>) src(%dma_wait3A_125 : memref<8192xi32, #tpu.memory_space<hbm>>) dst(%arg6 : memref<8192xi32, #tpu.memory_space<vmem>>)
    %scan3A_126 = arith.constant 0 : i32
    %scan3A_127 = arith.constant 0 : i32
    %scan3A_128 = arith.constant 64 : i32
    %scan3A_129 = arith.addi %scan3A_127, %scan3A_128 : i32
    %scan3A_130 = arith.constant 1 : i32
    scf.for %scan3A_200 = %scan3A_127 to %scan3A_129 step %scan3A_130  : i32 {
      %mul3A_201 = arith.constant 128 : i32
      %mul3A_202 = arith.muli %scan3A_200, %mul3A_201 : i32
      %add3A_203 = arith.constant 0 : i32
      %add3A_204 = arith.addi %mul3A_202, %add3A_203 : i32
      %get3A_205 = arith.index_cast %add3A_204 : i32 to index
      %get3A_206 = tpu.vector_load %arg6[%get3A_205] {strides = array<i32>} : memref<8192xi32, #tpu.memory_space<vmem>>, vector<16xi32>,
      %add3A_207 = arith.constant 16 : i32
      %add3A_208 = arith.addi %mul3A_202, %add3A_207 : i32
      %get3A_209 = arith.index_cast %add3A_208 : i32 to index
      %get3A_210 = tpu.vector_load %arg6[%get3A_209] {strides = array<i32>} : memref<8192xi32, #tpu.memory_space<vmem>>, vector<16xi32>,
      %add3A_211 = arith.constant 32 : i32
      %add3A_212 = arith.addi %mul3A_202, %add3A_211 : i32
      %get3A_213 = arith.index_cast %add3A_212 : i32 to index
      %get3A_214 = tpu.vector_load %arg6[%get3A_213] {strides = array<i32>} : memref<8192xi32, #tpu.memory_space<vmem>>, vector<16xi32>,
      %add3A_215 = arith.constant 48 : i32
      %add3A_216 = arith.addi %mul3A_202, %add3A_215 : i32
      %get3A_217 = arith.index_cast %add3A_216 : i32 to index
      %get3A_218 = tpu.vector_load %arg6[%get3A_217] {strides = array<i32>} : memref<8192xi32, #tpu.memory_space<vmem>>, vector<16xi32>,
      %add3A_219 = arith.constant 64 : i32
      %add3A_220 = arith.addi %mul3A_202, %add3A_219 : i32
      %get3A_221 = arith.index_cast %add3A_220 : i32 to index
      %get3A_222 = tpu.vector_load %arg6[%get3A_221] {strides = array<i32>} : memref<8192xi32, #tpu.memory_space<vmem>>, vector<16xi32>,
      %add3A_223 = arith.constant 80 : i32
      %add3A_224 = arith.addi %mul3A_202, %add3A_223 : i32
      %get3A_225 = arith.index_cast %add3A_224 : i32 to index
      %get3A_226 = tpu.vector_load %arg6[%get3A_225] {strides = array<i32>} : memref<8192xi32, #tpu.memory_space<vmem>>, vector<16xi32>,
      %add3A_227 = arith.constant 96 : i32
      %add3A_228 = arith.addi %mul3A_202, %add3A_227 : i32
      %get3A_229 = arith.index_cast %add3A_228 : i32 to index
      %get3A_230 = tpu.vector_load %arg6[%get3A_229] {strides = array<i32>} : memref<8192xi32, #tpu.memory_space<vmem>>, vector<16xi32>,
      %add3A_231 = arith.constant 112 : i32
      %add3A_232 = arith.addi %mul3A_202, %add3A_231 : i32
      %get3A_233 = arith.index_cast %add3A_232 : i32 to index
      %get3A_234 = tpu.vector_load %arg6[%get3A_233] {strides = array<i32>} : memref<8192xi32, #tpu.memory_space<vmem>>, vector<16xi32>,
      %ge3A = arith.constant 0 : i32
      %ge3A_235 = vector.broadcast %ge3A : i32 to vector<16xi32>
      %ge3A_236 = arith.cmpi sge, %get3A_206, %ge3A_235 : vector<16xi32>
      %shift_right_logical3A = arith.constant 15 : i32
      %shift_right_logical3A_237 = vector.broadcast %shift_right_logical3A : i32 to vector<16xi32>
      %shift_right_logical3A_238 = arith.shrui %get3A_206, %shift_right_logical3A_237 : vector<16xi32>
      %select_n3A = arith.select %ge3A_236, %shift_right_logical3A_238, %get3A_9 : vector<16xi1>, vector<16xi32>
      %ge3A_239 = arith.constant 0 : i32
      %ge3A_240 = vector.broadcast %ge3A_239 : i32 to vector<16xi32>
      %ge3A_241 = arith.cmpi sge, %get3A_210, %ge3A_240 : vector<16xi32>
      %shift_right_logical3A_242 = arith.constant 15 : i32
      %shift_right_logical3A_243 = vector.broadcast %shift_right_logical3A_242 : i32 to vector<16xi32>
      %shift_right_logical3A_244 = arith.shrui %get3A_210, %shift_right_logical3A_243 : vector<16xi32>
      %select_n3A_245 = arith.select %ge3A_241, %shift_right_logical3A_244, %get3A_9 : vector<16xi1>, vector<16xi32>
      %ge3A_246 = arith.constant 0 : i32
      %ge3A_247 = vector.broadcast %ge3A_246 : i32 to vector<16xi32>
      %ge3A_248 = arith.cmpi sge, %get3A_214, %ge3A_247 : vector<16xi32>
      %shift_right_logical3A_249 = arith.constant 15 : i32
      %shift_right_logical3A_250 = vector.broadcast %shift_right_logical3A_249 : i32 to vector<16xi32>
      %shift_right_logical3A_251 = arith.shrui %get3A_214, %shift_right_logical3A_250 : vector<16xi32>
      %select_n3A_252 = arith.select %ge3A_248, %shift_right_logical3A_251, %get3A_9 : vector<16xi1>, vector<16xi32>
      %ge3A_253 = arith.constant 0 : i32
      %ge3A_254 = vector.broadcast %ge3A_253 : i32 to vector<16xi32>
      %ge3A_255 = arith.cmpi sge, %get3A_218, %ge3A_254 : vector<16xi32>
      %shift_right_logical3A_256 = arith.constant 15 : i32
      %shift_right_logical3A_257 = vector.broadcast %shift_right_logical3A_256 : i32 to vector<16xi32>
      %shift_right_logical3A_258 = arith.shrui %get3A_218, %shift_right_logical3A_257 : vector<16xi32>
      %select_n3A_259 = arith.select %ge3A_255, %shift_right_logical3A_258, %get3A_9 : vector<16xi1>, vector<16xi32>
      %ge3A_260 = arith.constant 0 : i32
      %ge3A_261 = vector.broadcast %ge3A_260 : i32 to vector<16xi32>
      %ge3A_262 = arith.cmpi sge, %get3A_222, %ge3A_261 : vector<16xi32>
      %shift_right_logical3A_263 = arith.constant 15 : i32
      %shift_right_logical3A_264 = vector.broadcast %shift_right_logical3A_263 : i32 to vector<16xi32>
      %shift_right_logical3A_265 = arith.shrui %get3A_222, %shift_right_logical3A_264 : vector<16xi32>
      %select_n3A_266 = arith.select %ge3A_262, %shift_right_logical3A_265, %get3A_9 : vector<16xi1>, vector<16xi32>
      %ge3A_267 = arith.constant 0 : i32
      %ge3A_268 = vector.broadcast %ge3A_267 : i32 to vector<16xi32>
      %ge3A_269 = arith.cmpi sge, %get3A_226, %ge3A_268 : vector<16xi32>
      %shift_right_logical3A_270 = arith.constant 15 : i32
      %shift_right_logical3A_271 = vector.broadcast %shift_right_logical3A_270 : i32 to vector<16xi32>
      %shift_right_logical3A_272 = arith.shrui %get3A_226, %shift_right_logical3A_271 : vector<16xi32>
      %select_n3A_273 = arith.select %ge3A_269, %shift_right_logical3A_272, %get3A_9 : vector<16xi1>, vector<16xi32>
      %ge3A_274 = arith.constant 0 : i32
      %ge3A_275 = vector.broadcast %ge3A_274 : i32 to vector<16xi32>
      %ge3A_276 = arith.cmpi sge, %get3A_230, %ge3A_275 : vector<16xi32>
      %shift_right_logical3A_277 = arith.constant 15 : i32
      %shift_right_logical3A_278 = vector.broadcast %shift_right_logical3A_277 : i32 to vector<16xi32>
      %shift_right_logical3A_279 = arith.shrui %get3A_230, %shift_right_logical3A_278 : vector<16xi32>
      %select_n3A_280 = arith.select %ge3A_276, %shift_right_logical3A_279, %get3A_9 : vector<16xi1>, vector<16xi32>
      %ge3A_281 = arith.constant 0 : i32
      %ge3A_282 = vector.broadcast %ge3A_281 : i32 to vector<16xi32>
      %ge3A_283 = arith.cmpi sge, %get3A_234, %ge3A_282 : vector<16xi32>
      %shift_right_logical3A_284 = arith.constant 15 : i32
      %shift_right_logical3A_285 = vector.broadcast %shift_right_logical3A_284 : i32 to vector<16xi32>
      %shift_right_logical3A_286 = arith.shrui %get3A_234, %shift_right_logical3A_285 : vector<16xi32>
      %select_n3A_287 = arith.select %ge3A_283, %shift_right_logical3A_286, %get3A_9 : vector<16xi1>, vector<16xi32>
      tpu.vector_store_idx %arg7[%select_n3A], %broadcast_in_dim3A_3 {add = true} : memref<65536xf32, #tpu.memory_space<vmem>>[vector<16xi32>], vector<16xf32>,
      tpu.vector_store_idx %arg7[%select_n3A_245], %broadcast_in_dim3A_3 {add = true} : memref<65536xf32, #tpu.memory_space<vmem>>[vector<16xi32>], vector<16xf32>,
      tpu.vector_store_idx %arg7[%select_n3A_252], %broadcast_in_dim3A_3 {add = true} : memref<65536xf32, #tpu.memory_space<vmem>>[vector<16xi32>], vector<16xf32>,
      tpu.vector_store_idx %arg7[%select_n3A_259], %broadcast_in_dim3A_3 {add = true} : memref<65536xf32, #tpu.memory_space<vmem>>[vector<16xi32>], vector<16xf32>,
      tpu.vector_store_idx %arg7[%select_n3A_266], %broadcast_in_dim3A_3 {add = true} : memref<65536xf32, #tpu.memory_space<vmem>>[vector<16xi32>], vector<16xf32>,
      tpu.vector_store_idx %arg7[%select_n3A_273], %broadcast_in_dim3A_3 {add = true} : memref<65536xf32, #tpu.memory_space<vmem>>[vector<16xi32>], vector<16xf32>,
      tpu.vector_store_idx %arg7[%select_n3A_280], %broadcast_in_dim3A_3 {add = true} : memref<65536xf32, #tpu.memory_space<vmem>>[vector<16xi32>], vector<16xf32>,
      tpu.vector_store_idx %arg7[%select_n3A_287], %broadcast_in_dim3A_3 {add = true} : memref<65536xf32, #tpu.memory_space<vmem>>[vector<16xi32>], vector<16xf32>,
    }
    %scan3A_131 = arith.constant 64 : i32
    %add3A_132 = arith.constant 90112 : i32
    %add3A_133 = arith.addi %mul3A_11, %add3A_132 : i32
    %dma_start3A_134 = tpu.memref_slice %arg2[%add3A_133] : memref<4194304xi32, #tpu.memory_space<hbm>> -> memref<8192xi32, #tpu.memory_space<hbm>>
    %dma_start3A_135 = tpu.memref_slice %arg2[%add3A_133] : memref<4194304xi32, #tpu.memory_space<hbm>> -> memref<8192xi32, #tpu.memory_space<hbm>>
    tpu.enqueue_dma source(%dma_start3A_135 : memref<8192xi32, #tpu.memory_space<hbm>>) target(%arg6 : memref<8192xi32, #tpu.memory_space<vmem>>) target_semaphore(%arg10 : memref<!tpu.dma_semaphore, #tpu.memory_space<semaphore_mem>>)
    %dma_wait3A_136 = tpu.memref_slice %arg2[%add3A_121] : memref<4194304xi32, #tpu.memory_space<hbm>> -> memref<8192xi32, #tpu.memory_space<hbm>>
    %dma_wait3A_137 = tpu.memref_slice %arg2[%add3A_121] : memref<4194304xi32, #tpu.memory_space<hbm>> -> memref<8192xi32, #tpu.memory_space<hbm>>
    tpu.wait_dma2 semaphore(%arg9 : memref<!tpu.dma_semaphore, #tpu.memory_space<semaphore_mem>>) src(%dma_wait3A_137 : memref<8192xi32, #tpu.memory_space<hbm>>) dst(%arg5 : memref<8192xi32, #tpu.memory_space<vmem>>)
    %scan3A_138 = arith.constant 0 : i32
    %scan3A_139 = arith.constant 0 : i32
    %scan3A_140 = arith.constant 64 : i32
    %scan3A_141 = arith.addi %scan3A_139, %scan3A_140 : i32
    %scan3A_142 = arith.constant 1 : i32
    scf.for %scan3A_200 = %scan3A_139 to %scan3A_141 step %scan3A_142  : i32 {
      %mul3A_201 = arith.constant 128 : i32
      %mul3A_202 = arith.muli %scan3A_200, %mul3A_201 : i32
      %add3A_203 = arith.constant 0 : i32
      %add3A_204 = arith.addi %mul3A_202, %add3A_203 : i32
      %get3A_205 = arith.index_cast %add3A_204 : i32 to index
      %get3A_206 = tpu.vector_load %arg5[%get3A_205] {strides = array<i32>} : memref<8192xi32, #tpu.memory_space<vmem>>, vector<16xi32>,
      %add3A_207 = arith.constant 16 : i32
      %add3A_208 = arith.addi %mul3A_202, %add3A_207 : i32
      %get3A_209 = arith.index_cast %add3A_208 : i32 to index
      %get3A_210 = tpu.vector_load %arg5[%get3A_209] {strides = array<i32>} : memref<8192xi32, #tpu.memory_space<vmem>>, vector<16xi32>,
      %add3A_211 = arith.constant 32 : i32
      %add3A_212 = arith.addi %mul3A_202, %add3A_211 : i32
      %get3A_213 = arith.index_cast %add3A_212 : i32 to index
      %get3A_214 = tpu.vector_load %arg5[%get3A_213] {strides = array<i32>} : memref<8192xi32, #tpu.memory_space<vmem>>, vector<16xi32>,
      %add3A_215 = arith.constant 48 : i32
      %add3A_216 = arith.addi %mul3A_202, %add3A_215 : i32
      %get3A_217 = arith.index_cast %add3A_216 : i32 to index
      %get3A_218 = tpu.vector_load %arg5[%get3A_217] {strides = array<i32>} : memref<8192xi32, #tpu.memory_space<vmem>>, vector<16xi32>,
      %add3A_219 = arith.constant 64 : i32
      %add3A_220 = arith.addi %mul3A_202, %add3A_219 : i32
      %get3A_221 = arith.index_cast %add3A_220 : i32 to index
      %get3A_222 = tpu.vector_load %arg5[%get3A_221] {strides = array<i32>} : memref<8192xi32, #tpu.memory_space<vmem>>, vector<16xi32>,
      %add3A_223 = arith.constant 80 : i32
      %add3A_224 = arith.addi %mul3A_202, %add3A_223 : i32
      %get3A_225 = arith.index_cast %add3A_224 : i32 to index
      %get3A_226 = tpu.vector_load %arg5[%get3A_225] {strides = array<i32>} : memref<8192xi32, #tpu.memory_space<vmem>>, vector<16xi32>,
      %add3A_227 = arith.constant 96 : i32
      %add3A_228 = arith.addi %mul3A_202, %add3A_227 : i32
      %get3A_229 = arith.index_cast %add3A_228 : i32 to index
      %get3A_230 = tpu.vector_load %arg5[%get3A_229] {strides = array<i32>} : memref<8192xi32, #tpu.memory_space<vmem>>, vector<16xi32>,
      %add3A_231 = arith.constant 112 : i32
      %add3A_232 = arith.addi %mul3A_202, %add3A_231 : i32
      %get3A_233 = arith.index_cast %add3A_232 : i32 to index
      %get3A_234 = tpu.vector_load %arg5[%get3A_233] {strides = array<i32>} : memref<8192xi32, #tpu.memory_space<vmem>>, vector<16xi32>,
      %ge3A = arith.constant 0 : i32
      %ge3A_235 = vector.broadcast %ge3A : i32 to vector<16xi32>
      %ge3A_236 = arith.cmpi sge, %get3A_206, %ge3A_235 : vector<16xi32>
      %shift_right_logical3A = arith.constant 15 : i32
      %shift_right_logical3A_237 = vector.broadcast %shift_right_logical3A : i32 to vector<16xi32>
      %shift_right_logical3A_238 = arith.shrui %get3A_206, %shift_right_logical3A_237 : vector<16xi32>
      %select_n3A = arith.select %ge3A_236, %shift_right_logical3A_238, %get3A_9 : vector<16xi1>, vector<16xi32>
      %ge3A_239 = arith.constant 0 : i32
      %ge3A_240 = vector.broadcast %ge3A_239 : i32 to vector<16xi32>
      %ge3A_241 = arith.cmpi sge, %get3A_210, %ge3A_240 : vector<16xi32>
      %shift_right_logical3A_242 = arith.constant 15 : i32
      %shift_right_logical3A_243 = vector.broadcast %shift_right_logical3A_242 : i32 to vector<16xi32>
      %shift_right_logical3A_244 = arith.shrui %get3A_210, %shift_right_logical3A_243 : vector<16xi32>
      %select_n3A_245 = arith.select %ge3A_241, %shift_right_logical3A_244, %get3A_9 : vector<16xi1>, vector<16xi32>
      %ge3A_246 = arith.constant 0 : i32
      %ge3A_247 = vector.broadcast %ge3A_246 : i32 to vector<16xi32>
      %ge3A_248 = arith.cmpi sge, %get3A_214, %ge3A_247 : vector<16xi32>
      %shift_right_logical3A_249 = arith.constant 15 : i32
      %shift_right_logical3A_250 = vector.broadcast %shift_right_logical3A_249 : i32 to vector<16xi32>
      %shift_right_logical3A_251 = arith.shrui %get3A_214, %shift_right_logical3A_250 : vector<16xi32>
      %select_n3A_252 = arith.select %ge3A_248, %shift_right_logical3A_251, %get3A_9 : vector<16xi1>, vector<16xi32>
      %ge3A_253 = arith.constant 0 : i32
      %ge3A_254 = vector.broadcast %ge3A_253 : i32 to vector<16xi32>
      %ge3A_255 = arith.cmpi sge, %get3A_218, %ge3A_254 : vector<16xi32>
      %shift_right_logical3A_256 = arith.constant 15 : i32
      %shift_right_logical3A_257 = vector.broadcast %shift_right_logical3A_256 : i32 to vector<16xi32>
      %shift_right_logical3A_258 = arith.shrui %get3A_218, %shift_right_logical3A_257 : vector<16xi32>
      %select_n3A_259 = arith.select %ge3A_255, %shift_right_logical3A_258, %get3A_9 : vector<16xi1>, vector<16xi32>
      %ge3A_260 = arith.constant 0 : i32
      %ge3A_261 = vector.broadcast %ge3A_260 : i32 to vector<16xi32>
      %ge3A_262 = arith.cmpi sge, %get3A_222, %ge3A_261 : vector<16xi32>
      %shift_right_logical3A_263 = arith.constant 15 : i32
      %shift_right_logical3A_264 = vector.broadcast %shift_right_logical3A_263 : i32 to vector<16xi32>
      %shift_right_logical3A_265 = arith.shrui %get3A_222, %shift_right_logical3A_264 : vector<16xi32>
      %select_n3A_266 = arith.select %ge3A_262, %shift_right_logical3A_265, %get3A_9 : vector<16xi1>, vector<16xi32>
      %ge3A_267 = arith.constant 0 : i32
      %ge3A_268 = vector.broadcast %ge3A_267 : i32 to vector<16xi32>
      %ge3A_269 = arith.cmpi sge, %get3A_226, %ge3A_268 : vector<16xi32>
      %shift_right_logical3A_270 = arith.constant 15 : i32
      %shift_right_logical3A_271 = vector.broadcast %shift_right_logical3A_270 : i32 to vector<16xi32>
      %shift_right_logical3A_272 = arith.shrui %get3A_226, %shift_right_logical3A_271 : vector<16xi32>
      %select_n3A_273 = arith.select %ge3A_269, %shift_right_logical3A_272, %get3A_9 : vector<16xi1>, vector<16xi32>
      %ge3A_274 = arith.constant 0 : i32
      %ge3A_275 = vector.broadcast %ge3A_274 : i32 to vector<16xi32>
      %ge3A_276 = arith.cmpi sge, %get3A_230, %ge3A_275 : vector<16xi32>
      %shift_right_logical3A_277 = arith.constant 15 : i32
      %shift_right_logical3A_278 = vector.broadcast %shift_right_logical3A_277 : i32 to vector<16xi32>
      %shift_right_logical3A_279 = arith.shrui %get3A_230, %shift_right_logical3A_278 : vector<16xi32>
      %select_n3A_280 = arith.select %ge3A_276, %shift_right_logical3A_279, %get3A_9 : vector<16xi1>, vector<16xi32>
      %ge3A_281 = arith.constant 0 : i32
      %ge3A_282 = vector.broadcast %ge3A_281 : i32 to vector<16xi32>
      %ge3A_283 = arith.cmpi sge, %get3A_234, %ge3A_282 : vector<16xi32>
      %shift_right_logical3A_284 = arith.constant 15 : i32
      %shift_right_logical3A_285 = vector.broadcast %shift_right_logical3A_284 : i32 to vector<16xi32>
      %shift_right_logical3A_286 = arith.shrui %get3A_234, %shift_right_logical3A_285 : vector<16xi32>
      %select_n3A_287 = arith.select %ge3A_283, %shift_right_logical3A_286, %get3A_9 : vector<16xi1>, vector<16xi32>
      tpu.vector_store_idx %arg7[%select_n3A], %broadcast_in_dim3A_3 {add = true} : memref<65536xf32, #tpu.memory_space<vmem>>[vector<16xi32>], vector<16xf32>,
      tpu.vector_store_idx %arg7[%select_n3A_245], %broadcast_in_dim3A_3 {add = true} : memref<65536xf32, #tpu.memory_space<vmem>>[vector<16xi32>], vector<16xf32>,
      tpu.vector_store_idx %arg7[%select_n3A_252], %broadcast_in_dim3A_3 {add = true} : memref<65536xf32, #tpu.memory_space<vmem>>[vector<16xi32>], vector<16xf32>,
      tpu.vector_store_idx %arg7[%select_n3A_259], %broadcast_in_dim3A_3 {add = true} : memref<65536xf32, #tpu.memory_space<vmem>>[vector<16xi32>], vector<16xf32>,
      tpu.vector_store_idx %arg7[%select_n3A_266], %broadcast_in_dim3A_3 {add = true} : memref<65536xf32, #tpu.memory_space<vmem>>[vector<16xi32>], vector<16xf32>,
      tpu.vector_store_idx %arg7[%select_n3A_273], %broadcast_in_dim3A_3 {add = true} : memref<65536xf32, #tpu.memory_space<vmem>>[vector<16xi32>], vector<16xf32>,
      tpu.vector_store_idx %arg7[%select_n3A_280], %broadcast_in_dim3A_3 {add = true} : memref<65536xf32, #tpu.memory_space<vmem>>[vector<16xi32>], vector<16xf32>,
      tpu.vector_store_idx %arg7[%select_n3A_287], %broadcast_in_dim3A_3 {add = true} : memref<65536xf32, #tpu.memory_space<vmem>>[vector<16xi32>], vector<16xf32>,
    }
    %scan3A_143 = arith.constant 64 : i32
    %add3A_144 = arith.constant 98304 : i32
    %add3A_145 = arith.addi %mul3A_11, %add3A_144 : i32
    %dma_start3A_146 = tpu.memref_slice %arg2[%add3A_145] : memref<4194304xi32, #tpu.memory_space<hbm>> -> memref<8192xi32, #tpu.memory_space<hbm>>
    %dma_start3A_147 = tpu.memref_slice %arg2[%add3A_145] : memref<4194304xi32, #tpu.memory_space<hbm>> -> memref<8192xi32, #tpu.memory_space<hbm>>
    tpu.enqueue_dma source(%dma_start3A_147 : memref<8192xi32, #tpu.memory_space<hbm>>) target(%arg5 : memref<8192xi32, #tpu.memory_space<vmem>>) target_semaphore(%arg9 : memref<!tpu.dma_semaphore, #tpu.memory_space<semaphore_mem>>)
    %dma_wait3A_148 = tpu.memref_slice %arg2[%add3A_133] : memref<4194304xi32, #tpu.memory_space<hbm>> -> memref<8192xi32, #tpu.memory_space<hbm>>
    %dma_wait3A_149 = tpu.memref_slice %arg2[%add3A_133] : memref<4194304xi32, #tpu.memory_space<hbm>> -> memref<8192xi32, #tpu.memory_space<hbm>>
    tpu.wait_dma2 semaphore(%arg10 : memref<!tpu.dma_semaphore, #tpu.memory_space<semaphore_mem>>) src(%dma_wait3A_149 : memref<8192xi32, #tpu.memory_space<hbm>>) dst(%arg6 : memref<8192xi32, #tpu.memory_space<vmem>>)
    %scan3A_150 = arith.constant 0 : i32
    %scan3A_151 = arith.constant 0 : i32
    %scan3A_152 = arith.constant 64 : i32
    %scan3A_153 = arith.addi %scan3A_151, %scan3A_152 : i32
    %scan3A_154 = arith.constant 1 : i32
    scf.for %scan3A_200 = %scan3A_151 to %scan3A_153 step %scan3A_154  : i32 {
      %mul3A_201 = arith.constant 128 : i32
      %mul3A_202 = arith.muli %scan3A_200, %mul3A_201 : i32
      %add3A_203 = arith.constant 0 : i32
      %add3A_204 = arith.addi %mul3A_202, %add3A_203 : i32
      %get3A_205 = arith.index_cast %add3A_204 : i32 to index
      %get3A_206 = tpu.vector_load %arg6[%get3A_205] {strides = array<i32>} : memref<8192xi32, #tpu.memory_space<vmem>>, vector<16xi32>,
      %add3A_207 = arith.constant 16 : i32
      %add3A_208 = arith.addi %mul3A_202, %add3A_207 : i32
      %get3A_209 = arith.index_cast %add3A_208 : i32 to index
      %get3A_210 = tpu.vector_load %arg6[%get3A_209] {strides = array<i32>} : memref<8192xi32, #tpu.memory_space<vmem>>, vector<16xi32>,
      %add3A_211 = arith.constant 32 : i32
      %add3A_212 = arith.addi %mul3A_202, %add3A_211 : i32
      %get3A_213 = arith.index_cast %add3A_212 : i32 to index
      %get3A_214 = tpu.vector_load %arg6[%get3A_213] {strides = array<i32>} : memref<8192xi32, #tpu.memory_space<vmem>>, vector<16xi32>,
      %add3A_215 = arith.constant 48 : i32
      %add3A_216 = arith.addi %mul3A_202, %add3A_215 : i32
      %get3A_217 = arith.index_cast %add3A_216 : i32 to index
      %get3A_218 = tpu.vector_load %arg6[%get3A_217] {strides = array<i32>} : memref<8192xi32, #tpu.memory_space<vmem>>, vector<16xi32>,
      %add3A_219 = arith.constant 64 : i32
      %add3A_220 = arith.addi %mul3A_202, %add3A_219 : i32
      %get3A_221 = arith.index_cast %add3A_220 : i32 to index
      %get3A_222 = tpu.vector_load %arg6[%get3A_221] {strides = array<i32>} : memref<8192xi32, #tpu.memory_space<vmem>>, vector<16xi32>,
      %add3A_223 = arith.constant 80 : i32
      %add3A_224 = arith.addi %mul3A_202, %add3A_223 : i32
      %get3A_225 = arith.index_cast %add3A_224 : i32 to index
      %get3A_226 = tpu.vector_load %arg6[%get3A_225] {strides = array<i32>} : memref<8192xi32, #tpu.memory_space<vmem>>, vector<16xi32>,
      %add3A_227 = arith.constant 96 : i32
      %add3A_228 = arith.addi %mul3A_202, %add3A_227 : i32
      %get3A_229 = arith.index_cast %add3A_228 : i32 to index
      %get3A_230 = tpu.vector_load %arg6[%get3A_229] {strides = array<i32>} : memref<8192xi32, #tpu.memory_space<vmem>>, vector<16xi32>,
      %add3A_231 = arith.constant 112 : i32
      %add3A_232 = arith.addi %mul3A_202, %add3A_231 : i32
      %get3A_233 = arith.index_cast %add3A_232 : i32 to index
      %get3A_234 = tpu.vector_load %arg6[%get3A_233] {strides = array<i32>} : memref<8192xi32, #tpu.memory_space<vmem>>, vector<16xi32>,
      %ge3A = arith.constant 0 : i32
      %ge3A_235 = vector.broadcast %ge3A : i32 to vector<16xi32>
      %ge3A_236 = arith.cmpi sge, %get3A_206, %ge3A_235 : vector<16xi32>
      %shift_right_logical3A = arith.constant 15 : i32
      %shift_right_logical3A_237 = vector.broadcast %shift_right_logical3A : i32 to vector<16xi32>
      %shift_right_logical3A_238 = arith.shrui %get3A_206, %shift_right_logical3A_237 : vector<16xi32>
      %select_n3A = arith.select %ge3A_236, %shift_right_logical3A_238, %get3A_9 : vector<16xi1>, vector<16xi32>
      %ge3A_239 = arith.constant 0 : i32
      %ge3A_240 = vector.broadcast %ge3A_239 : i32 to vector<16xi32>
      %ge3A_241 = arith.cmpi sge, %get3A_210, %ge3A_240 : vector<16xi32>
      %shift_right_logical3A_242 = arith.constant 15 : i32
      %shift_right_logical3A_243 = vector.broadcast %shift_right_logical3A_242 : i32 to vector<16xi32>
      %shift_right_logical3A_244 = arith.shrui %get3A_210, %shift_right_logical3A_243 : vector<16xi32>
      %select_n3A_245 = arith.select %ge3A_241, %shift_right_logical3A_244, %get3A_9 : vector<16xi1>, vector<16xi32>
      %ge3A_246 = arith.constant 0 : i32
      %ge3A_247 = vector.broadcast %ge3A_246 : i32 to vector<16xi32>
      %ge3A_248 = arith.cmpi sge, %get3A_214, %ge3A_247 : vector<16xi32>
      %shift_right_logical3A_249 = arith.constant 15 : i32
      %shift_right_logical3A_250 = vector.broadcast %shift_right_logical3A_249 : i32 to vector<16xi32>
      %shift_right_logical3A_251 = arith.shrui %get3A_214, %shift_right_logical3A_250 : vector<16xi32>
      %select_n3A_252 = arith.select %ge3A_248, %shift_right_logical3A_251, %get3A_9 : vector<16xi1>, vector<16xi32>
      %ge3A_253 = arith.constant 0 : i32
      %ge3A_254 = vector.broadcast %ge3A_253 : i32 to vector<16xi32>
      %ge3A_255 = arith.cmpi sge, %get3A_218, %ge3A_254 : vector<16xi32>
      %shift_right_logical3A_256 = arith.constant 15 : i32
      %shift_right_logical3A_257 = vector.broadcast %shift_right_logical3A_256 : i32 to vector<16xi32>
      %shift_right_logical3A_258 = arith.shrui %get3A_218, %shift_right_logical3A_257 : vector<16xi32>
      %select_n3A_259 = arith.select %ge3A_255, %shift_right_logical3A_258, %get3A_9 : vector<16xi1>, vector<16xi32>
      %ge3A_260 = arith.constant 0 : i32
      %ge3A_261 = vector.broadcast %ge3A_260 : i32 to vector<16xi32>
      %ge3A_262 = arith.cmpi sge, %get3A_222, %ge3A_261 : vector<16xi32>
      %shift_right_logical3A_263 = arith.constant 15 : i32
      %shift_right_logical3A_264 = vector.broadcast %shift_right_logical3A_263 : i32 to vector<16xi32>
      %shift_right_logical3A_265 = arith.shrui %get3A_222, %shift_right_logical3A_264 : vector<16xi32>
      %select_n3A_266 = arith.select %ge3A_262, %shift_right_logical3A_265, %get3A_9 : vector<16xi1>, vector<16xi32>
      %ge3A_267 = arith.constant 0 : i32
      %ge3A_268 = vector.broadcast %ge3A_267 : i32 to vector<16xi32>
      %ge3A_269 = arith.cmpi sge, %get3A_226, %ge3A_268 : vector<16xi32>
      %shift_right_logical3A_270 = arith.constant 15 : i32
      %shift_right_logical3A_271 = vector.broadcast %shift_right_logical3A_270 : i32 to vector<16xi32>
      %shift_right_logical3A_272 = arith.shrui %get3A_226, %shift_right_logical3A_271 : vector<16xi32>
      %select_n3A_273 = arith.select %ge3A_269, %shift_right_logical3A_272, %get3A_9 : vector<16xi1>, vector<16xi32>
      %ge3A_274 = arith.constant 0 : i32
      %ge3A_275 = vector.broadcast %ge3A_274 : i32 to vector<16xi32>
      %ge3A_276 = arith.cmpi sge, %get3A_230, %ge3A_275 : vector<16xi32>
      %shift_right_logical3A_277 = arith.constant 15 : i32
      %shift_right_logical3A_278 = vector.broadcast %shift_right_logical3A_277 : i32 to vector<16xi32>
      %shift_right_logical3A_279 = arith.shrui %get3A_230, %shift_right_logical3A_278 : vector<16xi32>
      %select_n3A_280 = arith.select %ge3A_276, %shift_right_logical3A_279, %get3A_9 : vector<16xi1>, vector<16xi32>
      %ge3A_281 = arith.constant 0 : i32
      %ge3A_282 = vector.broadcast %ge3A_281 : i32 to vector<16xi32>
      %ge3A_283 = arith.cmpi sge, %get3A_234, %ge3A_282 : vector<16xi32>
      %shift_right_logical3A_284 = arith.constant 15 : i32
      %shift_right_logical3A_285 = vector.broadcast %shift_right_logical3A_284 : i32 to vector<16xi32>
      %shift_right_logical3A_286 = arith.shrui %get3A_234, %shift_right_logical3A_285 : vector<16xi32>
      %select_n3A_287 = arith.select %ge3A_283, %shift_right_logical3A_286, %get3A_9 : vector<16xi1>, vector<16xi32>
      tpu.vector_store_idx %arg7[%select_n3A], %broadcast_in_dim3A_3 {add = true} : memref<65536xf32, #tpu.memory_space<vmem>>[vector<16xi32>], vector<16xf32>,
      tpu.vector_store_idx %arg7[%select_n3A_245], %broadcast_in_dim3A_3 {add = true} : memref<65536xf32, #tpu.memory_space<vmem>>[vector<16xi32>], vector<16xf32>,
      tpu.vector_store_idx %arg7[%select_n3A_252], %broadcast_in_dim3A_3 {add = true} : memref<65536xf32, #tpu.memory_space<vmem>>[vector<16xi32>], vector<16xf32>,
      tpu.vector_store_idx %arg7[%select_n3A_259], %broadcast_in_dim3A_3 {add = true} : memref<65536xf32, #tpu.memory_space<vmem>>[vector<16xi32>], vector<16xf32>,
      tpu.vector_store_idx %arg7[%select_n3A_266], %broadcast_in_dim3A_3 {add = true} : memref<65536xf32, #tpu.memory_space<vmem>>[vector<16xi32>], vector<16xf32>,
      tpu.vector_store_idx %arg7[%select_n3A_273], %broadcast_in_dim3A_3 {add = true} : memref<65536xf32, #tpu.memory_space<vmem>>[vector<16xi32>], vector<16xf32>,
      tpu.vector_store_idx %arg7[%select_n3A_280], %broadcast_in_dim3A_3 {add = true} : memref<65536xf32, #tpu.memory_space<vmem>>[vector<16xi32>], vector<16xf32>,
      tpu.vector_store_idx %arg7[%select_n3A_287], %broadcast_in_dim3A_3 {add = true} : memref<65536xf32, #tpu.memory_space<vmem>>[vector<16xi32>], vector<16xf32>,
    }
    %scan3A_155 = arith.constant 64 : i32
    %add3A_156 = arith.constant 106496 : i32
    %add3A_157 = arith.addi %mul3A_11, %add3A_156 : i32
    %dma_start3A_158 = tpu.memref_slice %arg2[%add3A_157] : memref<4194304xi32, #tpu.memory_space<hbm>> -> memref<8192xi32, #tpu.memory_space<hbm>>
    %dma_start3A_159 = tpu.memref_slice %arg2[%add3A_157] : memref<4194304xi32, #tpu.memory_space<hbm>> -> memref<8192xi32, #tpu.memory_space<hbm>>
    tpu.enqueue_dma source(%dma_start3A_159 : memref<8192xi32, #tpu.memory_space<hbm>>) target(%arg6 : memref<8192xi32, #tpu.memory_space<vmem>>) target_semaphore(%arg10 : memref<!tpu.dma_semaphore, #tpu.memory_space<semaphore_mem>>)
    %dma_wait3A_160 = tpu.memref_slice %arg2[%add3A_145] : memref<4194304xi32, #tpu.memory_space<hbm>> -> memref<8192xi32, #tpu.memory_space<hbm>>
    %dma_wait3A_161 = tpu.memref_slice %arg2[%add3A_145] : memref<4194304xi32, #tpu.memory_space<hbm>> -> memref<8192xi32, #tpu.memory_space<hbm>>
    tpu.wait_dma2 semaphore(%arg9 : memref<!tpu.dma_semaphore, #tpu.memory_space<semaphore_mem>>) src(%dma_wait3A_161 : memref<8192xi32, #tpu.memory_space<hbm>>) dst(%arg5 : memref<8192xi32, #tpu.memory_space<vmem>>)
    %scan3A_162 = arith.constant 0 : i32
    %scan3A_163 = arith.constant 0 : i32
    %scan3A_164 = arith.constant 64 : i32
    %scan3A_165 = arith.addi %scan3A_163, %scan3A_164 : i32
    %scan3A_166 = arith.constant 1 : i32
    scf.for %scan3A_200 = %scan3A_163 to %scan3A_165 step %scan3A_166  : i32 {
      %mul3A_201 = arith.constant 128 : i32
      %mul3A_202 = arith.muli %scan3A_200, %mul3A_201 : i32
      %add3A_203 = arith.constant 0 : i32
      %add3A_204 = arith.addi %mul3A_202, %add3A_203 : i32
      %get3A_205 = arith.index_cast %add3A_204 : i32 to index
      %get3A_206 = tpu.vector_load %arg5[%get3A_205] {strides = array<i32>} : memref<8192xi32, #tpu.memory_space<vmem>>, vector<16xi32>,
      %add3A_207 = arith.constant 16 : i32
      %add3A_208 = arith.addi %mul3A_202, %add3A_207 : i32
      %get3A_209 = arith.index_cast %add3A_208 : i32 to index
      %get3A_210 = tpu.vector_load %arg5[%get3A_209] {strides = array<i32>} : memref<8192xi32, #tpu.memory_space<vmem>>, vector<16xi32>,
      %add3A_211 = arith.constant 32 : i32
      %add3A_212 = arith.addi %mul3A_202, %add3A_211 : i32
      %get3A_213 = arith.index_cast %add3A_212 : i32 to index
      %get3A_214 = tpu.vector_load %arg5[%get3A_213] {strides = array<i32>} : memref<8192xi32, #tpu.memory_space<vmem>>, vector<16xi32>,
      %add3A_215 = arith.constant 48 : i32
      %add3A_216 = arith.addi %mul3A_202, %add3A_215 : i32
      %get3A_217 = arith.index_cast %add3A_216 : i32 to index
      %get3A_218 = tpu.vector_load %arg5[%get3A_217] {strides = array<i32>} : memref<8192xi32, #tpu.memory_space<vmem>>, vector<16xi32>,
      %add3A_219 = arith.constant 64 : i32
      %add3A_220 = arith.addi %mul3A_202, %add3A_219 : i32
      %get3A_221 = arith.index_cast %add3A_220 : i32 to index
      %get3A_222 = tpu.vector_load %arg5[%get3A_221] {strides = array<i32>} : memref<8192xi32, #tpu.memory_space<vmem>>, vector<16xi32>,
      %add3A_223 = arith.constant 80 : i32
      %add3A_224 = arith.addi %mul3A_202, %add3A_223 : i32
      %get3A_225 = arith.index_cast %add3A_224 : i32 to index
      %get3A_226 = tpu.vector_load %arg5[%get3A_225] {strides = array<i32>} : memref<8192xi32, #tpu.memory_space<vmem>>, vector<16xi32>,
      %add3A_227 = arith.constant 96 : i32
      %add3A_228 = arith.addi %mul3A_202, %add3A_227 : i32
      %get3A_229 = arith.index_cast %add3A_228 : i32 to index
      %get3A_230 = tpu.vector_load %arg5[%get3A_229] {strides = array<i32>} : memref<8192xi32, #tpu.memory_space<vmem>>, vector<16xi32>,
      %add3A_231 = arith.constant 112 : i32
      %add3A_232 = arith.addi %mul3A_202, %add3A_231 : i32
      %get3A_233 = arith.index_cast %add3A_232 : i32 to index
      %get3A_234 = tpu.vector_load %arg5[%get3A_233] {strides = array<i32>} : memref<8192xi32, #tpu.memory_space<vmem>>, vector<16xi32>,
      %ge3A = arith.constant 0 : i32
      %ge3A_235 = vector.broadcast %ge3A : i32 to vector<16xi32>
      %ge3A_236 = arith.cmpi sge, %get3A_206, %ge3A_235 : vector<16xi32>
      %shift_right_logical3A = arith.constant 15 : i32
      %shift_right_logical3A_237 = vector.broadcast %shift_right_logical3A : i32 to vector<16xi32>
      %shift_right_logical3A_238 = arith.shrui %get3A_206, %shift_right_logical3A_237 : vector<16xi32>
      %select_n3A = arith.select %ge3A_236, %shift_right_logical3A_238, %get3A_9 : vector<16xi1>, vector<16xi32>
      %ge3A_239 = arith.constant 0 : i32
      %ge3A_240 = vector.broadcast %ge3A_239 : i32 to vector<16xi32>
      %ge3A_241 = arith.cmpi sge, %get3A_210, %ge3A_240 : vector<16xi32>
      %shift_right_logical3A_242 = arith.constant 15 : i32
      %shift_right_logical3A_243 = vector.broadcast %shift_right_logical3A_242 : i32 to vector<16xi32>
      %shift_right_logical3A_244 = arith.shrui %get3A_210, %shift_right_logical3A_243 : vector<16xi32>
      %select_n3A_245 = arith.select %ge3A_241, %shift_right_logical3A_244, %get3A_9 : vector<16xi1>, vector<16xi32>
      %ge3A_246 = arith.constant 0 : i32
      %ge3A_247 = vector.broadcast %ge3A_246 : i32 to vector<16xi32>
      %ge3A_248 = arith.cmpi sge, %get3A_214, %ge3A_247 : vector<16xi32>
      %shift_right_logical3A_249 = arith.constant 15 : i32
      %shift_right_logical3A_250 = vector.broadcast %shift_right_logical3A_249 : i32 to vector<16xi32>
      %shift_right_logical3A_251 = arith.shrui %get3A_214, %shift_right_logical3A_250 : vector<16xi32>
      %select_n3A_252 = arith.select %ge3A_248, %shift_right_logical3A_251, %get3A_9 : vector<16xi1>, vector<16xi32>
      %ge3A_253 = arith.constant 0 : i32
      %ge3A_254 = vector.broadcast %ge3A_253 : i32 to vector<16xi32>
      %ge3A_255 = arith.cmpi sge, %get3A_218, %ge3A_254 : vector<16xi32>
      %shift_right_logical3A_256 = arith.constant 15 : i32
      %shift_right_logical3A_257 = vector.broadcast %shift_right_logical3A_256 : i32 to vector<16xi32>
      %shift_right_logical3A_258 = arith.shrui %get3A_218, %shift_right_logical3A_257 : vector<16xi32>
      %select_n3A_259 = arith.select %ge3A_255, %shift_right_logical3A_258, %get3A_9 : vector<16xi1>, vector<16xi32>
      %ge3A_260 = arith.constant 0 : i32
      %ge3A_261 = vector.broadcast %ge3A_260 : i32 to vector<16xi32>
      %ge3A_262 = arith.cmpi sge, %get3A_222, %ge3A_261 : vector<16xi32>
      %shift_right_logical3A_263 = arith.constant 15 : i32
      %shift_right_logical3A_264 = vector.broadcast %shift_right_logical3A_263 : i32 to vector<16xi32>
      %shift_right_logical3A_265 = arith.shrui %get3A_222, %shift_right_logical3A_264 : vector<16xi32>
      %select_n3A_266 = arith.select %ge3A_262, %shift_right_logical3A_265, %get3A_9 : vector<16xi1>, vector<16xi32>
      %ge3A_267 = arith.constant 0 : i32
      %ge3A_268 = vector.broadcast %ge3A_267 : i32 to vector<16xi32>
      %ge3A_269 = arith.cmpi sge, %get3A_226, %ge3A_268 : vector<16xi32>
      %shift_right_logical3A_270 = arith.constant 15 : i32
      %shift_right_logical3A_271 = vector.broadcast %shift_right_logical3A_270 : i32 to vector<16xi32>
      %shift_right_logical3A_272 = arith.shrui %get3A_226, %shift_right_logical3A_271 : vector<16xi32>
      %select_n3A_273 = arith.select %ge3A_269, %shift_right_logical3A_272, %get3A_9 : vector<16xi1>, vector<16xi32>
      %ge3A_274 = arith.constant 0 : i32
      %ge3A_275 = vector.broadcast %ge3A_274 : i32 to vector<16xi32>
      %ge3A_276 = arith.cmpi sge, %get3A_230, %ge3A_275 : vector<16xi32>
      %shift_right_logical3A_277 = arith.constant 15 : i32
      %shift_right_logical3A_278 = vector.broadcast %shift_right_logical3A_277 : i32 to vector<16xi32>
      %shift_right_logical3A_279 = arith.shrui %get3A_230, %shift_right_logical3A_278 : vector<16xi32>
      %select_n3A_280 = arith.select %ge3A_276, %shift_right_logical3A_279, %get3A_9 : vector<16xi1>, vector<16xi32>
      %ge3A_281 = arith.constant 0 : i32
      %ge3A_282 = vector.broadcast %ge3A_281 : i32 to vector<16xi32>
      %ge3A_283 = arith.cmpi sge, %get3A_234, %ge3A_282 : vector<16xi32>
      %shift_right_logical3A_284 = arith.constant 15 : i32
      %shift_right_logical3A_285 = vector.broadcast %shift_right_logical3A_284 : i32 to vector<16xi32>
      %shift_right_logical3A_286 = arith.shrui %get3A_234, %shift_right_logical3A_285 : vector<16xi32>
      %select_n3A_287 = arith.select %ge3A_283, %shift_right_logical3A_286, %get3A_9 : vector<16xi1>, vector<16xi32>
      tpu.vector_store_idx %arg7[%select_n3A], %broadcast_in_dim3A_3 {add = true} : memref<65536xf32, #tpu.memory_space<vmem>>[vector<16xi32>], vector<16xf32>,
      tpu.vector_store_idx %arg7[%select_n3A_245], %broadcast_in_dim3A_3 {add = true} : memref<65536xf32, #tpu.memory_space<vmem>>[vector<16xi32>], vector<16xf32>,
      tpu.vector_store_idx %arg7[%select_n3A_252], %broadcast_in_dim3A_3 {add = true} : memref<65536xf32, #tpu.memory_space<vmem>>[vector<16xi32>], vector<16xf32>,
      tpu.vector_store_idx %arg7[%select_n3A_259], %broadcast_in_dim3A_3 {add = true} : memref<65536xf32, #tpu.memory_space<vmem>>[vector<16xi32>], vector<16xf32>,
      tpu.vector_store_idx %arg7[%select_n3A_266], %broadcast_in_dim3A_3 {add = true} : memref<65536xf32, #tpu.memory_space<vmem>>[vector<16xi32>], vector<16xf32>,
      tpu.vector_store_idx %arg7[%select_n3A_273], %broadcast_in_dim3A_3 {add = true} : memref<65536xf32, #tpu.memory_space<vmem>>[vector<16xi32>], vector<16xf32>,
      tpu.vector_store_idx %arg7[%select_n3A_280], %broadcast_in_dim3A_3 {add = true} : memref<65536xf32, #tpu.memory_space<vmem>>[vector<16xi32>], vector<16xf32>,
      tpu.vector_store_idx %arg7[%select_n3A_287], %broadcast_in_dim3A_3 {add = true} : memref<65536xf32, #tpu.memory_space<vmem>>[vector<16xi32>], vector<16xf32>,
    }
    %scan3A_167 = arith.constant 64 : i32
    %add3A_168 = arith.constant 114688 : i32
    %add3A_169 = arith.addi %mul3A_11, %add3A_168 : i32
    %dma_start3A_170 = tpu.memref_slice %arg2[%add3A_169] : memref<4194304xi32, #tpu.memory_space<hbm>> -> memref<8192xi32, #tpu.memory_space<hbm>>
    %dma_start3A_171 = tpu.memref_slice %arg2[%add3A_169] : memref<4194304xi32, #tpu.memory_space<hbm>> -> memref<8192xi32, #tpu.memory_space<hbm>>
    tpu.enqueue_dma source(%dma_start3A_171 : memref<8192xi32, #tpu.memory_space<hbm>>) target(%arg5 : memref<8192xi32, #tpu.memory_space<vmem>>) target_semaphore(%arg9 : memref<!tpu.dma_semaphore, #tpu.memory_space<semaphore_mem>>)
    %dma_wait3A_172 = tpu.memref_slice %arg2[%add3A_157] : memref<4194304xi32, #tpu.memory_space<hbm>> -> memref<8192xi32, #tpu.memory_space<hbm>>
    %dma_wait3A_173 = tpu.memref_slice %arg2[%add3A_157] : memref<4194304xi32, #tpu.memory_space<hbm>> -> memref<8192xi32, #tpu.memory_space<hbm>>
    tpu.wait_dma2 semaphore(%arg10 : memref<!tpu.dma_semaphore, #tpu.memory_space<semaphore_mem>>) src(%dma_wait3A_173 : memref<8192xi32, #tpu.memory_space<hbm>>) dst(%arg6 : memref<8192xi32, #tpu.memory_space<vmem>>)
    %scan3A_174 = arith.constant 0 : i32
    %scan3A_175 = arith.constant 0 : i32
    %scan3A_176 = arith.constant 64 : i32
    %scan3A_177 = arith.addi %scan3A_175, %scan3A_176 : i32
    %scan3A_178 = arith.constant 1 : i32
    scf.for %scan3A_200 = %scan3A_175 to %scan3A_177 step %scan3A_178  : i32 {
      %mul3A_201 = arith.constant 128 : i32
      %mul3A_202 = arith.muli %scan3A_200, %mul3A_201 : i32
      %add3A_203 = arith.constant 0 : i32
      %add3A_204 = arith.addi %mul3A_202, %add3A_203 : i32
      %get3A_205 = arith.index_cast %add3A_204 : i32 to index
      %get3A_206 = tpu.vector_load %arg6[%get3A_205] {strides = array<i32>} : memref<8192xi32, #tpu.memory_space<vmem>>, vector<16xi32>,
      %add3A_207 = arith.constant 16 : i32
      %add3A_208 = arith.addi %mul3A_202, %add3A_207 : i32
      %get3A_209 = arith.index_cast %add3A_208 : i32 to index
      %get3A_210 = tpu.vector_load %arg6[%get3A_209] {strides = array<i32>} : memref<8192xi32, #tpu.memory_space<vmem>>, vector<16xi32>,
      %add3A_211 = arith.constant 32 : i32
      %add3A_212 = arith.addi %mul3A_202, %add3A_211 : i32
      %get3A_213 = arith.index_cast %add3A_212 : i32 to index
      %get3A_214 = tpu.vector_load %arg6[%get3A_213] {strides = array<i32>} : memref<8192xi32, #tpu.memory_space<vmem>>, vector<16xi32>,
      %add3A_215 = arith.constant 48 : i32
      %add3A_216 = arith.addi %mul3A_202, %add3A_215 : i32
      %get3A_217 = arith.index_cast %add3A_216 : i32 to index
      %get3A_218 = tpu.vector_load %arg6[%get3A_217] {strides = array<i32>} : memref<8192xi32, #tpu.memory_space<vmem>>, vector<16xi32>,
      %add3A_219 = arith.constant 64 : i32
      %add3A_220 = arith.addi %mul3A_202, %add3A_219 : i32
      %get3A_221 = arith.index_cast %add3A_220 : i32 to index
      %get3A_222 = tpu.vector_load %arg6[%get3A_221] {strides = array<i32>} : memref<8192xi32, #tpu.memory_space<vmem>>, vector<16xi32>,
      %add3A_223 = arith.constant 80 : i32
      %add3A_224 = arith.addi %mul3A_202, %add3A_223 : i32
      %get3A_225 = arith.index_cast %add3A_224 : i32 to index
      %get3A_226 = tpu.vector_load %arg6[%get3A_225] {strides = array<i32>} : memref<8192xi32, #tpu.memory_space<vmem>>, vector<16xi32>,
      %add3A_227 = arith.constant 96 : i32
      %add3A_228 = arith.addi %mul3A_202, %add3A_227 : i32
      %get3A_229 = arith.index_cast %add3A_228 : i32 to index
      %get3A_230 = tpu.vector_load %arg6[%get3A_229] {strides = array<i32>} : memref<8192xi32, #tpu.memory_space<vmem>>, vector<16xi32>,
      %add3A_231 = arith.constant 112 : i32
      %add3A_232 = arith.addi %mul3A_202, %add3A_231 : i32
      %get3A_233 = arith.index_cast %add3A_232 : i32 to index
      %get3A_234 = tpu.vector_load %arg6[%get3A_233] {strides = array<i32>} : memref<8192xi32, #tpu.memory_space<vmem>>, vector<16xi32>,
      %ge3A = arith.constant 0 : i32
      %ge3A_235 = vector.broadcast %ge3A : i32 to vector<16xi32>
      %ge3A_236 = arith.cmpi sge, %get3A_206, %ge3A_235 : vector<16xi32>
      %shift_right_logical3A = arith.constant 15 : i32
      %shift_right_logical3A_237 = vector.broadcast %shift_right_logical3A : i32 to vector<16xi32>
      %shift_right_logical3A_238 = arith.shrui %get3A_206, %shift_right_logical3A_237 : vector<16xi32>
      %select_n3A = arith.select %ge3A_236, %shift_right_logical3A_238, %get3A_9 : vector<16xi1>, vector<16xi32>
      %ge3A_239 = arith.constant 0 : i32
      %ge3A_240 = vector.broadcast %ge3A_239 : i32 to vector<16xi32>
      %ge3A_241 = arith.cmpi sge, %get3A_210, %ge3A_240 : vector<16xi32>
      %shift_right_logical3A_242 = arith.constant 15 : i32
      %shift_right_logical3A_243 = vector.broadcast %shift_right_logical3A_242 : i32 to vector<16xi32>
      %shift_right_logical3A_244 = arith.shrui %get3A_210, %shift_right_logical3A_243 : vector<16xi32>
      %select_n3A_245 = arith.select %ge3A_241, %shift_right_logical3A_244, %get3A_9 : vector<16xi1>, vector<16xi32>
      %ge3A_246 = arith.constant 0 : i32
      %ge3A_247 = vector.broadcast %ge3A_246 : i32 to vector<16xi32>
      %ge3A_248 = arith.cmpi sge, %get3A_214, %ge3A_247 : vector<16xi32>
      %shift_right_logical3A_249 = arith.constant 15 : i32
      %shift_right_logical3A_250 = vector.broadcast %shift_right_logical3A_249 : i32 to vector<16xi32>
      %shift_right_logical3A_251 = arith.shrui %get3A_214, %shift_right_logical3A_250 : vector<16xi32>
      %select_n3A_252 = arith.select %ge3A_248, %shift_right_logical3A_251, %get3A_9 : vector<16xi1>, vector<16xi32>
      %ge3A_253 = arith.constant 0 : i32
      %ge3A_254 = vector.broadcast %ge3A_253 : i32 to vector<16xi32>
      %ge3A_255 = arith.cmpi sge, %get3A_218, %ge3A_254 : vector<16xi32>
      %shift_right_logical3A_256 = arith.constant 15 : i32
      %shift_right_logical3A_257 = vector.broadcast %shift_right_logical3A_256 : i32 to vector<16xi32>
      %shift_right_logical3A_258 = arith.shrui %get3A_218, %shift_right_logical3A_257 : vector<16xi32>
      %select_n3A_259 = arith.select %ge3A_255, %shift_right_logical3A_258, %get3A_9 : vector<16xi1>, vector<16xi32>
      %ge3A_260 = arith.constant 0 : i32
      %ge3A_261 = vector.broadcast %ge3A_260 : i32 to vector<16xi32>
      %ge3A_262 = arith.cmpi sge, %get3A_222, %ge3A_261 : vector<16xi32>
      %shift_right_logical3A_263 = arith.constant 15 : i32
      %shift_right_logical3A_264 = vector.broadcast %shift_right_logical3A_263 : i32 to vector<16xi32>
      %shift_right_logical3A_265 = arith.shrui %get3A_222, %shift_right_logical3A_264 : vector<16xi32>
      %select_n3A_266 = arith.select %ge3A_262, %shift_right_logical3A_265, %get3A_9 : vector<16xi1>, vector<16xi32>
      %ge3A_267 = arith.constant 0 : i32
      %ge3A_268 = vector.broadcast %ge3A_267 : i32 to vector<16xi32>
      %ge3A_269 = arith.cmpi sge, %get3A_226, %ge3A_268 : vector<16xi32>
      %shift_right_logical3A_270 = arith.constant 15 : i32
      %shift_right_logical3A_271 = vector.broadcast %shift_right_logical3A_270 : i32 to vector<16xi32>
      %shift_right_logical3A_272 = arith.shrui %get3A_226, %shift_right_logical3A_271 : vector<16xi32>
      %select_n3A_273 = arith.select %ge3A_269, %shift_right_logical3A_272, %get3A_9 : vector<16xi1>, vector<16xi32>
      %ge3A_274 = arith.constant 0 : i32
      %ge3A_275 = vector.broadcast %ge3A_274 : i32 to vector<16xi32>
      %ge3A_276 = arith.cmpi sge, %get3A_230, %ge3A_275 : vector<16xi32>
      %shift_right_logical3A_277 = arith.constant 15 : i32
      %shift_right_logical3A_278 = vector.broadcast %shift_right_logical3A_277 : i32 to vector<16xi32>
      %shift_right_logical3A_279 = arith.shrui %get3A_230, %shift_right_logical3A_278 : vector<16xi32>
      %select_n3A_280 = arith.select %ge3A_276, %shift_right_logical3A_279, %get3A_9 : vector<16xi1>, vector<16xi32>
      %ge3A_281 = arith.constant 0 : i32
      %ge3A_282 = vector.broadcast %ge3A_281 : i32 to vector<16xi32>
      %ge3A_283 = arith.cmpi sge, %get3A_234, %ge3A_282 : vector<16xi32>
      %shift_right_logical3A_284 = arith.constant 15 : i32
      %shift_right_logical3A_285 = vector.broadcast %shift_right_logical3A_284 : i32 to vector<16xi32>
      %shift_right_logical3A_286 = arith.shrui %get3A_234, %shift_right_logical3A_285 : vector<16xi32>
      %select_n3A_287 = arith.select %ge3A_283, %shift_right_logical3A_286, %get3A_9 : vector<16xi1>, vector<16xi32>
      tpu.vector_store_idx %arg7[%select_n3A], %broadcast_in_dim3A_3 {add = true} : memref<65536xf32, #tpu.memory_space<vmem>>[vector<16xi32>], vector<16xf32>,
      tpu.vector_store_idx %arg7[%select_n3A_245], %broadcast_in_dim3A_3 {add = true} : memref<65536xf32, #tpu.memory_space<vmem>>[vector<16xi32>], vector<16xf32>,
      tpu.vector_store_idx %arg7[%select_n3A_252], %broadcast_in_dim3A_3 {add = true} : memref<65536xf32, #tpu.memory_space<vmem>>[vector<16xi32>], vector<16xf32>,
      tpu.vector_store_idx %arg7[%select_n3A_259], %broadcast_in_dim3A_3 {add = true} : memref<65536xf32, #tpu.memory_space<vmem>>[vector<16xi32>], vector<16xf32>,
      tpu.vector_store_idx %arg7[%select_n3A_266], %broadcast_in_dim3A_3 {add = true} : memref<65536xf32, #tpu.memory_space<vmem>>[vector<16xi32>], vector<16xf32>,
      tpu.vector_store_idx %arg7[%select_n3A_273], %broadcast_in_dim3A_3 {add = true} : memref<65536xf32, #tpu.memory_space<vmem>>[vector<16xi32>], vector<16xf32>,
      tpu.vector_store_idx %arg7[%select_n3A_280], %broadcast_in_dim3A_3 {add = true} : memref<65536xf32, #tpu.memory_space<vmem>>[vector<16xi32>], vector<16xf32>,
      tpu.vector_store_idx %arg7[%select_n3A_287], %broadcast_in_dim3A_3 {add = true} : memref<65536xf32, #tpu.memory_space<vmem>>[vector<16xi32>], vector<16xf32>,
    }
    %scan3A_179 = arith.constant 64 : i32
    %add3A_180 = arith.constant 122880 : i32
    %add3A_181 = arith.addi %mul3A_11, %add3A_180 : i32
    %dma_start3A_182 = tpu.memref_slice %arg2[%add3A_181] : memref<4194304xi32, #tpu.memory_space<hbm>> -> memref<8192xi32, #tpu.memory_space<hbm>>
    %dma_start3A_183 = tpu.memref_slice %arg2[%add3A_181] : memref<4194304xi32, #tpu.memory_space<hbm>> -> memref<8192xi32, #tpu.memory_space<hbm>>
    tpu.enqueue_dma source(%dma_start3A_183 : memref<8192xi32, #tpu.memory_space<hbm>>) target(%arg6 : memref<8192xi32, #tpu.memory_space<vmem>>) target_semaphore(%arg10 : memref<!tpu.dma_semaphore, #tpu.memory_space<semaphore_mem>>)
    %dma_wait3A_184 = tpu.memref_slice %arg2[%add3A_169] : memref<4194304xi32, #tpu.memory_space<hbm>> -> memref<8192xi32, #tpu.memory_space<hbm>>
    %dma_wait3A_185 = tpu.memref_slice %arg2[%add3A_169] : memref<4194304xi32, #tpu.memory_space<hbm>> -> memref<8192xi32, #tpu.memory_space<hbm>>
    tpu.wait_dma2 semaphore(%arg9 : memref<!tpu.dma_semaphore, #tpu.memory_space<semaphore_mem>>) src(%dma_wait3A_185 : memref<8192xi32, #tpu.memory_space<hbm>>) dst(%arg5 : memref<8192xi32, #tpu.memory_space<vmem>>)
    %scan3A_186 = arith.constant 0 : i32
    %scan3A_187 = arith.constant 0 : i32
    %scan3A_188 = arith.constant 64 : i32
    %scan3A_189 = arith.addi %scan3A_187, %scan3A_188 : i32
    %scan3A_190 = arith.constant 1 : i32
    scf.for %scan3A_200 = %scan3A_187 to %scan3A_189 step %scan3A_190  : i32 {
      %mul3A_201 = arith.constant 128 : i32
      %mul3A_202 = arith.muli %scan3A_200, %mul3A_201 : i32
      %add3A_203 = arith.constant 0 : i32
      %add3A_204 = arith.addi %mul3A_202, %add3A_203 : i32
      %get3A_205 = arith.index_cast %add3A_204 : i32 to index
      %get3A_206 = tpu.vector_load %arg5[%get3A_205] {strides = array<i32>} : memref<8192xi32, #tpu.memory_space<vmem>>, vector<16xi32>,
      %add3A_207 = arith.constant 16 : i32
      %add3A_208 = arith.addi %mul3A_202, %add3A_207 : i32
      %get3A_209 = arith.index_cast %add3A_208 : i32 to index
      %get3A_210 = tpu.vector_load %arg5[%get3A_209] {strides = array<i32>} : memref<8192xi32, #tpu.memory_space<vmem>>, vector<16xi32>,
      %add3A_211 = arith.constant 32 : i32
      %add3A_212 = arith.addi %mul3A_202, %add3A_211 : i32
      %get3A_213 = arith.index_cast %add3A_212 : i32 to index
      %get3A_214 = tpu.vector_load %arg5[%get3A_213] {strides = array<i32>} : memref<8192xi32, #tpu.memory_space<vmem>>, vector<16xi32>,
      %add3A_215 = arith.constant 48 : i32
      %add3A_216 = arith.addi %mul3A_202, %add3A_215 : i32
      %get3A_217 = arith.index_cast %add3A_216 : i32 to index
      %get3A_218 = tpu.vector_load %arg5[%get3A_217] {strides = array<i32>} : memref<8192xi32, #tpu.memory_space<vmem>>, vector<16xi32>,
      %add3A_219 = arith.constant 64 : i32
      %add3A_220 = arith.addi %mul3A_202, %add3A_219 : i32
      %get3A_221 = arith.index_cast %add3A_220 : i32 to index
      %get3A_222 = tpu.vector_load %arg5[%get3A_221] {strides = array<i32>} : memref<8192xi32, #tpu.memory_space<vmem>>, vector<16xi32>,
      %add3A_223 = arith.constant 80 : i32
      %add3A_224 = arith.addi %mul3A_202, %add3A_223 : i32
      %get3A_225 = arith.index_cast %add3A_224 : i32 to index
      %get3A_226 = tpu.vector_load %arg5[%get3A_225] {strides = array<i32>} : memref<8192xi32, #tpu.memory_space<vmem>>, vector<16xi32>,
      %add3A_227 = arith.constant 96 : i32
      %add3A_228 = arith.addi %mul3A_202, %add3A_227 : i32
      %get3A_229 = arith.index_cast %add3A_228 : i32 to index
      %get3A_230 = tpu.vector_load %arg5[%get3A_229] {strides = array<i32>} : memref<8192xi32, #tpu.memory_space<vmem>>, vector<16xi32>,
      %add3A_231 = arith.constant 112 : i32
      %add3A_232 = arith.addi %mul3A_202, %add3A_231 : i32
      %get3A_233 = arith.index_cast %add3A_232 : i32 to index
      %get3A_234 = tpu.vector_load %arg5[%get3A_233] {strides = array<i32>} : memref<8192xi32, #tpu.memory_space<vmem>>, vector<16xi32>,
      %ge3A = arith.constant 0 : i32
      %ge3A_235 = vector.broadcast %ge3A : i32 to vector<16xi32>
      %ge3A_236 = arith.cmpi sge, %get3A_206, %ge3A_235 : vector<16xi32>
      %shift_right_logical3A = arith.constant 15 : i32
      %shift_right_logical3A_237 = vector.broadcast %shift_right_logical3A : i32 to vector<16xi32>
      %shift_right_logical3A_238 = arith.shrui %get3A_206, %shift_right_logical3A_237 : vector<16xi32>
      %select_n3A = arith.select %ge3A_236, %shift_right_logical3A_238, %get3A_9 : vector<16xi1>, vector<16xi32>
      %ge3A_239 = arith.constant 0 : i32
      %ge3A_240 = vector.broadcast %ge3A_239 : i32 to vector<16xi32>
      %ge3A_241 = arith.cmpi sge, %get3A_210, %ge3A_240 : vector<16xi32>
      %shift_right_logical3A_242 = arith.constant 15 : i32
      %shift_right_logical3A_243 = vector.broadcast %shift_right_logical3A_242 : i32 to vector<16xi32>
      %shift_right_logical3A_244 = arith.shrui %get3A_210, %shift_right_logical3A_243 : vector<16xi32>
      %select_n3A_245 = arith.select %ge3A_241, %shift_right_logical3A_244, %get3A_9 : vector<16xi1>, vector<16xi32>
      %ge3A_246 = arith.constant 0 : i32
      %ge3A_247 = vector.broadcast %ge3A_246 : i32 to vector<16xi32>
      %ge3A_248 = arith.cmpi sge, %get3A_214, %ge3A_247 : vector<16xi32>
      %shift_right_logical3A_249 = arith.constant 15 : i32
      %shift_right_logical3A_250 = vector.broadcast %shift_right_logical3A_249 : i32 to vector<16xi32>
      %shift_right_logical3A_251 = arith.shrui %get3A_214, %shift_right_logical3A_250 : vector<16xi32>
      %select_n3A_252 = arith.select %ge3A_248, %shift_right_logical3A_251, %get3A_9 : vector<16xi1>, vector<16xi32>
      %ge3A_253 = arith.constant 0 : i32
      %ge3A_254 = vector.broadcast %ge3A_253 : i32 to vector<16xi32>
      %ge3A_255 = arith.cmpi sge, %get3A_218, %ge3A_254 : vector<16xi32>
      %shift_right_logical3A_256 = arith.constant 15 : i32
      %shift_right_logical3A_257 = vector.broadcast %shift_right_logical3A_256 : i32 to vector<16xi32>
      %shift_right_logical3A_258 = arith.shrui %get3A_218, %shift_right_logical3A_257 : vector<16xi32>
      %select_n3A_259 = arith.select %ge3A_255, %shift_right_logical3A_258, %get3A_9 : vector<16xi1>, vector<16xi32>
      %ge3A_260 = arith.constant 0 : i32
      %ge3A_261 = vector.broadcast %ge3A_260 : i32 to vector<16xi32>
      %ge3A_262 = arith.cmpi sge, %get3A_222, %ge3A_261 : vector<16xi32>
      %shift_right_logical3A_263 = arith.constant 15 : i32
      %shift_right_logical3A_264 = vector.broadcast %shift_right_logical3A_263 : i32 to vector<16xi32>
      %shift_right_logical3A_265 = arith.shrui %get3A_222, %shift_right_logical3A_264 : vector<16xi32>
      %select_n3A_266 = arith.select %ge3A_262, %shift_right_logical3A_265, %get3A_9 : vector<16xi1>, vector<16xi32>
      %ge3A_267 = arith.constant 0 : i32
      %ge3A_268 = vector.broadcast %ge3A_267 : i32 to vector<16xi32>
      %ge3A_269 = arith.cmpi sge, %get3A_226, %ge3A_268 : vector<16xi32>
      %shift_right_logical3A_270 = arith.constant 15 : i32
      %shift_right_logical3A_271 = vector.broadcast %shift_right_logical3A_270 : i32 to vector<16xi32>
      %shift_right_logical3A_272 = arith.shrui %get3A_226, %shift_right_logical3A_271 : vector<16xi32>
      %select_n3A_273 = arith.select %ge3A_269, %shift_right_logical3A_272, %get3A_9 : vector<16xi1>, vector<16xi32>
      %ge3A_274 = arith.constant 0 : i32
      %ge3A_275 = vector.broadcast %ge3A_274 : i32 to vector<16xi32>
      %ge3A_276 = arith.cmpi sge, %get3A_230, %ge3A_275 : vector<16xi32>
      %shift_right_logical3A_277 = arith.constant 15 : i32
      %shift_right_logical3A_278 = vector.broadcast %shift_right_logical3A_277 : i32 to vector<16xi32>
      %shift_right_logical3A_279 = arith.shrui %get3A_230, %shift_right_logical3A_278 : vector<16xi32>
      %select_n3A_280 = arith.select %ge3A_276, %shift_right_logical3A_279, %get3A_9 : vector<16xi1>, vector<16xi32>
      %ge3A_281 = arith.constant 0 : i32
      %ge3A_282 = vector.broadcast %ge3A_281 : i32 to vector<16xi32>
      %ge3A_283 = arith.cmpi sge, %get3A_234, %ge3A_282 : vector<16xi32>
      %shift_right_logical3A_284 = arith.constant 15 : i32
      %shift_right_logical3A_285 = vector.broadcast %shift_right_logical3A_284 : i32 to vector<16xi32>
      %shift_right_logical3A_286 = arith.shrui %get3A_234, %shift_right_logical3A_285 : vector<16xi32>
      %select_n3A_287 = arith.select %ge3A_283, %shift_right_logical3A_286, %get3A_9 : vector<16xi1>, vector<16xi32>
      tpu.vector_store_idx %arg7[%select_n3A], %broadcast_in_dim3A_3 {add = true} : memref<65536xf32, #tpu.memory_space<vmem>>[vector<16xi32>], vector<16xf32>,
      tpu.vector_store_idx %arg7[%select_n3A_245], %broadcast_in_dim3A_3 {add = true} : memref<65536xf32, #tpu.memory_space<vmem>>[vector<16xi32>], vector<16xf32>,
      tpu.vector_store_idx %arg7[%select_n3A_252], %broadcast_in_dim3A_3 {add = true} : memref<65536xf32, #tpu.memory_space<vmem>>[vector<16xi32>], vector<16xf32>,
      tpu.vector_store_idx %arg7[%select_n3A_259], %broadcast_in_dim3A_3 {add = true} : memref<65536xf32, #tpu.memory_space<vmem>>[vector<16xi32>], vector<16xf32>,
      tpu.vector_store_idx %arg7[%select_n3A_266], %broadcast_in_dim3A_3 {add = true} : memref<65536xf32, #tpu.memory_space<vmem>>[vector<16xi32>], vector<16xf32>,
      tpu.vector_store_idx %arg7[%select_n3A_273], %broadcast_in_dim3A_3 {add = true} : memref<65536xf32, #tpu.memory_space<vmem>>[vector<16xi32>], vector<16xf32>,
      tpu.vector_store_idx %arg7[%select_n3A_280], %broadcast_in_dim3A_3 {add = true} : memref<65536xf32, #tpu.memory_space<vmem>>[vector<16xi32>], vector<16xf32>,
      tpu.vector_store_idx %arg7[%select_n3A_287], %broadcast_in_dim3A_3 {add = true} : memref<65536xf32, #tpu.memory_space<vmem>>[vector<16xi32>], vector<16xf32>,
    }
    %scan3A_191 = arith.constant 64 : i32
    %dma_wait3A_192 = tpu.memref_slice %arg2[%add3A_181] : memref<4194304xi32, #tpu.memory_space<hbm>> -> memref<8192xi32, #tpu.memory_space<hbm>>
    %dma_wait3A_193 = tpu.memref_slice %arg2[%add3A_181] : memref<4194304xi32, #tpu.memory_space<hbm>> -> memref<8192xi32, #tpu.memory_space<hbm>>
    tpu.wait_dma2 semaphore(%arg10 : memref<!tpu.dma_semaphore, #tpu.memory_space<semaphore_mem>>) src(%dma_wait3A_193 : memref<8192xi32, #tpu.memory_space<hbm>>) dst(%arg6 : memref<8192xi32, #tpu.memory_space<vmem>>)
    %scan3A_194 = arith.constant 0 : i32
    %scan3A_195 = arith.constant 0 : i32
    %scan3A_196 = arith.constant 64 : i32
    %scan3A_197 = arith.addi %scan3A_195, %scan3A_196 : i32
    %scan3A_198 = arith.constant 1 : i32
    scf.for %scan3A_200 = %scan3A_195 to %scan3A_197 step %scan3A_198  : i32 {
      %mul3A_201 = arith.constant 128 : i32
      %mul3A_202 = arith.muli %scan3A_200, %mul3A_201 : i32
      %add3A_203 = arith.constant 0 : i32
      %add3A_204 = arith.addi %mul3A_202, %add3A_203 : i32
      %get3A_205 = arith.index_cast %add3A_204 : i32 to index
      %get3A_206 = tpu.vector_load %arg6[%get3A_205] {strides = array<i32>} : memref<8192xi32, #tpu.memory_space<vmem>>, vector<16xi32>,
      %add3A_207 = arith.constant 16 : i32
      %add3A_208 = arith.addi %mul3A_202, %add3A_207 : i32
      %get3A_209 = arith.index_cast %add3A_208 : i32 to index
      %get3A_210 = tpu.vector_load %arg6[%get3A_209] {strides = array<i32>} : memref<8192xi32, #tpu.memory_space<vmem>>, vector<16xi32>,
      %add3A_211 = arith.constant 32 : i32
      %add3A_212 = arith.addi %mul3A_202, %add3A_211 : i32
      %get3A_213 = arith.index_cast %add3A_212 : i32 to index
      %get3A_214 = tpu.vector_load %arg6[%get3A_213] {strides = array<i32>} : memref<8192xi32, #tpu.memory_space<vmem>>, vector<16xi32>,
      %add3A_215 = arith.constant 48 : i32
      %add3A_216 = arith.addi %mul3A_202, %add3A_215 : i32
      %get3A_217 = arith.index_cast %add3A_216 : i32 to index
      %get3A_218 = tpu.vector_load %arg6[%get3A_217] {strides = array<i32>} : memref<8192xi32, #tpu.memory_space<vmem>>, vector<16xi32>,
      %add3A_219 = arith.constant 64 : i32
      %add3A_220 = arith.addi %mul3A_202, %add3A_219 : i32
      %get3A_221 = arith.index_cast %add3A_220 : i32 to index
      %get3A_222 = tpu.vector_load %arg6[%get3A_221] {strides = array<i32>} : memref<8192xi32, #tpu.memory_space<vmem>>, vector<16xi32>,
      %add3A_223 = arith.constant 80 : i32
      %add3A_224 = arith.addi %mul3A_202, %add3A_223 : i32
      %get3A_225 = arith.index_cast %add3A_224 : i32 to index
      %get3A_226 = tpu.vector_load %arg6[%get3A_225] {strides = array<i32>} : memref<8192xi32, #tpu.memory_space<vmem>>, vector<16xi32>,
      %add3A_227 = arith.constant 96 : i32
      %add3A_228 = arith.addi %mul3A_202, %add3A_227 : i32
      %get3A_229 = arith.index_cast %add3A_228 : i32 to index
      %get3A_230 = tpu.vector_load %arg6[%get3A_229] {strides = array<i32>} : memref<8192xi32, #tpu.memory_space<vmem>>, vector<16xi32>,
      %add3A_231 = arith.constant 112 : i32
      %add3A_232 = arith.addi %mul3A_202, %add3A_231 : i32
      %get3A_233 = arith.index_cast %add3A_232 : i32 to index
      %get3A_234 = tpu.vector_load %arg6[%get3A_233] {strides = array<i32>} : memref<8192xi32, #tpu.memory_space<vmem>>, vector<16xi32>,
      %ge3A = arith.constant 0 : i32
      %ge3A_235 = vector.broadcast %ge3A : i32 to vector<16xi32>
      %ge3A_236 = arith.cmpi sge, %get3A_206, %ge3A_235 : vector<16xi32>
      %shift_right_logical3A = arith.constant 15 : i32
      %shift_right_logical3A_237 = vector.broadcast %shift_right_logical3A : i32 to vector<16xi32>
      %shift_right_logical3A_238 = arith.shrui %get3A_206, %shift_right_logical3A_237 : vector<16xi32>
      %select_n3A = arith.select %ge3A_236, %shift_right_logical3A_238, %get3A_9 : vector<16xi1>, vector<16xi32>
      %ge3A_239 = arith.constant 0 : i32
      %ge3A_240 = vector.broadcast %ge3A_239 : i32 to vector<16xi32>
      %ge3A_241 = arith.cmpi sge, %get3A_210, %ge3A_240 : vector<16xi32>
      %shift_right_logical3A_242 = arith.constant 15 : i32
      %shift_right_logical3A_243 = vector.broadcast %shift_right_logical3A_242 : i32 to vector<16xi32>
      %shift_right_logical3A_244 = arith.shrui %get3A_210, %shift_right_logical3A_243 : vector<16xi32>
      %select_n3A_245 = arith.select %ge3A_241, %shift_right_logical3A_244, %get3A_9 : vector<16xi1>, vector<16xi32>
      %ge3A_246 = arith.constant 0 : i32
      %ge3A_247 = vector.broadcast %ge3A_246 : i32 to vector<16xi32>
      %ge3A_248 = arith.cmpi sge, %get3A_214, %ge3A_247 : vector<16xi32>
      %shift_right_logical3A_249 = arith.constant 15 : i32
      %shift_right_logical3A_250 = vector.broadcast %shift_right_logical3A_249 : i32 to vector<16xi32>
      %shift_right_logical3A_251 = arith.shrui %get3A_214, %shift_right_logical3A_250 : vector<16xi32>
      %select_n3A_252 = arith.select %ge3A_248, %shift_right_logical3A_251, %get3A_9 : vector<16xi1>, vector<16xi32>
      %ge3A_253 = arith.constant 0 : i32
      %ge3A_254 = vector.broadcast %ge3A_253 : i32 to vector<16xi32>
      %ge3A_255 = arith.cmpi sge, %get3A_218, %ge3A_254 : vector<16xi32>
      %shift_right_logical3A_256 = arith.constant 15 : i32
      %shift_right_logical3A_257 = vector.broadcast %shift_right_logical3A_256 : i32 to vector<16xi32>
      %shift_right_logical3A_258 = arith.shrui %get3A_218, %shift_right_logical3A_257 : vector<16xi32>
      %select_n3A_259 = arith.select %ge3A_255, %shift_right_logical3A_258, %get3A_9 : vector<16xi1>, vector<16xi32>
      %ge3A_260 = arith.constant 0 : i32
      %ge3A_261 = vector.broadcast %ge3A_260 : i32 to vector<16xi32>
      %ge3A_262 = arith.cmpi sge, %get3A_222, %ge3A_261 : vector<16xi32>
      %shift_right_logical3A_263 = arith.constant 15 : i32
      %shift_right_logical3A_264 = vector.broadcast %shift_right_logical3A_263 : i32 to vector<16xi32>
      %shift_right_logical3A_265 = arith.shrui %get3A_222, %shift_right_logical3A_264 : vector<16xi32>
      %select_n3A_266 = arith.select %ge3A_262, %shift_right_logical3A_265, %get3A_9 : vector<16xi1>, vector<16xi32>
      %ge3A_267 = arith.constant 0 : i32
      %ge3A_268 = vector.broadcast %ge3A_267 : i32 to vector<16xi32>
      %ge3A_269 = arith.cmpi sge, %get3A_226, %ge3A_268 : vector<16xi32>
      %shift_right_logical3A_270 = arith.constant 15 : i32
      %shift_right_logical3A_271 = vector.broadcast %shift_right_logical3A_270 : i32 to vector<16xi32>
      %shift_right_logical3A_272 = arith.shrui %get3A_226, %shift_right_logical3A_271 : vector<16xi32>
      %select_n3A_273 = arith.select %ge3A_269, %shift_right_logical3A_272, %get3A_9 : vector<16xi1>, vector<16xi32>
      %ge3A_274 = arith.constant 0 : i32
      %ge3A_275 = vector.broadcast %ge3A_274 : i32 to vector<16xi32>
      %ge3A_276 = arith.cmpi sge, %get3A_230, %ge3A_275 : vector<16xi32>
      %shift_right_logical3A_277 = arith.constant 15 : i32
      %shift_right_logical3A_278 = vector.broadcast %shift_right_logical3A_277 : i32 to vector<16xi32>
      %shift_right_logical3A_279 = arith.shrui %get3A_230, %shift_right_logical3A_278 : vector<16xi32>
      %select_n3A_280 = arith.select %ge3A_276, %shift_right_logical3A_279, %get3A_9 : vector<16xi1>, vector<16xi32>
      %ge3A_281 = arith.constant 0 : i32
      %ge3A_282 = vector.broadcast %ge3A_281 : i32 to vector<16xi32>
      %ge3A_283 = arith.cmpi sge, %get3A_234, %ge3A_282 : vector<16xi32>
      %shift_right_logical3A_284 = arith.constant 15 : i32
      %shift_right_logical3A_285 = vector.broadcast %shift_right_logical3A_284 : i32 to vector<16xi32>
      %shift_right_logical3A_286 = arith.shrui %get3A_234, %shift_right_logical3A_285 : vector<16xi32>
      %select_n3A_287 = arith.select %ge3A_283, %shift_right_logical3A_286, %get3A_9 : vector<16xi1>, vector<16xi32>
      tpu.vector_store_idx %arg7[%select_n3A], %broadcast_in_dim3A_3 {add = true} : memref<65536xf32, #tpu.memory_space<vmem>>[vector<16xi32>], vector<16xf32>,
      tpu.vector_store_idx %arg7[%select_n3A_245], %broadcast_in_dim3A_3 {add = true} : memref<65536xf32, #tpu.memory_space<vmem>>[vector<16xi32>], vector<16xf32>,
      tpu.vector_store_idx %arg7[%select_n3A_252], %broadcast_in_dim3A_3 {add = true} : memref<65536xf32, #tpu.memory_space<vmem>>[vector<16xi32>], vector<16xf32>,
      tpu.vector_store_idx %arg7[%select_n3A_259], %broadcast_in_dim3A_3 {add = true} : memref<65536xf32, #tpu.memory_space<vmem>>[vector<16xi32>], vector<16xf32>,
      tpu.vector_store_idx %arg7[%select_n3A_266], %broadcast_in_dim3A_3 {add = true} : memref<65536xf32, #tpu.memory_space<vmem>>[vector<16xi32>], vector<16xf32>,
      tpu.vector_store_idx %arg7[%select_n3A_273], %broadcast_in_dim3A_3 {add = true} : memref<65536xf32, #tpu.memory_space<vmem>>[vector<16xi32>], vector<16xf32>,
      tpu.vector_store_idx %arg7[%select_n3A_280], %broadcast_in_dim3A_3 {add = true} : memref<65536xf32, #tpu.memory_space<vmem>>[vector<16xi32>], vector<16xf32>,
      tpu.vector_store_idx %arg7[%select_n3A_287], %broadcast_in_dim3A_3 {add = true} : memref<65536xf32, #tpu.memory_space<vmem>>[vector<16xi32>], vector<16xf32>,
    }
    %scan3A_199 = arith.constant 64 : i32
    "tpu.region"() ({
      %run_scoped3A = tpu.sem_alloc : memref<!tpu.dma_semaphore, #tpu.memory_space<semaphore_mem>>
      %dma_start3A_200 = arith.constant 0 : i32
      %dma_start3A_201 = tpu.memref_slice %arg4[%add3A, %dma_start3A_200] : memref<32x65536xf32, #tpu.memory_space<hbm>> -> memref<1x65536xf32, #tpu.memory_space<hbm>>
      %dma_start3A_202 = tpu.memref_squeeze %dma_start3A_201 : memref<1x65536xf32, #tpu.memory_space<hbm>> -> memref<65536xf32, #tpu.memory_space<hbm>>
      %dma_start3A_203 = arith.constant 0 : i32
      %dma_start3A_204 = tpu.memref_slice %arg4[%add3A, %dma_start3A_203] : memref<32x65536xf32, #tpu.memory_space<hbm>> -> memref<1x65536xf32, #tpu.memory_space<hbm>>
      %dma_start3A_205 = tpu.memref_squeeze %dma_start3A_204 : memref<1x65536xf32, #tpu.memory_space<hbm>> -> memref<65536xf32, #tpu.memory_space<hbm>>
      tpu.enqueue_dma source(%arg7 : memref<65536xf32, #tpu.memory_space<vmem>>) target(%dma_start3A_205 : memref<65536xf32, #tpu.memory_space<hbm>>) target_semaphore(%run_scoped3A : memref<!tpu.dma_semaphore, #tpu.memory_space<semaphore_mem>>)
      %dma_wait3A_206 = arith.constant 0 : i32
      %dma_wait3A_207 = tpu.memref_slice %arg4[%add3A, %dma_wait3A_206] : memref<32x65536xf32, #tpu.memory_space<hbm>> -> memref<1x65536xf32, #tpu.memory_space<hbm>>
      %dma_wait3A_208 = tpu.memref_squeeze %dma_wait3A_207 : memref<1x65536xf32, #tpu.memory_space<hbm>> -> memref<65536xf32, #tpu.memory_space<hbm>>
      %dma_wait3A_209 = arith.constant 0 : i32
      %dma_wait3A_210 = tpu.memref_slice %arg4[%add3A, %dma_wait3A_209] : memref<32x65536xf32, #tpu.memory_space<hbm>> -> memref<1x65536xf32, #tpu.memory_space<hbm>>
      %dma_wait3A_211 = tpu.memref_squeeze %dma_wait3A_210 : memref<1x65536xf32, #tpu.memory_space<hbm>> -> memref<65536xf32, #tpu.memory_space<hbm>>
      tpu.wait_dma2 semaphore(%run_scoped3A : memref<!tpu.dma_semaphore, #tpu.memory_space<semaphore_mem>>) src(%arg7 : memref<65536xf32, #tpu.memory_space<vmem>>) dst(%dma_wait3A_211 : memref<65536xf32, #tpu.memory_space<hbm>>)
      tpu.yield
    }) : () -> ()
    return
  }
}

module attributes {stable_mosaic.version = 14 : i64} {
  func.func @_bce_keys_body(%arg0: i32, %arg1: i32, %arg2: memref<1x1x32x128x128xf32, #tpu.memory_space<vmem>>, %arg3: memref<1x1x32x128x128xf32, #tpu.memory_space<vmem>>, %arg4: memref<1x1x32x128x128xi32, #tpu.memory_space<vmem>>, %arg5: memref<1x1xf32, #tpu.memory_space<vmem>>) attributes {dimension_semantics = [#tpu.dimension_semantics<arbitrary>, #tpu.dimension_semantics<arbitrary>], iteration_bounds = array<i64: 2, 4>, scalar_prefetch = 0 : i64, scratch_operands = 0 : i64, tpu.core_type = #tpu.core_type<tc>, window_params = [{transform_indices = @transform_0, window_bounds = array<i64: 1, 1, 32, 128, 128>}, {transform_indices = @transform_1, window_bounds = array<i64: 1, 1, 32, 128, 128>}, {transform_indices = @transform_2, window_bounds = array<i64: 1, 1, 32, 128, 128>}, {pipeline_mode = #tpu.pipeline_mode<synchronous>, transform_indices = @transform_3, window_bounds = array<i64: 1, 1>}]} {
    %get3A = arith.constant 0 : index
    %get3A_0 = arith.constant 0 : index
    %get3A_1 = arith.constant 0 : index
    %get3A_2 = arith.constant 0 : index
    %get3A_3 = arith.constant 0 : index
    %get3A_4 = vector.load %arg2[%get3A, %get3A_0, %get3A_1, %get3A_2, %get3A_3] : memref<1x1x32x128x128xf32, #tpu.memory_space<vmem>>, vector<1x1x32x128x128xf32>
    %get3A_5 = arith.constant 0 : index
    %get3A_6 = arith.constant 0 : index
    %get3A_7 = arith.constant 0 : index
    %get3A_8 = arith.constant 0 : index
    %get3A_9 = arith.constant 0 : index
    %get3A_10 = vector.load %arg3[%get3A_5, %get3A_6, %get3A_7, %get3A_8, %get3A_9] : memref<1x1x32x128x128xf32, #tpu.memory_space<vmem>>, vector<1x1x32x128x128xf32>
    %max3A = arith.constant 0.000000e+00 : f32
    %max3A_11 = vector.broadcast %max3A : f32 to vector<1x1x32x128x128xf32>
    %max3A_12 = arith.maximumf %get3A_4, %max3A_11 : vector<1x1x32x128x128xf32>
    %mul3A = arith.mulf %get3A_4, %get3A_10 : vector<1x1x32x128x128xf32>
    %sub3A = arith.subf %max3A_12, %mul3A : vector<1x1x32x128x128xf32>
    %abs3A = math.absf %get3A_4 : vector<1x1x32x128x128xf32>
    %neg3A = arith.constant 0.000000e+00 : f32
    %neg3A_13 = vector.broadcast %neg3A : f32 to vector<1x1x32x128x128xf32>
    %neg3A_14 = arith.subf %neg3A_13, %abs3A : vector<1x1x32x128x128xf32>
    %exp3A = math.exp %neg3A_14 : vector<1x1x32x128x128xf32>
    %log1p3A = math.log1p %exp3A : vector<1x1x32x128x128xf32>
    %add3A = arith.addf %sub3A, %log1p3A : vector<1x1x32x128x128xf32>
    %le3A = arith.constant 5.000000e-01 : f32
    %le3A_15 = vector.broadcast %le3A : f32 to vector<1x1x32x128x128xf32>
    %le3A_16 = arith.cmpf ole, %get3A_10, %le3A_15 : vector<1x1x32x128x128xf32>
    %bitcast_convert_type3A = tpu.bitcast %add3A : vector<1x1x32x128x128xf32> -> vector<1x1x32x128x128xi32>
    %jit3A = arith.constant -1 : i32
    %broadcast_in_dim3A = vector.broadcast %jit3A : i32 to vector<1x1x32x128x128xi32>
    %select_n3A = arith.select %le3A_16, %bitcast_convert_type3A, %broadcast_in_dim3A : vector<1x1x32x128x128xi1>, vector<1x1x32x128x128xi32>
    %swap3A = arith.constant 0 : index
    %swap3A_17 = arith.constant 0 : index
    %swap3A_18 = arith.constant 0 : index
    %swap3A_19 = arith.constant 0 : index
    %swap3A_20 = arith.constant 0 : index
    %swap3A_21 = vector.load %arg4[%swap3A, %swap3A_17, %swap3A_18, %swap3A_19, %swap3A_20] : memref<1x1x32x128x128xi32, #tpu.memory_space<vmem>>, vector<1x1x32x128x128xi32>
    tpu.vector_store %arg4[%swap3A, %swap3A_17, %swap3A_18, %swap3A_19, %swap3A_20], %select_n3A {strides = array<i32>} : memref<1x1x32x128x128xi32, #tpu.memory_space<vmem>>, vector<1x1x32x128x128xi32>,
    %jit3A_22 = arith.constant 0.000000e+00 : f32
    %broadcast_in_dim3A_23 = vector.broadcast %jit3A_22 : f32 to vector<1x1x32x128x128xf32>
    %select_n3A_24 = arith.select %le3A_16, %broadcast_in_dim3A_23, %add3A : vector<1x1x32x128x128xi1>, vector<1x1x32x128x128xf32>
    %reduce_sum3A = vector.shape_cast %select_n3A_24 : vector<1x1x32x128x128xf32> to vector<1x1x1x32x128x128xf32>
    %reduce_sum3A_25 = arith.constant dense<0.000000e+00> : vector<1xf32>
    %reduce_sum3A_26 = vector.multi_reduction <add>, %reduce_sum3A, %reduce_sum3A_25 [1, 2, 3, 4, 5] : vector<1x1x1x32x128x128xf32> to vector<1xf32>
    %reduce_sum3A_27 = vector.shape_cast %reduce_sum3A_26 : vector<1xf32> to vector<1x1x1x1x1x1xf32>
    %reduce_sum3A_28 = vector.extract %reduce_sum3A_27[0, 0, 0, 0, 0, 0] : f32 from vector<1x1x1x1x1x1xf32>
    %eq3A = arith.constant 0 : i32
    %eq3A_29 = arith.cmpi eq, %arg0, %eq3A : i32
    %eq3A_30 = arith.constant 0 : i32
    %eq3A_31 = arith.cmpi eq, %arg1, %eq3A_30 : i32
    %and3A = arith.andi %eq3A_29, %eq3A_31 : i1
    %convert_element_type3A = arith.extui %and3A : i1 to i32
    %cond3A = arith.constant 0 : i32
    %cond3A_32 = arith.cmpi ne, %convert_element_type3A, %cond3A : i32
    scf.if %cond3A_32 {
      %broadcast_in_dim3A_40 = arith.constant 0.000000e+00 : f32
      %broadcast_in_dim3A_41 = vector.broadcast %broadcast_in_dim3A_40 : f32 to vector<1x1xf32>
      %swap3A_42 = arith.constant 0 : index
      %swap3A_43 = arith.constant 0 : index
      %swap3A_44 = vector.load %arg5[%swap3A_42, %swap3A_43] : memref<1x1xf32, #tpu.memory_space<vmem>>, vector<1x1xf32>
      tpu.vector_store %arg5[%swap3A_42, %swap3A_43], %broadcast_in_dim3A_41 {strides = array<i32>} : memref<1x1xf32, #tpu.memory_space<vmem>>, vector<1x1xf32>,
    } else {
    }
    %get3A_33 = arith.constant 0 : index
    %get3A_34 = arith.constant 0 : index
    %get3A_35 = vector.load %arg5[%get3A_33, %get3A_34] : memref<1x1xf32, #tpu.memory_space<vmem>>, vector<1x1xf32>
    %reshape3A = vector.broadcast %reduce_sum3A_28 : f32 to vector<1x1xf32>
    %add3A_36 = arith.addf %get3A_35, %reshape3A : vector<1x1xf32>
    %swap3A_37 = arith.constant 0 : index
    %swap3A_38 = arith.constant 0 : index
    %swap3A_39 = vector.load %arg5[%swap3A_37, %swap3A_38] : memref<1x1xf32, #tpu.memory_space<vmem>>, vector<1x1xf32>
    tpu.vector_store %arg5[%swap3A_37, %swap3A_38], %add3A_36 {strides = array<i32>} : memref<1x1xf32, #tpu.memory_space<vmem>>, vector<1x1xf32>,
    return
  }
  func.func @transform_0(%arg0: i32, %arg1: i32) -> (i32, i32, i32, i32, i32) {
    %c0_i32 = arith.constant 0 : i32
    %c0_i32_0 = arith.constant 0 : i32
    %c0_i32_1 = arith.constant 0 : i32
    %c0_i32_2 = arith.constant 0 : i32
    return %arg0, %c0_i32, %arg1, %c0_i32_0, %c0_i32_1 : i32, i32, i32, i32, i32
  }
  func.func @transform_1(%arg0: i32, %arg1: i32) -> (i32, i32, i32, i32, i32) {
    %c0_i32 = arith.constant 0 : i32
    %c0_i32_0 = arith.constant 0 : i32
    %c0_i32_1 = arith.constant 0 : i32
    %c0_i32_2 = arith.constant 0 : i32
    return %arg0, %c0_i32, %arg1, %c0_i32_0, %c0_i32_1 : i32, i32, i32, i32, i32
  }
  func.func @transform_2(%arg0: i32, %arg1: i32) -> (i32, i32, i32, i32, i32) {
    %c0_i32 = arith.constant 0 : i32
    %c0_i32_0 = arith.constant 0 : i32
    %c0_i32_1 = arith.constant 0 : i32
    %c0_i32_2 = arith.constant 0 : i32
    return %arg0, %c0_i32, %arg1, %c0_i32_0, %c0_i32_1 : i32, i32, i32, i32, i32
  }
  func.func @transform_3(%arg0: i32, %arg1: i32) -> (i32, i32) {
    %c0_i32 = arith.constant 0 : i32
    %c0_i32_0 = arith.constant 0 : i32
    %c0_i32_1 = arith.constant 0 : i32
    return %c0_i32, %c0_i32_0 : i32, i32
  }
}

</mosaic_0001>

<sc_bundles>
// kernel: kernel.4.cloned.1.call-start
scs
__scs_entry_jumppad:
0x0: {  	(pc) =	sbr.rel $0x88, $3  }
0x1: {  	(tag) =	ssettag $0x0;
	lr =	simm.s32 $0x1  }
0x2: {  	[smem:$0x3F9F] =	sst lr;
	_ =	strace $0xD0000000  }
0x3: {  	_ = 	snop  }
0x4: {  	_ = 	snop  }
0x5: {  	_ = 	snop  }
0x6: {  	_ = 	snop  }
0x7: {  	_ = 	snop  }
__scs_overlays_trampoline_lowered:
0x8: {  	[smem:$0x3FAE] =	sst s0  }
0x9: {  	[smem:$0x3FAF] =	sst s1  }
0xa: {  	[smem:$0x3FB0] =	sst s2  }
0xb: {  	[smem:$0x3FB1] =	sst s3  }
0xc: {  	[smem:$0x3FB2] =	sst s4  }
0xd: {  	[smem:$0x3FB3] =	sst s5  }
0xe: {  	[smem:$0x3FB4] =	sst s6  }
0xf: {  	[smem:$0x3FB5] =	sst s7  }
0x10: {  	[smem:$0x3FB6] =	sst s8  }
0x11: {  	[smem:$0x3FB7] =	sst s9;
	s0 =	simm.s32 @!p0 $0x0  }
0x12: {  	s1 =	sld [smem:$0x3F9D];
	s0 =	simm.s32 @p0 $0x1  }
0x13: {  	[smem:$0x3FB8] =	sst s0;
	s0 =	simm.s32 @!p1 $0x0  }
0x14: {  	s2 =	sld [smem:$0x3F9C];
	s0 =	simm.s32 @p1 $0x1  }
0x15: {  	[smem:$0x3FB9] =	sst s0;
	s0 =	simm.s32 @!p2 $0x0  }
0x16: {  	s3 =	sld [smem:$0x3FDB];
	s0 =	simm.s32 @p2 $0x1  }
0x17: {  	s4 =	simm.s32 $0x1BF5;
	[smem:$0x3FBB] =	sst s0  }
0x18: {  	s0 =	sld [smem:$0x3F9E];
	_ =	swait.ge [sflag:s4], $0x0  }
0x19: {  	s7 =	sld [smem:$0x3F9F]  }
0x1a: {  	s8 =	sadd.s32 $0xFFFFE003, lr  }
0x1b: {  	s9 =	sadd.s32 $0xFFFFFEF7, lr;
	s5 =	simm.s32 $0xFFFFFFFF;
	p2 =	slt.u32 s8, $0xFFFFF086  }
0x1c: {  	p1 =	slt.u32 s9, $0xF7A;
	s5 =	simm.s32 @!p2 $0x0  }
0x1d: {  	s5 =	simm.s32 @p1 $0x1;
	p0 =	seq.s32 s7, s2  }
0x1e: {  	s7 =	smul.u32 @!p0 $0xF7A, s2;
	p2 =	seq.s32 @!p0 s5, $0x0  }
0x1f: {  	s9 =	smul.u32 $0xF7A, s1;
	s8 =	simm.s32 @!p0 $0x1BF5;
	p2 =	por !p2, p0  }
0x20: {  	[sflag:s8] =	ssyncset.s32 @!p0 $0xFFFFF086;
	s6 =	sadd.s32 @!p0 s3, s7;
	s7 =	simm.s32 @!p0 $0x108  }
0x21: {  	s3 =	sadd.s32 s3, s9;
	s6 =	sadd.s32 @!p0 $0x88, s6;
	s7 =	simm.s32 @p2 $0x1082  }
0x22: {  	[simem:s7], [sflag:s8] =	dma.local @!p0 [hbm:s6], $0xF7A  }
0x23: {  	s9 =	sor.u32 $0xD0000000, s2;
	s6 =	simm.s32 $0x108;
	_ =	swait.ge @!p0 [sflag:s8], $0x0  }
0x24: {  	s3 =	sadd.s32 $0x88, s3;
	s6 =	simm.s32 @!p1 $0x1082;
	[sflag:s4] =	ssyncset.s32 $0xFFFFF086  }
0x25: {  	[simem:s6], [sflag:s4] =	dma.local [hbm:s3], $0xF7A  }
0x26: {  	[smem:$0x3F9F] =	sst s1;
	(tag) =	ssettag s2;
	_ =	strace s9  }
0x27: {  	s1 =	sld [smem:$0x3FAF]  }
0x28: {  	s2 =	sld [smem:$0x3FB0]  }
0x29: {  	s4 =	sld [smem:$0x3FB2]  }
0x2a: {  	p0 =	seq.s32 s5, $0x0;
	s5 =	sld [smem:$0x3FB3]  }
0x2b: {  	s6 =	sld [smem:$0x3FB4]  }
0x2c: {  	s7 =	sld [smem:$0x3FB5]  }
0x2d: {  	s3 =	simm.s32 $0x108;
	s8 =	sld [smem:$0x3FB6]  }
0x2e: {  	s3 =	simm.s32 @!p0 $0x1082;
	s9 =	sld [smem:$0x3FB7]  }
0x2f: {  	lr =	sadd.s32 s0, s3;
	s0 =	sld [smem:$0x3FAE]  }
0x30: {  	s3 =	sld [smem:$0x3FB1]  }
0x31: {  	[smem:$0x3FBA] =	sst s10  }
0x32: {  	s10 =	sld [smem:$0x3FB8];
	_ =	sdelay $0x3  }
0x33: {  	p0 =	seq.s32 s10, $0x1;
	s10 =	sld [smem:$0x3FBA];
	_ =	sdelay $0x3  }
0x34: {  	[smem:$0x3FBA] =	sst s10  }
0x35: {  	s10 =	sld [smem:$0x3FB9];
	_ =	sdelay $0x3  }
0x36: {  	p1 =	seq.s32 s10, $0x1;
	s10 =	sld [smem:$0x3FBA];
	_ =	sdelay $0x3  }
0x37: {  	[smem:$0x3FBA] =	sst s10  }
0x38: {  	s10 =	sld [smem:$0x3FBB]  }
0x39: {  	_ = 	snop;
	(pc) =	sbr.ind lr, $3  }
0x3a: {  	_ = 	snop  }
0x3b: {  	_ = 	snop  }
0x3c: {  	p2 =	seq.s32 s10, $0x1;
	s10 =	sld [smem:$0x3FBA]  }
0x3d: {  	_ =	shalt  }
0x3e: {  	_ =	shalt  }
0x3f: {  	_ =	shalt  }
0x40: {  	_ =	shalt  }
0x41: {  	_ =	shalt  }
0x42: {  	_ =	shalt  }
0x43: {  	_ =	shalt  }
0x44: {  	_ =	shalt  }
0x45: {  	_ =	shalt  }
0x46: {  	_ =	shalt  }
0x47: {  	_ =	shalt  }
0x48: {  	_ =	shalt  }
0x49: {  	_ =	shalt  }
0x4a: {  	_ =	shalt  }
0x4b: {  	_ =	shalt  }
0x4c: {  	_ =	shalt  }
0x4d: {  	_ =	shalt  }
0x4e: {  	_ =	shalt  }
0x4f: {  	_ =	shalt  }
0x50: {  	_ =	shalt  }
0x51: {  	_ =	shalt  }
0x52: {  	_ =	shalt  }
0x53: {  	_ =	shalt  }
0x54: {  	_ =	shalt  }
0x55: {  	_ =	shalt  }
0x56: {  	_ =	shalt  }
0x57: {  	_ =	shalt  }
0x58: {  	_ =	shalt  }
0x59: {  	_ =	shalt  }
0x5a: {  	_ =	shalt  }
0x5b: {  	_ =	shalt  }
0x5c: {  	_ =	shalt  }
0x5d: {  	_ =	shalt  }
0x5e: {  	_ =	shalt  }
0x5f: {  	_ =	shalt  }
0x60: {  	_ =	shalt  }
0x61: {  	_ =	shalt  }
0x62: {  	_ =	shalt  }
0x63: {  	_ =	shalt  }
0x64: {  	_ =	shalt  }
0x65: {  	_ =	shalt  }
0x66: {  	_ =	shalt  }
0x67: {  	_ =	shalt  }
0x68: {  	_ =	shalt  }
0x69: {  	_ =	shalt  }
0x6a: {  	_ =	shalt  }
0x6b: {  	_ =	shalt  }
0x6c: {  	_ =	shalt  }
0x6d: {  	_ =	shalt  }
0x6e: {  	_ =	shalt  }
0x6f: {  	_ =	shalt  }
0x70: {  	_ =	shalt  }
0x71: {  	_ =	shalt  }
0x72: {  	_ =	shalt  }
0x73: {  	_ =	shalt  }
0x74: {  	_ =	shalt  }
0x75: {  	_ =	shalt  }
0x76: {  	_ =	shalt  }
0x77: {  	_ =	shalt  }
0x78: {  	_ =	shalt  }
0x79: {  	_ =	shalt  }
0x7a: {  	_ =	shalt  }
0x7b: {  	_ =	shalt  }
0x7c: {  	_ =	shalt  }
0x7d: {  	_ =	shalt  }
0x7e: {  	_ =	shalt  }
0x7f: {  	_ =	shalt  }
0x80: {  	_ =	shalt  }
0x81: {  	_ =	shalt  }
0x82: {  	_ =	shalt  }
0x83: {  	_ =	shalt  }
0x84: {  	_ =	shalt  }
0x85: {  	_ =	shalt  }
0x86: {  	_ =	shalt  }
0x87: {  	_ =	shalt  }
.Lfunc_end0:
.L_simem_size_0:
called_computation_lowered:
.L_overlay_start_0:
0x88: {  	s2 =	sld [smem:$0x3FD9]  }
0x89: {  	s3 =	sld [smem:$0x3FFE];
	_ =	sdelay $0x1  }
0x8a: {  	s1 =	srdreg.scid  }
0x8b: {  	s0 =	sand.u32 $0x1, s1  }
0x8c: {  	s16 =	sshll.u32 s0, $0xA;
	s2 =	sadd.s32 s3, s2  }
0x8d: {  	s2 =	sadd.s32 s2, s16  }
0x8e: {  	[smem:$0x3FC6] =	sst s2  }
0x8f: {  	_ = 	snop  }
0x90: {  	(tm) =	ssettm $0x1  }
0x91: {  	s17 =	sld [smem:$0x3FFB];
	_ =	sdelay $0x3  }
0x92: {  	_ =	strace s17  }
0x93: {  	s2 =	sld [smem:$0x3FFC];
	_ =	sdelay $0x3  }
0x94: {  	_ =	strace s2  }
0x95: {  	s2 =	sld [smem:$0x3FFD];
	_ =	sdelay $0x3  }
0x96: {  	_ =	strace s2  }
0x97: {  	_ =	strace $0x8FFFFFFF  }
0x98: {  	s18 =	sld [smem:$0x3FDB];
	_ =	sdelay $0x1  }
0x99: {  	s19 =	simm.s32 $_scs_section_size  }
0x9a: {  	s4 =	simm.s32 $_size__tile_overlayer_lowered;
	s5 =	simm.s32 $_tile_overlayer_lowered  }
0x9b: {  	s22 =	simm.s32 $0x1BFF;
	s21 =	sshll.u32 s5, $0x1;
	s2 =	sadd.s32 s19, s18  }
0x9c: {  	s6 =	simm.s32 $0x0;
	s20 =	sshll.u32 s4, $0x1;
	s4 =	sadd.s32 s21, s2  }
0x9d: {  	[timem:s6], [sflag:s22] =	dma.local [hbm:s4], s20  }
0x9e: {  	_ =	swait.ge [sflag:s22], s20  }
0x9f: {  	s3 =	ssub.s32 $0x0, s20;
	[sflag:s22] =	ssyncset.done $0x0  }
0xa0: {  	[sflag:s22] =	ssyncadd.s32 s3;
	_ =	sdelay $0x1  }
0xa1: {  	s23 =	simm.s32 $0x1B8B  }
0xa2: {  	_ =	swait.ge [sflag:s23], $0x1  }
0xa3: {  	[sflag:s23] =	ssyncset.done $0x0  }
0xa4: {  	s25 =	simm.s32 $0x1B8E;
	s24 =	sld [smem:$0x3FFE];
	[sflag:s23] =	ssyncadd.s32 $0xFFFFFFFF  }
0xa5: {  	s26 =	simm.s32 $execute0_lowered;
	[smem:$0x3FD2] =	sst s25  }
0xa6: {  	s4 =	sshll.u32 s26, $0x1;
	_ =	strace $0x80000046;
	[dreg:$0x1] =	wrdreg $0xFFFFFFFF  }
0xa7: {  	s28 =	simm.s32 $_size_execute0_lowered;
	s2 =	sadd.s32 s2, s4;
	[dreg:$0x0] =	wrdreg $0x0  }
0xa8: {  	s4 =	sshll.u32 s28, $0x1;
	[dreg:$0x2] =	wrdreg s2  }
0xa9: {  	[dreg:$0x3] =	wrdreg s4  }
0xaa: {  	[dreg:$0x4] =	wrdreg $0xC0  }
0xab: {  	_ =	task [dreg:s6], $0x5FFFF  }
0xac: {  	[dreg:$0x1] =	wrdreg $0xFFFFFFFF  }
0xad: {  	[dreg:$0x0] =	wrdreg $0x60  }
0xae: {  	[dreg:$0x2] =	wrdreg s24  }
0xaf: {  	[dreg:$0x3] =	wrdreg $0x9  }
0xb0: {  	_ =	task.clear_ibuf [dreg:s6], $0x4FFFF;
	_ =	strace $0x90000046  }
0xb1: {  	s29 =	simm.s32 $0x9;
	_ =	strace $0x80000048  }
0xb2: {  	_ =	swait.ge [sflag:s29], $0x1  }
0xb3: {  	[sflag:s29] =	ssyncadd.s32 $0xFFFFFFFF  }
0xb4: {  	_ =	strace $0x90000048  }
0xb5: {  	_ =	sfence  }
0xb6: {  	s30 =	sld [smem:$0x0];
	_ =	sdelay $0x2  }
0xb7: {  	s31 =	sshll.u32 s1, $0xD;
	s1 =	sshrl.u32 s1, $0x2  }
0xb8: {  	s3 =	sand.u32 $0x4000, s31;
	s1 =	sadd.s32 s1, s30  }
0xb9: {  	s0 =	sor.u32 s3, s0;
	s1 =	sshll.u32 s1, $0x11  }
0xba: {  	s0 =	sor.u32 s1, s0  }
0xbb: {  	s0 =	sadd.s32 $0x8F2B, s0  }
0xbc: {  	[sflag:s0] =	ssyncadd.remote.s32 $0x1  }
0xbd: {  	_ =	sfence.sel $0xFFFF  }
0xbe: {  	[dreg:$0x0] =	wrdreg $0xFFFFFFFF;
	(pc) =	sbr.abs _section_cstart, $3  }
0xbf: {  	[dreg:$0x1] =	wrdreg $0xFFFFFFFF  }
0xc0: {  	_ =	task.clear_ibuf [dreg:s6], $0x2FFFF;
	_ =	strace $0x9FFFFFFF  }
0xc1: {  	(tm) =	ssettm $0x7FFFFFFF  }
tec
execute0_lowered:
.L_overlay_start_1:
0x0: {  	(tag) =	ssettag $0x1  }
0x1: {  	s2 =	rddreg [dreg:$0x0]  }
0x2: {  	s3 =	simm.s32 $0x0;
	s0 =	srdreg.scid;
	s1 =	stileid.u32  }
0x3: {  	s22 =	simm.s32 $0x14000;
	s23 =	simm.s32 $0x3;
	s24 =	simm.s32 $0x2000  }
0x4: {  	s25 =	simm.s32 $0x1;
	s28 =	simm.s32 $0x2;
	s29 =	simm.s32 $0x80  }
0x5: {  	s30 =	simm.s32 $0x400;
	[smem:$0x7FF] =	sst s3;
	s0 =	sand.u32 $0x1, s0  }
0x6: {  	s4 =	sshll.u32 s1, $0x1;
	s26 =	sshll.u32 s1, $0xE;
	_ =	strace $0x80000047  }
0x7: {  	s14 =	sor.u32 s0, s4;
	s4 =	sand.u32 $0x30000, s26;
	s0 =	ssub.s32 $0x2, s0  }
0x8: {  	s26 =	simm.s32 $0x4000;
	s5 =	sshll.u32 s14, $0xE;
	s18 =	sadd.s32 s4, s2  }
0x9: {  	s31 =	sshrl.u32 s0, $0x1;
	s16 =	sshll.u32 s14, $0x4;
	s19 =	sadd.s32 s5, s2  }
0xa: {  	s0 =	ssub.s32 s0, s31;
	s20 =	sand.u32 $0x70, s16;
	s4 =	sadd.s32 $0x200, s19  }
0xb: {  	s5 =	sadd.s32 $0x600, s19;
	s6 =	sadd.s32 $0xA00, s19;
	s7 =	sadd.s32 $0xE00, s19  }
0xc: {  	s8 =	sadd.s32 $0x1200, s19;
	s9 =	sadd.s32 $0x1600, s19;
	s10 =	sadd.s32 $0x1A00, s19  }
0xd: {  	s11 =	sadd.s32 $0x1E00, s19;
	s12 =	sadd.s32 $0x2200, s19;
	s13 =	sadd.s32 $0x2600, s19  }
0xe: {  	s14 =	sadd.s32 $0x2A00, s19;
	s15 =	sadd.s32 $0x2E00, s19;
	s16 =	sadd.s32 $0x3200, s19  }
0xf: {  	s17 =	sadd.s32 $0x3600, s19;
	s20 =	sadd.s32 s20, s18;
	s18 =	sadd.s32 $0x3A00, s19  }
0x10: {  	v0 =	vimm.f32 $0.0e+00;
	v1 =	vimm.f32 $1.000000000e+00;
	s19 =	sadd.s32 $0x3E00, s19;
	s21 =	smax.u32 s0, $0x1;
	s20 =	sadd.s32 $0x80200, s20  }
.LBB2_1:
0x11: {  	s0 =	simm.s32 $0x0;
	s31 =	simm.s32 $0x200  }
.LBB2_2:
0x12: {  	p0 =	sne.s32 s31, $0x3FE00;
	[tilespmem:s0+$0x4070] =	vst v0  }
0x13: {  	[tilespmem:s0+$0x4000] =	vst v0  }
0x14: {  	[tilespmem:s0+$0x4010] =	vst v0  }
.Ltmp0:
0x15: {  	[tilespmem:s0+$0x4020] =	vst v0;
	(pc) =	sbr.rel @p0 .LBB2_2-.Ltmp0, $4  }
0x16: {  	[tilespmem:s0+$0x4030] =	vst v0  }
0x17: {  	[tilespmem:s0+$0x4040] =	vst v0  }
0x18: {  	[tilespmem:s0+$0x4050] =	vst v0  }
0x19: {  	[tilespmem:s0+$0x4060] =	vst v0;
	s0 =	sshra.s32 s31, $0x2;
	s31 =	sadd.s32 $0x200, s31  }
0x1a: {  	[tilespmem:s0+$0x4070] =	vst v0  }
0x1b: {  	[tilespmem:s0+$0x4000] =	vst v0  }
0x1c: {  	[tilespmem:s0+$0x4010] =	vst v0  }
0x1d: {  	[tilespmem:s0+$0x4020] =	vst v0  }
0x1e: {  	[tilespmem:s0+$0x4030] =	vst v0  }
0x1f: {  	[tilespmem:s0+$0x4040] =	vst v0  }
0x20: {  	[tilespmem:s0+$0x4050] =	vst v0  }
0x21: {  	[tilespmem:s0+$0x4060] =	vst v0;
	s1 =	simm.s32 $0x0  }
0x22: {  	[tilespmem:s22], [sflag:$0x3] =	stream.linear.gather [hbm4b:s2+s1], $0x80, $0x38;
	[tilespmem:$0x14080] =	vst v63  }
0x23: {  	_ =	swait.ge [sflag:s23], $0x80  }
0x24: {  	[sflag:s23] =	ssyncset.done $0x0  }
0x25: {  	[sflag:s23] =	ssyncadd.s32 $0xFFFFFF80  }
0x26: {  	v2 =	vld [tilespmem:$0x14000];
	[tilespmem:s1], [sflag:$0x1] =	stream.linear.gather [hbm4b:s4+s1], $0x2000, $0x38  }
0x27: {  	_ = 	snop  }
0x28: {  	[tilespmem:s24], [sflag:$0x2] =	stream.linear.gather [hbm4b:s5+s1], $0x2000, $0x38;
	[tilespmem:$0x14080] =	vst v63  }
0x29: {  	_ =	swait.ge [sflag:s25], $0x2000  }
0x2a: {  	[sflag:s25] =	ssyncset.done $0x0  }
0x2b: {  	s1 =	simm.s32 $0x0;
	[sflag:s25] =	ssyncadd.s32 $0xFFFFE000  }
0x2c: {  	v3 =	vld [tilespmem:s1+$0x0]  }
0x2d: {  	v4 =	vld [tilespmem:s1+$0x10]  }
0x2e: {  	v5 =	vld [tilespmem:s1+$0x20]  }
0x2f: {  	v6 =	vld [tilespmem:s1+$0x30]  }
0x30: {  	v7 =	vld [tilespmem:s1+$0x40]  }
0x31: {  	v8 =	vld [tilespmem:s1+$0x50];
	v9 =	vshrl.u32 v3, $0xF;
	vm0 =	vlt.s32 v3, $0x0  }
0x32: {  	v3 =	vld [tilespmem:s1+$0x60];
	v10 =	vshrl.u32 v4, $0xF;
	vm9 =	vlt.s32 v4, $0x0;
	v9 =	vsel vm0, v2, v9  }
0x33: {  	v58 =	vshrl.u32 v5, $0xF;
	vm10 =	vlt.s32 v5, $0x0;
	v4 =	vsel vm9, v2, v10  }
0x34: {  	v61 =	vld [tilespmem:s1+$0x70];
	v59 =	vshrl.u32 v6, $0xF;
	vm11 =	vlt.s32 v6, $0x0;
	v5 =	vsel vm10, v2, v58  }
0x35: {  	v60 =	vshrl.u32 v7, $0xF;
	vm12 =	vlt.s32 v7, $0x0;
	v6 =	vsel vm11, v2, v59  }
0x36: {  	v11 =	vshrl.u32 v8, $0xF;
	vm13 =	vlt.s32 v8, $0x0;
	v10 =	vsel vm12, v2, v60  }
0x37: {  	v8 =	vsel vm13, v2, v11;
	v62 =	vshrl.u32 v3, $0xF;
	vm14 =	vlt.s32 v3, $0x0;
	[tilespmem:v9+s26+$0x0] =	vst.idx.add.f32.msk $0xffff, v1  }
0x38: {  	v63 =	vsel vm14, v2, v62;
	[tilespmem:v4+s26+$0x0] =	vst.idx.add.f32.msk $0xffff, v1  }
0x39: {  	vm15 =	vlt.s32 v61, $0x0;
	v3 =	vshrl.u32 v61, $0xF;
	[tilespmem:v5+s26+$0x0] =	vst.idx.add.f32.msk $0xffff, v1  }
0x3a: {  	v3 =	vsel vm15, v2, v3;
	[tilespmem:v6+s26+$0x0] =	vst.idx.add.f32.msk $0xffff, v1  }
0x3b: {  	[tilespmem:v10+s26+$0x0] =	vst.idx.add.f32.msk $0xffff, v1  }
0x3c: {  	[tilespmem:v8+s26+$0x0] =	vst.idx.add.f32.msk $0xffff, v1  }
0x3d: {  	s31 =	simm.s32 $0x200;
	s0 =	simm.s32 $0x400;
	[tilespmem:v63+s26+$0x0] =	vst.idx.add.f32.msk $0xffff, v1  }
.LBB2_4:
0x3e: {  	p0 =	sne.s32 s0, $0x7E00  }
0x3f: {  	s1 =	sshra.s32 s31, $0x2;
	[tilespmem:v3+s26+$0x0] =	vst.idx.add.f32.msk $0xffff, v1;
	s31 =	smov.u32 s0;
	s0 =	sadd.s32 $0x200, s0  }
0x40: {  	v3 =	vld [tilespmem:s1+$0x0]  }
0x41: {  	v4 =	vld [tilespmem:s1+$0x10]  }
0x42: {  	v5 =	vld [tilespmem:s1+$0x20]  }
0x43: {  	v6 =	vld [tilespmem:s1+$0x30]  }
0x44: {  	v7 =	vld [tilespmem:s1+$0x40]  }
0x45: {  	v8 =	vld [tilespmem:s1+$0x50];
	v9 =	vshrl.u32 v3, $0xF;
	vm0 =	vlt.s32 v3, $0x0  }
0x46: {  	v3 =	vld [tilespmem:s1+$0x60];
	v9 =	vsel vm0, v2, v9;
	v10 =	vshrl.u32 v4, $0xF;
	vm0 =	vlt.s32 v4, $0x0  }
0x47: {  	v4 =	vld [tilespmem:s1+$0x70];
	v10 =	vsel vm0, v2, v10;
	v11 =	vshrl.u32 v5, $0xF;
	vm0 =	vlt.s32 v5, $0x0  }
0x48: {  	v5 =	vsel vm0, v2, v11;
	v11 =	vshrl.u32 v6, $0xF;
	vm0 =	vlt.s32 v6, $0x0  }
0x49: {  	v6 =	vsel vm0, v2, v11;
	v11 =	vshrl.u32 v7, $0xF;
	vm0 =	vlt.s32 v7, $0x0  }
0x4a: {  	v7 =	vsel vm0, v2, v11;
	v11 =	vshrl.u32 v8, $0xF;
	vm0 =	vlt.s32 v8, $0x0  }
0x4b: {  	v8 =	vsel vm0, v2, v11;
	v11 =	vshrl.u32 v3, $0xF;
	vm0 =	vlt.s32 v3, $0x0;
	[tilespmem:v9+s26+$0x0] =	vst.idx.add.f32.msk $0xffff, v1  }
0x4c: {  	v9 =	vsel vm0, v2, v11;
	v3 =	vshrl.u32 v4, $0xF;
	vm0 =	vlt.s32 v4, $0x0;
	[tilespmem:v10+s26+$0x0] =	vst.idx.add.f32.msk $0xffff, v1  }
.Ltmp1:
0x4d: {  	v3 =	vsel vm0, v2, v3;
	[tilespmem:v5+s26+$0x0] =	vst.idx.add.f32.msk $0xffff, v1;
	(pc) =	sbr.rel @p0 .LBB2_4-.Ltmp1, $4  }
0x4e: {  	[tilespmem:v6+s26+$0x0] =	vst.idx.add.f32.msk $0xffff, v1  }
0x4f: {  	[tilespmem:v7+s26+$0x0] =	vst.idx.add.f32.msk $0xffff, v1  }
0x50: {  	[tilespmem:v8+s26+$0x0] =	vst.idx.add.f32.msk $0xffff, v1  }
0x51: {  	[tilespmem:v9+s26+$0x0] =	vst.idx.add.f32.msk $0xffff, v1  }
0x52: {  	_ =	sdelay $0x3  }
0x53: {  	s0 =	sshra.s32 s31, $0x2;
	[tilespmem:v3+s26+$0x0] =	vst.idx.add.f32.msk $0xffff, v1  }
0x54: {  	v3 =	vld [tilespmem:s0+$0x0]  }
0x55: {  	v4 =	vld [tilespmem:s0+$0x10]  }
0x56: {  	v5 =	vld [tilespmem:s0+$0x20]  }
0x57: {  	v6 =	vld [tilespmem:s0+$0x30]  }
0x58: {  	v7 =	vld [tilespmem:s0+$0x40]  }
0x59: {  	v8 =	vld [tilespmem:s0+$0x50];
	v9 =	vshrl.u32 v3, $0xF;
	vm0 =	vlt.s32 v3, $0x0  }
0x5a: {  	v3 =	vld [tilespmem:s0+$0x60];
	v10 =	vshrl.u32 v4, $0xF;
	vm13 =	vlt.s32 v4, $0x0;
	v9 =	vsel vm0, v2, v9  }
0x5b: {  	v4 =	vld [tilespmem:s0+$0x70];
	v11 =	vshrl.u32 v5, $0xF;
	vm14 =	vlt.s32 v5, $0x0;
	v10 =	vsel vm13, v2, v10  }
0x5c: {  	v47 =	vshrl.u32 v6, $0xF;
	vm15 =	vlt.s32 v6, $0x0;
	v5 =	vsel vm14, v2, v11  }
0x5d: {  	v48 =	vshrl.u32 v7, $0xF;
	vm4 =	vlt.s32 v7, $0x0;
	v6 =	vsel vm15, v2, v47  }
0x5e: {  	v49 =	vshrl.u32 v8, $0xF;
	vm5 =	vlt.s32 v8, $0x0;
	v7 =	vsel vm4, v2, v48  }
0x5f: {  	v8 =	vsel vm5, v2, v49;
	v50 =	vshrl.u32 v3, $0xF;
	vm6 =	vlt.s32 v3, $0x0;
	[tilespmem:v9+s26+$0x0] =	vst.idx.add.f32.msk $0xffff, v1  }
0x60: {  	v51 =	vshrl.u32 v4, $0xF;
	vm7 =	vlt.s32 v4, $0x0;
	v3 =	vsel vm6, v2, v50;
	[tilespmem:v10+s26+$0x0] =	vst.idx.add.f32.msk $0xffff, v1  }
0x61: {  	v4 =	vsel vm7, v2, v51;
	[tilespmem:v5+s26+$0x0] =	vst.idx.add.f32.msk $0xffff, v1  }
0x62: {  	[tilespmem:v6+s26+$0x0] =	vst.idx.add.f32.msk $0xffff, v1  }
0x63: {  	[tilespmem:v7+s26+$0x0] =	vst.idx.add.f32.msk $0xffff, v1  }
0x64: {  	[tilespmem:v8+s26+$0x0] =	vst.idx.add.f32.msk $0xffff, v1  }
0x65: {  	[tilespmem:v3+s26+$0x0] =	vst.idx.add.f32.msk $0xffff, v1  }
0x66: {  	s1 =	simm.s32 $0x0;
	[tilespmem:v4+s26+$0x0] =	vst.idx.add.f32.msk $0xffff, v1  }
0x67: {  	[tilespmem:s1], [sflag:$0x1] =	stream.linear.gather [hbm4b:s6+s1], $0x2000, $0x38;
	[tilespmem:$0x14080] =	vst v63  }
0x68: {  	_ =	swait.ge [sflag:s28], $0x2000  }
0x69: {  	[sflag:s28] =	ssyncset.done $0x0  }
0x6a: {  	s1 =	simm.s32 $0x0;
	[sflag:s28] =	ssyncadd.s32 $0xFFFFE000  }
0x6b: {  	v3 =	vld [tilespmem:s1+$0x2000]  }
0x6c: {  	v4 =	vld [tilespmem:s1+$0x2010]  }
0x6d: {  	v5 =	vld [tilespmem:s1+$0x2020]  }
0x6e: {  	v52 =	vld [tilespmem:s1+$0x2030]  }
0x6f: {  	v53 =	vld [tilespmem:s1+$0x2040]  }
0x70: {  	v54 =	vld [tilespmem:s1+$0x2050];
	v55 =	vshrl.u32 v3, $0xF;
	vm8 =	vlt.s32 v3, $0x0  }
0x71: {  	v3 =	vld [tilespmem:s1+$0x2060];
	v56 =	vshrl.u32 v4, $0xF;
	vm9 =	vlt.s32 v4, $0x0;
	v9 =	vsel vm8, v2, v55  }
0x72: {  	v57 =	vshrl.u32 v5, $0xF;
	vm10 =	vlt.s32 v5, $0x0;
	v4 =	vsel vm9, v2, v56  }
0x73: {  	v60 =	vld [tilespmem:s1+$0x2070];
	v58 =	vshrl.u32 v52, $0xF;
	vm11 =	vlt.s32 v52, $0x0;
	v5 =	vsel vm10, v2, v57  }
0x74: {  	v59 =	vshrl.u32 v53, $0xF;
	vm12 =	vlt.s32 v53, $0x0;
	v6 =	vsel vm11, v2, v58  }
0x75: {  	v61 =	vshrl.u32 v54, $0xF;
	vm13 =	vlt.s32 v54, $0x0;
	v10 =	vsel vm12, v2, v59  }
0x76: {  	v8 =	vsel vm13, v2, v61;
	v62 =	vshrl.u32 v3, $0xF;
	vm14 =	vlt.s32 v3, $0x0;
	[tilespmem:v9+s26+$0x0] =	vst.idx.add.f32.msk $0xffff, v1  }
0x77: {  	v63 =	vsel vm14, v2, v62;
	[tilespmem:v4+s26+$0x0] =	vst.idx.add.f32.msk $0xffff, v1  }
0x78: {  	vm15 =	vlt.s32 v60, $0x0;
	v3 =	vshrl.u32 v60, $0xF;
	[tilespmem:v5+s26+$0x0] =	vst.idx.add.f32.msk $0xffff, v1  }
0x79: {  	v3 =	vsel vm15, v2, v3;
	[tilespmem:v6+s26+$0x0] =	vst.idx.add.f32.msk $0xffff, v1  }
0x7a: {  	[tilespmem:v10+s26+$0x0] =	vst.idx.add.f32.msk $0xffff, v1  }
0x7b: {  	[tilespmem:v8+s26+$0x0] =	vst.idx.add.f32.msk $0xffff, v1  }
0x7c: {  	s31 =	simm.s32 $0x200;
	s0 =	simm.s32 $0x400;
	[tilespmem:v63+s26+$0x0] =	vst.idx.add.f32.msk $0xffff, v1  }
.LBB2_6:
0x7d: {  	p0 =	sne.s32 s0, $0x7E00  }
0x7e: {  	s1 =	sshra.s32 s31, $0x2;
	[tilespmem:v3+s26+$0x0] =	vst.idx.add.f32.msk $0xffff, v1;
	s31 =	smov.u32 s0;
	s0 =	sadd.s32 $0x200, s0  }
0x7f: {  	v3 =	vld [tilespmem:s1+$0x2000]  }
0x80: {  	v4 =	vld [tilespmem:s1+$0x2010]  }
0x81: {  	v5 =	vld [tilespmem:s1+$0x2020]  }
0x82: {  	v6 =	vld [tilespmem:s1+$0x2030]  }
0x83: {  	v7 =	vld [tilespmem:s1+$0x2040]  }
0x84: {  	v8 =	vld [tilespmem:s1+$0x2050];
	v9 =	vshrl.u32 v3, $0xF;
	vm0 =	vlt.s32 v3, $0x0  }
0x85: {  	v3 =	vld [tilespmem:s1+$0x2060];
	v9 =	vsel vm0, v2, v9;
	v10 =	vshrl.u32 v4, $0xF;
	vm0 =	vlt.s32 v4, $0x0  }
0x86: {  	v4 =	vld [tilespmem:s1+$0x2070];
	v10 =	vsel vm0, v2, v10;
	v11 =	vshrl.u32 v5, $0xF;
	vm0 =	vlt.s32 v5, $0x0  }
0x87: {  	v5 =	vsel vm0, v2, v11;
	v11 =	vshrl.u32 v6, $0xF;
	vm0 =	vlt.s32 v6, $0x0  }
0x88: {  	v6 =	vsel vm0, v2, v11;
	v11 =	vshrl.u32 v7, $0xF;
	vm0 =	vlt.s32 v7, $0x0  }
0x89: {  	v7 =	vsel vm0, v2, v11;
	v11 =	vshrl.u32 v8, $0xF;
	vm0 =	vlt.s32 v8, $0x0  }
0x8a: {  	v8 =	vsel vm0, v2, v11;
	v11 =	vshrl.u32 v3, $0xF;
	vm0 =	vlt.s32 v3, $0x0;
	[tilespmem:v9+s26+$0x0] =	vst.idx.add.f32.msk $0xffff, v1  }
0x8b: {  	v9 =	vsel vm0, v2, v11;
	v3 =	vshrl.u32 v4, $0xF;
	vm0 =	vlt.s32 v4, $0x0;
	[tilespmem:v10+s26+$0x0] =	vst.idx.add.f32.msk $0xffff, v1  }
.Ltmp2:
0x8c: {  	v3 =	vsel vm0, v2, v3;
	[tilespmem:v5+s26+$0x0] =	vst.idx.add.f32.msk $0xffff, v1;
	(pc) =	sbr.rel @p0 .LBB2_6-.Ltmp2, $4  }
0x8d: {  	[tilespmem:v6+s26+$0x0] =	vst.idx.add.f32.msk $0xffff, v1  }
0x8e: {  	[tilespmem:v7+s26+$0x0] =	vst.idx.add.f32.msk $0xffff, v1  }
0x8f: {  	[tilespmem:v8+s26+$0x0] =	vst.idx.add.f32.msk $0xffff, v1  }
0x90: {  	[tilespmem:v9+s26+$0x0] =	vst.idx.add.f32.msk $0xffff, v1  }
0x91: {  	_ =	sdelay $0x3  }
0x92: {  	s0 =	sshra.s32 s31, $0x2;
	[tilespmem:v3+s26+$0x0] =	vst.idx.add.f32.msk $0xffff, v1  }
0x93: {  	v3 =	vld [tilespmem:s0+$0x2000]  }
0x94: {  	v4 =	vld [tilespmem:s0+$0x2010]  }
0x95: {  	v5 =	vld [tilespmem:s0+$0x2020]  }
0x96: {  	v6 =	vld [tilespmem:s0+$0x2030]  }
0x97: {  	v7 =	vld [tilespmem:s0+$0x2040]  }
0x98: {  	v8 =	vld [tilespmem:s0+$0x2050];
	v9 =	vshrl.u32 v3, $0xF;
	vm0 =	vlt.s32 v3, $0x0  }
0x99: {  	v3 =	vld [tilespmem:s0+$0x2060];
	v10 =	vshrl.u32 v4, $0xF;
	vm13 =	vlt.s32 v4, $0x0;
	v9 =	vsel vm0, v2, v9  }
0x9a: {  	v4 =	vld [tilespmem:s0+$0x2070];
	v11 =	vshrl.u32 v5, $0xF;
	vm14 =	vlt.s32 v5, $0x0;
	v10 =	vsel vm13, v2, v10  }
0x9b: {  	v47 =	vshrl.u32 v6, $0xF;
	vm15 =	vlt.s32 v6, $0x0;
	v5 =	vsel vm14, v2, v11  }
0x9c: {  	v48 =	vshrl.u32 v7, $0xF;
	vm4 =	vlt.s32 v7, $0x0;
	v6 =	vsel vm15, v2, v47  }
0x9d: {  	v49 =	vshrl.u32 v8, $0xF;
	vm5 =	vlt.s32 v8, $0x0;
	v7 =	vsel vm4, v2, v48  }
0x9e: {  	v8 =	vsel vm5, v2, v49;
	v50 =	vshrl.u32 v3, $0xF;
	vm6 =	vlt.s32 v3, $0x0;
	[tilespmem:v9+s26+$0x0] =	vst.idx.add.f32.msk $0xffff, v1  }
0x9f: {  	v51 =	vshrl.u32 v4, $0xF;
	vm7 =	vlt.s32 v4, $0x0;
	v3 =	vsel vm6, v2, v50;
	[tilespmem:v10+s26+$0x0] =	vst.idx.add.f32.msk $0xffff, v1  }
0xa0: {  	v4 =	vsel vm7, v2, v51;
	[tilespmem:v5+s26+$0x0] =	vst.idx.add.f32.msk $0xffff, v1  }
0xa1: {  	[tilespmem:v6+s26+$0x0] =	vst.idx.add.f32.msk $0xffff, v1  }
0xa2: {  	[tilespmem:v7+s26+$0x0] =	vst.idx.add.f32.msk $0xffff, v1  }
0xa3: {  	[tilespmem:v8+s26+$0x0] =	vst.idx.add.f32.msk $0xffff, v1  }
0xa4: {  	[tilespmem:v3+s26+$0x0] =	vst.idx.add.f32.msk $0xffff, v1  }
0xa5: {  	s1 =	simm.s32 $0x0;
	[tilespmem:v4+s26+$0x0] =	vst.idx.add.f32.msk $0xffff, v1  }
0xa6: {  	[tilespmem:s24], [sflag:$0x2] =	stream.linear.gather [hbm4b:s7+s1], $0x2000, $0x38;
	[tilespmem:$0x14080] =	vst v63  }
0xa7: {  	_ =	swait.ge [sflag:s25], $0x2000  }
0xa8: {  	[sflag:s25] =	ssyncset.done $0x0  }
0xa9: {  	s1 =	simm.s32 $0x0;
	[sflag:s25] =	ssyncadd.s32 $0xFFFFE000  }
0xaa: {  	v3 =	vld [tilespmem:s1+$0x0]  }
0xab: {  	v4 =	vld [tilespmem:s1+$0x10]  }
0xac: {  	v5 =	vld [tilespmem:s1+$0x20]  }
0xad: {  	v52 =	vld [tilespmem:s1+$0x30]  }
0xae: {  	v53 =	vld [tilespmem:s1+$0x40]  }
0xaf: {  	v54 =	vld [tilespmem:s1+$0x50];
	v55 =	vshrl.u32 v3, $0xF;
	vm8 =	vlt.s32 v3, $0x0  }
0xb0: {  	v3 =	vld [tilespmem:s1+$0x60];
	v56 =	vshrl.u32 v4, $0xF;
	vm9 =	vlt.s32 v4, $0x0;
	v9 =	vsel vm8, v2, v55  }
0xb1: {  	v57 =	vshrl.u32 v5, $0xF;
	vm10 =	vlt.s32 v5, $0x0;
	v4 =	vsel vm9, v2, v56  }
0xb2: {  	v60 =	vld [tilespmem:s1+$0x70];
	v58 =	vshrl.u32 v52, $0xF;
	vm11 =	vlt.s32 v52, $0x0;
	v5 =	vsel vm10, v2, v57  }
0xb3: {  	v59 =	vshrl.u32 v53, $0xF;
	vm12 =	vlt.s32 v53, $0x0;
	v6 =	vsel vm11, v2, v58  }
0xb4: {  	v61 =	vshrl.u32 v54, $0xF;
	vm13 =	vlt.s32 v54, $0x0;
	v10 =	vsel vm12, v2, v59  }
0xb5: {  	v8 =	vsel vm13, v2, v61;
	v62 =	vshrl.u32 v3, $0xF;
	vm14 =	vlt.s32 v3, $0x0;
	[tilespmem:v9+s26+$0x0] =	vst.idx.add.f32.msk $0xffff, v1  }
0xb6: {  	v63 =	vsel vm14, v2, v62;
	[tilespmem:v4+s26+$0x0] =	vst.idx.add.f32.msk $0xffff, v1  }
0xb7: {  	vm15 =	vlt.s32 v60, $0x0;
	v3 =	vshrl.u32 v60, $0xF;
	[tilespmem:v5+s26+$0x0] =	vst.idx.add.f32.msk $0xffff, v1  }
0xb8: {  	v3 =	vsel vm15, v2, v3;
	[tilespmem:v6+s26+$0x0] =	vst.idx.add.f32.msk $0xffff, v1  }
0xb9: {  	[tilespmem:v10+s26+$0x0] =	vst.idx.add.f32.msk $0xffff, v1  }
0xba: {  	[tilespmem:v8+s26+$0x0] =	vst.idx.add.f32.msk $0xffff, v1  }
0xbb: {  	s31 =	simm.s32 $0x200;
	s0 =	simm.s32 $0x400;
	[tilespmem:v63+s26+$0x0] =	vst.idx.add.f32.msk $0xffff, v1  }
.LBB2_8:
0xbc: {  	p0 =	sne.s32 s0, $0x7E00  }
0xbd: {  	s1 =	sshra.s32 s31, $0x2;
	[tilespmem:v3+s26+$0x0] =	vst.idx.add.f32.msk $0xffff, v1;
	s31 =	smov.u32 s0;
	s0 =	sadd.s32 $0x200, s0  }
0xbe: {  	v3 =	vld [tilespmem:s1+$0x0]  }
0xbf: {  	v4 =	vld [tilespmem:s1+$0x10]  }
0xc0: {  	v5 =	vld [tilespmem:s1+$0x20]  }
0xc1: {  	v6 =	vld [tilespmem:s1+$0x30]  }
0xc2: {  	v7 =	vld [tilespmem:s1+$0x40]  }
0xc3: {  	v8 =	vld [tilespmem:s1+$0x50];
	v9 =	vshrl.u32 v3, $0xF;
	vm0 =	vlt.s32 v3, $0x0  }
0xc4: {  	v3 =	vld [tilespmem:s1+$0x60];
	v9 =	vsel vm0, v2, v9;
	v10 =	vshrl.u32 v4, $0xF;
	vm0 =	vlt.s32 v4, $0x0  }
0xc5: {  	v4 =	vld [tilespmem:s1+$0x70];
	v10 =	vsel vm0, v2, v10;
	v11 =	vshrl.u32 v5, $0xF;
	vm0 =	vlt.s32 v5, $0x0  }
0xc6: {  	v5 =	vsel vm0, v2, v11;
	v11 =	vshrl.u32 v6, $0xF;
	vm0 =	vlt.s32 v6, $0x0  }
0xc7: {  	v6 =	vsel vm0, v2, v11;
	v11 =	vshrl.u32 v7, $0xF;
	vm0 =	vlt.s32 v7, $0x0  }
0xc8: {  	v7 =	vsel vm0, v2, v11;
	v11 =	vshrl.u32 v8, $0xF;
	vm0 =	vlt.s32 v8, $0x0  }
0xc9: {  	v8 =	vsel vm0, v2, v11;
	v11 =	vshrl.u32 v3, $0xF;
	vm0 =	vlt.s32 v3, $0x0;
	[tilespmem:v9+s26+$0x0] =	vst.idx.add.f32.msk $0xffff, v1  }
0xca: {  	v9 =	vsel vm0, v2, v11;
	v3 =	vshrl.u32 v4, $0xF;
	vm0 =	vlt.s32 v4, $0x0;
	[tilespmem:v10+s26+$0x0] =	vst.idx.add.f32.msk $0xffff, v1  }
.Ltmp3:
0xcb: {  	v3 =	vsel vm0, v2, v3;
	[tilespmem:v5+s26+$0x0] =	vst.idx.add.f32.msk $0xffff, v1;
	(pc) =	sbr.rel @p0 .LBB2_8-.Ltmp3, $4  }
0xcc: {  	[tilespmem:v6+s26+$0x0] =	vst.idx.add.f32.msk $0xffff, v1  }
0xcd: {  	[tilespmem:v7+s26+$0x0] =	vst.idx.add.f32.msk $0xffff, v1  }
0xce: {  	[tilespmem:v8+s26+$0x0] =	vst.idx.add.f32.msk $0xffff, v1  }
0xcf: {  	[tilespmem:v9+s26+$0x0] =	vst.idx.add.f32.msk $0xffff, v1  }
0xd0: {  	_ =	sdelay $0x3  }
0xd1: {  	s0 =	sshra.s32 s31, $0x2;
	[tilespmem:v3+s26+$0x0] =	vst.idx.add.f32.msk $0xffff, v1  }
0xd2: {  	v3 =	vld [tilespmem:s0+$0x0]  }
0xd3: {  	v4 =	vld [tilespmem:s0+$0x10]  }
0xd4: {  	v5 =	vld [tilespmem:s0+$0x20]  }
0xd5: {  	v6 =	vld [tilespmem:s0+$0x30]  }
0xd6: {  	v7 =	vld [tilespmem:s0+$0x40]  }
0xd7: {  	v8 =	vld [tilespmem:s0+$0x50];
	v9 =	vshrl.u32 v3, $0xF;
	vm0 =	vlt.s32 v3, $0x0  }
0xd8: {  	v3 =	vld [tilespmem:s0+$0x60];
	v10 =	vshrl.u32 v4, $0xF;
	vm13 =	vlt.s32 v4, $0x0;
	v9 =	vsel vm0, v2, v9  }
0xd9: {  	v4 =	vld [tilespmem:s0+$0x70];
	v11 =	vshrl.u32 v5, $0xF;
	vm14 =	vlt.s32 v5, $0x0;
	v10 =	vsel vm13, v2, v10  }
0xda: {  	v47 =	vshrl.u32 v6, $0xF;
	vm15 =	vlt.s32 v6, $0x0;
	v5 =	vsel vm14, v2, v11  }
0xdb: {  	v48 =	vshrl.u32 v7, $0xF;
	vm4 =	vlt.s32 v7, $0x0;
	v6 =	vsel vm15, v2, v47  }
0xdc: {  	v49 =	vshrl.u32 v8, $0xF;
	vm5 =	vlt.s32 v8, $0x0;
	v7 =	vsel vm4, v2, v48  }
0xdd: {  	v8 =	vsel vm5, v2, v49;
	v50 =	vshrl.u32 v3, $0xF;
	vm6 =	vlt.s32 v3, $0x0;
	[tilespmem:v9+s26+$0x0] =	vst.idx.add.f32.msk $0xffff, v1  }
0xde: {  	v51 =	vshrl.u32 v4, $0xF;
	vm7 =	vlt.s32 v4, $0x0;
	v3 =	vsel vm6, v2, v50;
	[tilespmem:v10+s26+$0x0] =	vst.idx.add.f32.msk $0xffff, v1  }
0xdf: {  	v4 =	vsel vm7, v2, v51;
	[tilespmem:v5+s26+$0x0] =	vst.idx.add.f32.msk $0xffff, v1  }
0xe0: {  	[tilespmem:v6+s26+$0x0] =	vst.idx.add.f32.msk $0xffff, v1  }
0xe1: {  	[tilespmem:v7+s26+$0x0] =	vst.idx.add.f32.msk $0xffff, v1  }
0xe2: {  	[tilespmem:v8+s26+$0x0] =	vst.idx.add.f32.msk $0xffff, v1  }
0xe3: {  	[tilespmem:v3+s26+$0x0] =	vst.idx.add.f32.msk $0xffff, v1  }
0xe4: {  	s1 =	simm.s32 $0x0;
	[tilespmem:v4+s26+$0x0] =	vst.idx.add.f32.msk $0xffff, v1  }
0xe5: {  	[tilespmem:s1], [sflag:$0x1] =	stream.linear.gather [hbm4b:s8+s1], $0x2000, $0x38;
	[tilespmem:$0x14080] =	vst v63  }
0xe6: {  	_ =	swait.ge [sflag:s28], $0x2000  }
0xe7: {  	[sflag:s28] =	ssyncset.done $0x0  }
0xe8: {  	s1 =	simm.s32 $0x0;
	[sflag:s28] =	ssyncadd.s32 $0xFFFFE000  }
0xe9: {  	v3 =	vld [tilespmem:s1+$0x2000]  }
0xea: {  	v4 =	vld [tilespmem:s1+$0x2010]  }
0xeb: {  	v5 =	vld [tilespmem:s1+$0x2020]  }
0xec: {  	v52 =	vld [tilespmem:s1+$0x2030]  }
0xed: {  	v53 =	vld [tilespmem:s1+$0x2040]  }
0xee: {  	v54 =	vld [tilespmem:s1+$0x2050];
	v55 =	vshrl.u32 v3, $0xF;
	vm8 =	vlt.s32 v3, $0x0  }
0xef: {  	v3 =	vld [tilespmem:s1+$0x2060];
	v56 =	vshrl.u32 v4, $0xF;
	vm9 =	vlt.s32 v4, $0x0;
	v9 =	vsel vm8, v2, v55  }
0xf0: {  	v57 =	vshrl.u32 v5, $0xF;
	vm10 =	vlt.s32 v5, $0x0;
	v4 =	vsel vm9, v2, v56  }
0xf1: {  	v60 =	vld [tilespmem:s1+$0x2070];
	v58 =	vshrl.u32 v52, $0xF;
	vm11 =	vlt.s32 v52, $0x0;
	v5 =	vsel vm10, v2, v57  }
0xf2: {  	v59 =	vshrl.u32 v53, $0xF;
	vm12 =	vlt.s32 v53, $0x0;
	v6 =	vsel vm11, v2, v58  }
0xf3: {  	v61 =	vshrl.u32 v54, $0xF;
	vm13 =	vlt.s32 v54, $0x0;
	v10 =	vsel vm12, v2, v59  }
0xf4: {  	v8 =	vsel vm13, v2, v61;
	v62 =	vshrl.u32 v3, $0xF;
	vm14 =	vlt.s32 v3, $0x0;
	[tilespmem:v9+s26+$0x0] =	vst.idx.add.f32.msk $0xffff, v1  }
0xf5: {  	v63 =	vsel vm14, v2, v62;
	[tilespmem:v4+s26+$0x0] =	vst.idx.add.f32.msk $0xffff, v1  }
0xf6: {  	vm15 =	vlt.s32 v60, $0x0;
	v3 =	vshrl.u32 v60, $0xF;
	[tilespmem:v5+s26+$0x0] =	vst.idx.add.f32.msk $0xffff, v1  }
0xf7: {  	v3 =	vsel vm15, v2, v3;
	[tilespmem:v6+s26+$0x0] =	vst.idx.add.f32.msk $0xffff, v1  }
0xf8: {  	[tilespmem:v10+s26+$0x0] =	vst.idx.add.f32.msk $0xffff, v1  }
0xf9: {  	[tilespmem:v8+s26+$0x0] =	vst.idx.add.f32.msk $0xffff, v1  }
0xfa: {  	s31 =	simm.s32 $0x200;
	s0 =	simm.s32 $0x400;
	[tilespmem:v63+s26+$0x0] =	vst.idx.add.f32.msk $0xffff, v1  }
.LBB2_10:
0xfb: {  	p0 =	sne.s32 s0, $0x7E00  }
0xfc: {  	s1 =	sshra.s32 s31, $0x2;
	[tilespmem:v3+s26+$0x0] =	vst.idx.add.f32.msk $0xffff, v1;
	s31 =	smov.u32 s0;
	s0 =	sadd.s32 $0x200, s0  }
0xfd: {  	v3 =	vld [tilespmem:s1+$0x2000]  }
0xfe: {  	v4 =	vld [tilespmem:s1+$0x2010]  }
0xff: {  	v5 =	vld [tilespmem:s1+$0x2020]  }
0x100: {  	v6 =	vld [tilespmem:s1+$0x2030]  }
0x101: {  	v7 =	vld [tilespmem:s1+$0x2040]  }
0x102: {  	v8 =	vld [tilespmem:s1+$0x2050];
	v9 =	vshrl.u32 v3, $0xF;
	vm0 =	vlt.s32 v3, $0x0  }
0x103: {  	v3 =	vld [tilespmem:s1+$0x2060];
	v9 =	vsel vm0, v2, v9;
	v10 =	vshrl.u32 v4, $0xF;
	vm0 =	vlt.s32 v4, $0x0  }
0x104: {  	v4 =	vld [tilespmem:s1+$0x2070];
	v10 =	vsel vm0, v2, v10;
	v11 =	vshrl.u32 v5, $0xF;
	vm0 =	vlt.s32 v5, $0x0  }
0x105: {  	v5 =	vsel vm0, v2, v11;
	v11 =	vshrl.u32 v6, $0xF;
	vm0 =	vlt.s32 v6, $0x0  }
0x106: {  	v6 =	vsel vm0, v2, v11;
	v11 =	vshrl.u32 v7, $0xF;
	vm0 =	vlt.s32 v7, $0x0  }
0x107: {  	v7 =	vsel vm0, v2, v11;
	v11 =	vshrl.u32 v8, $0xF;
	vm0 =	vlt.s32 v8, $0x0  }
0x108: {  	v8 =	vsel vm0, v2, v11;
	v11 =	vshrl.u32 v3, $0xF;
	vm0 =	vlt.s32 v3, $0x0;
	[tilespmem:v9+s26+$0x0] =	vst.idx.add.f32.msk $0xffff, v1  }
0x109: {  	v9 =	vsel vm0, v2, v11;
	v3 =	vshrl.u32 v4, $0xF;
	vm0 =	vlt.s32 v4, $0x0;
	[tilespmem:v10+s26+$0x0] =	vst.idx.add.f32.msk $0xffff, v1  }
.Ltmp4:
0x10a: {  	v3 =	vsel vm0, v2, v3;
	[tilespmem:v5+s26+$0x0] =	vst.idx.add.f32.msk $0xffff, v1;
	(pc) =	sbr.rel @p0 .LBB2_10-.Ltmp4, $4  }
0x10b: {  	[tilespmem:v6+s26+$0x0] =	vst.idx.add.f32.msk $0xffff, v1  }
0x10c: {  	[tilespmem:v7+s26+$0x0] =	vst.idx.add.f32.msk $0xffff, v1  }
0x10d: {  	[tilespmem:v8+s26+$0x0] =	vst.idx.add.f32.msk $0xffff, v1  }
0x10e: {  	[tilespmem:v9+s26+$0x0] =	vst.idx.add.f32.msk $0xffff, v1  }
0x10f: {  	_ =	sdelay $0x3  }
0x110: {  	s0 =	sshra.s32 s31, $0x2;
	[tilespmem:v3+s26+$0x0] =	vst.idx.add.f32.msk $0xffff, v1  }
0x111: {  	v3 =	vld [tilespmem:s0+$0x2000]  }
0x112: {  	v4 =	vld [tilespmem:s0+$0x2010]  }
0x113: {  	v5 =	vld [tilespmem:s0+$0x2020]  }
0x114: {  	v6 =	vld [tilespmem:s0+$0x2030]  }
0x115: {  	v7 =	vld [tilespmem:s0+$0x2040]  }
0x116: {  	v8 =	vld [tilespmem:s0+$0x2050];
	v9 =	vshrl.u32 v3, $0xF;
	vm0 =	vlt.s32 v3, $0x0  }
0x117: {  	v3 =	vld [tilespmem:s0+$0x2060];
	v10 =	vshrl.u32 v4, $0xF;
	vm13 =	vlt.s32 v4, $0x0;
	v9 =	vsel vm0, v2, v9  }
0x118: {  	v4 =	vld [tilespmem:s0+$0x2070];
	v11 =	vshrl.u32 v5, $0xF;
	vm14 =	vlt.s32 v5, $0x0;
	v10 =	vsel vm13, v2, v10  }
0x119: {  	v47 =	vshrl.u32 v6, $0xF;
	vm15 =	vlt.s32 v6, $0x0;
	v5 =	vsel vm14, v2, v11  }
0x11a: {  	v48 =	vshrl.u32 v7, $0xF;
	vm4 =	vlt.s32 v7, $0x0;
	v6 =	vsel vm15, v2, v47  }
0x11b: {  	v49 =	vshrl.u32 v8, $0xF;
	vm5 =	vlt.s32 v8, $0x0;
	v7 =	vsel vm4, v2, v48  }
0x11c: {  	v8 =	vsel vm5, v2, v49;
	v50 =	vshrl.u32 v3, $0xF;
	vm6 =	vlt.s32 v3, $0x0;
	[tilespmem:v9+s26+$0x0] =	vst.idx.add.f32.msk $0xffff, v1  }
0x11d: {  	v51 =	vshrl.u32 v4, $0xF;
	vm7 =	vlt.s32 v4, $0x0;
	v3 =	vsel vm6, v2, v50;
	[tilespmem:v10+s26+$0x0] =	vst.idx.add.f32.msk $0xffff, v1  }
0x11e: {  	v4 =	vsel vm7, v2, v51;
	[tilespmem:v5+s26+$0x0] =	vst.idx.add.f32.msk $0xffff, v1  }
0x11f: {  	[tilespmem:v6+s26+$0x0] =	vst.idx.add.f32.msk $0xffff, v1  }
0x120: {  	[tilespmem:v7+s26+$0x0] =	vst.idx.add.f32.msk $0xffff, v1  }
0x121: {  	[tilespmem:v8+s26+$0x0] =	vst.idx.add.f32.msk $0xffff, v1  }
0x122: {  	[tilespmem:v3+s26+$0x0] =	vst.idx.add.f32.msk $0xffff, v1  }
0x123: {  	s1 =	simm.s32 $0x0;
	[tilespmem:v4+s26+$0x0] =	vst.idx.add.f32.msk $0xffff, v1  }
0x124: {  	[tilespmem:s24], [sflag:$0x2] =	stream.linear.gather [hbm4b:s9+s1], $0x2000, $0x38;
	[tilespmem:$0x14080] =	vst v63  }
0x125: {  	_ =	swait.ge [sflag:s25], $0x2000  }
0x126: {  	[sflag:s25] =	ssyncset.done $0x0  }
0x127: {  	s1 =	simm.s32 $0x0;
	[sflag:s25] =	ssyncadd.s32 $0xFFFFE000  }
0x128: {  	v3 =	vld [tilespmem:s1+$0x0]  }
0x129: {  	v4 =	vld [tilespmem:s1+$0x10]  }
0x12a: {  	v5 =	vld [tilespmem:s1+$0x20]  }
0x12b: {  	v52 =	vld [tilespmem:s1+$0x30]  }
0x12c: {  	v53 =	vld [tilespmem:s1+$0x40]  }
0x12d: {  	v54 =	vld [tilespmem:s1+$0x50];
	v55 =	vshrl.u32 v3, $0xF;
	vm8 =	vlt.s32 v3, $0x0  }
0x12e: {  	v3 =	vld [tilespmem:s1+$0x60];
	v56 =	vshrl.u32 v4, $0xF;
	vm9 =	vlt.s32 v4, $0x0;
	v9 =	vsel vm8, v2, v55  }
0x12f: {  	v57 =	vshrl.u32 v5, $0xF;
	vm10 =	vlt.s32 v5, $0x0;
	v4 =	vsel vm9, v2, v56  }
0x130: {  	v60 =	vld [tilespmem:s1+$0x70];
	v58 =	vshrl.u32 v52, $0xF;
	vm11 =	vlt.s32 v52, $0x0;
	v5 =	vsel vm10, v2, v57  }
0x131: {  	v59 =	vshrl.u32 v53, $0xF;
	vm12 =	vlt.s32 v53, $0x0;
	v6 =	vsel vm11, v2, v58  }
0x132: {  	v61 =	vshrl.u32 v54, $0xF;
	vm13 =	vlt.s32 v54, $0x0;
	v10 =	vsel vm12, v2, v59  }
0x133: {  	v8 =	vsel vm13, v2, v61;
	v62 =	vshrl.u32 v3, $0xF;
	vm14 =	vlt.s32 v3, $0x0;
	[tilespmem:v9+s26+$0x0] =	vst.idx.add.f32.msk $0xffff, v1  }
0x134: {  	v63 =	vsel vm14, v2, v62;
	[tilespmem:v4+s26+$0x0] =	vst.idx.add.f32.msk $0xffff, v1  }
0x135: {  	vm15 =	vlt.s32 v60, $0x0;
	v3 =	vshrl.u32 v60, $0xF;
	[tilespmem:v5+s26+$0x0] =	vst.idx.add.f32.msk $0xffff, v1  }
0x136: {  	v3 =	vsel vm15, v2, v3;
	[tilespmem:v6+s26+$0x0] =	vst.idx.add.f32.msk $0xffff, v1  }
0x137: {  	[tilespmem:v10+s26+$0x0] =	vst.idx.add.f32.msk $0xffff, v1  }
0x138: {  	[tilespmem:v8+s26+$0x0] =	vst.idx.add.f32.msk $0xffff, v1  }
0x139: {  	s31 =	simm.s32 $0x200;
	s0 =	simm.s32 $0x400;
	[tilespmem:v63+s26+$0x0] =	vst.idx.add.f32.msk $0xffff, v1  }
.LBB2_12:
0x13a: {  	p0 =	sne.s32 s0, $0x7E00  }
0x13b: {  	s1 =	sshra.s32 s31, $0x2;
	[tilespmem:v3+s26+$0x0] =	vst.idx.add.f32.msk $0xffff, v1;
	s31 =	smov.u32 s0;
	s0 =	sadd.s32 $0x200, s0  }
0x13c: {  	v3 =	vld [tilespmem:s1+$0x0]  }
0x13d: {  	v4 =	vld [tilespmem:s1+$0x10]  }
0x13e: {  	v5 =	vld [tilespmem:s1+$0x20]  }
0x13f: {  	v6 =	vld [tilespmem:s1+$0x30]  }
0x140: {  	v7 =	vld [tilespmem:s1+$0x40]  }
0x141: {  	v8 =	vld [tilespmem:s1+$0x50];
	v9 =	vshrl.u32 v3, $0xF;
	vm0 =	vlt.s32 v3, $0x0  }
0x142: {  	v3 =	vld [tilespmem:s1+$0x60];
	v9 =	vsel vm0, v2, v9;
	v10 =	vshrl.u32 v4, $0xF;
	vm0 =	vlt.s32 v4, $0x0  }
0x143: {  	v4 =	vld [tilespmem:s1+$0x70];
	v10 =	vsel vm0, v2, v10;
	v11 =	vshrl.u32 v5, $0xF;
	vm0 =	vlt.s32 v5, $0x0  }
0x144: {  	v5 =	vsel vm0, v2, v11;
	v11 =	vshrl.u32 v6, $0xF;
	vm0 =	vlt.s32 v6, $0x0  }
0x145: {  	v6 =	vsel vm0, v2, v11;
	v11 =	vshrl.u32 v7, $0xF;
	vm0 =	vlt.s32 v7, $0x0  }
0x146: {  	v7 =	vsel vm0, v2, v11;
	v11 =	vshrl.u32 v8, $0xF;
	vm0 =	vlt.s32 v8, $0x0  }
0x147: {  	v8 =	vsel vm0, v2, v11;
	v11 =	vshrl.u32 v3, $0xF;
	vm0 =	vlt.s32 v3, $0x0;
	[tilespmem:v9+s26+$0x0] =	vst.idx.add.f32.msk $0xffff, v1  }
0x148: {  	v9 =	vsel vm0, v2, v11;
	v3 =	vshrl.u32 v4, $0xF;
	vm0 =	vlt.s32 v4, $0x0;
	[tilespmem:v10+s26+$0x0] =	vst.idx.add.f32.msk $0xffff, v1  }
.Ltmp5:
0x149: {  	v3 =	vsel vm0, v2, v3;
	[tilespmem:v5+s26+$0x0] =	vst.idx.add.f32.msk $0xffff, v1;
	(pc) =	sbr.rel @p0 .LBB2_12-.Ltmp5, $4  }
0x14a: {  	[tilespmem:v6+s26+$0x0] =	vst.idx.add.f32.msk $0xffff, v1  }
0x14b: {  	[tilespmem:v7+s26+$0x0] =	vst.idx.add.f32.msk $0xffff, v1  }
0x14c: {  	[tilespmem:v8+s26+$0x0] =	vst.idx.add.f32.msk $0xffff, v1  }
0x14d: {  	[tilespmem:v9+s26+$0x0] =	vst.idx.add.f32.msk $0xffff, v1  }
0x14e: {  	_ =	sdelay $0x3  }
0x14f: {  	s0 =	sshra.s32 s31, $0x2;
	[tilespmem:v3+s26+$0x0] =	vst.idx.add.f32.msk $0xffff, v1  }
0x150: {  	v3 =	vld [tilespmem:s0+$0x0]  }
0x151: {  	v4 =	vld [tilespmem:s0+$0x10]  }
0x152: {  	v5 =	vld [tilespmem:s0+$0x20]  }
0x153: {  	v6 =	vld [tilespmem:s0+$0x30]  }
0x154: {  	v7 =	vld [tilespmem:s0+$0x40]  }
0x155: {  	v8 =	vld [tilespmem:s0+$0x50];
	v9 =	vshrl.u32 v3, $0xF;
	vm0 =	vlt.s32 v3, $0x0  }
0x156: {  	v3 =	vld [tilespmem:s0+$0x60];
	v10 =	vshrl.u32 v4, $0xF;
	vm13 =	vlt.s32 v4, $0x0;
	v9 =	vsel vm0, v2, v9  }
0x157: {  	v4 =	vld [tilespmem:s0+$0x70];
	v11 =	vshrl.u32 v5, $0xF;
	vm14 =	vlt.s32 v5, $0x0;
	v10 =	vsel vm13, v2, v10  }
0x158: {  	v47 =	vshrl.u32 v6, $0xF;
	vm15 =	vlt.s32 v6, $0x0;
	v5 =	vsel vm14, v2, v11  }
0x159: {  	v48 =	vshrl.u32 v7, $0xF;
	vm4 =	vlt.s32 v7, $0x0;
	v6 =	vsel vm15, v2, v47  }
0x15a: {  	v49 =	vshrl.u32 v8, $0xF;
	vm5 =	vlt.s32 v8, $0x0;
	v7 =	vsel vm4, v2, v48  }
0x15b: {  	v8 =	vsel vm5, v2, v49;
	v50 =	vshrl.u32 v3, $0xF;
	vm6 =	vlt.s32 v3, $0x0;
	[tilespmem:v9+s26+$0x0] =	vst.idx.add.f32.msk $0xffff, v1  }
0x15c: {  	v51 =	vshrl.u32 v4, $0xF;
	vm7 =	vlt.s32 v4, $0x0;
	v3 =	vsel vm6, v2, v50;
	[tilespmem:v10+s26+$0x0] =	vst.idx.add.f32.msk $0xffff, v1  }
0x15d: {  	v4 =	vsel vm7, v2, v51;
	[tilespmem:v5+s26+$0x0] =	vst.idx.add.f32.msk $0xffff, v1  }
0x15e: {  	[tilespmem:v6+s26+$0x0] =	vst.idx.add.f32.msk $0xffff, v1  }
0x15f: {  	[tilespmem:v7+s26+$0x0] =	vst.idx.add.f32.msk $0xffff, v1  }
0x160: {  	[tilespmem:v8+s26+$0x0] =	vst.idx.add.f32.msk $0xffff, v1  }
0x161: {  	[tilespmem:v3+s26+$0x0] =	vst.idx.add.f32.msk $0xffff, v1  }
0x162: {  	s1 =	simm.s32 $0x0;
	[tilespmem:v4+s26+$0x0] =	vst.idx.add.f32.msk $0xffff, v1  }
0x163: {  	[tilespmem:s1], [sflag:$0x1] =	stream.linear.gather [hbm4b:s10+s1], $0x2000, $0x38;
	[tilespmem:$0x14080] =	vst v63  }
0x164: {  	_ =	swait.ge [sflag:s28], $0x2000  }
0x165: {  	[sflag:s28] =	ssyncset.done $0x0  }
0x166: {  	s1 =	simm.s32 $0x0;
	[sflag:s28] =	ssyncadd.s32 $0xFFFFE000  }
0x167: {  	v3 =	vld [tilespmem:s1+$0x2000]  }
0x168: {  	v4 =	vld [tilespmem:s1+$0x2010]  }
0x169: {  	v5 =	vld [tilespmem:s1+$0x2020]  }
0x16a: {  	v52 =	vld [tilespmem:s1+$0x2030]  }
0x16b: {  	v53 =	vld [tilespmem:s1+$0x2040]  }
0x16c: {  	v54 =	vld [tilespmem:s1+$0x2050];
	v55 =	vshrl.u32 v3, $0xF;
	vm8 =	vlt.s32 v3, $0x0  }
0x16d: {  	v3 =	vld [tilespmem:s1+$0x2060];
	v56 =	vshrl.u32 v4, $0xF;
	vm9 =	vlt.s32 v4, $0x0;
	v9 =	vsel vm8, v2, v55  }
0x16e: {  	v57 =	vshrl.u32 v5, $0xF;
	vm10 =	vlt.s32 v5, $0x0;
	v4 =	vsel vm9, v2, v56  }
0x16f: {  	v60 =	vld [tilespmem:s1+$0x2070];
	v58 =	vshrl.u32 v52, $0xF;
	vm11 =	vlt.s32 v52, $0x0;
	v5 =	vsel vm10, v2, v57  }
0x170: {  	v59 =	vshrl.u32 v53, $0xF;
	vm12 =	vlt.s32 v53, $0x0;
	v6 =	vsel vm11, v2, v58  }
0x171: {  	v61 =	vshrl.u32 v54, $0xF;
	vm13 =	vlt.s32 v54, $0x0;
	v10 =	vsel vm12, v2, v59  }
0x172: {  	v8 =	vsel vm13, v2, v61;
	v62 =	vshrl.u32 v3, $0xF;
	vm14 =	vlt.s32 v3, $0x0;
	[tilespmem:v9+s26+$0x0] =	vst.idx.add.f32.msk $0xffff, v1  }
0x173: {  	v63 =	vsel vm14, v2, v62;
	[tilespmem:v4+s26+$0x0] =	vst.idx.add.f32.msk $0xffff, v1  }
0x174: {  	vm15 =	vlt.s32 v60, $0x0;
	v3 =	vshrl.u32 v60, $0xF;
	[tilespmem:v5+s26+$0x0] =	vst.idx.add.f32.msk $0xffff, v1  }
0x175: {  	v3 =	vsel vm15, v2, v3;
	[tilespmem:v6+s26+$0x0] =	vst.idx.add.f32.msk $0xffff, v1  }
0x176: {  	[tilespmem:v10+s26+$0x0] =	vst.idx.add.f32.msk $0xffff, v1  }
0x177: {  	[tilespmem:v8+s26+$0x0] =	vst.idx.add.f32.msk $0xffff, v1  }
0x178: {  	s31 =	simm.s32 $0x200;
	s0 =	simm.s32 $0x400;
	[tilespmem:v63+s26+$0x0] =	vst.idx.add.f32.msk $0xffff, v1  }
.LBB2_14:
0x179: {  	p0 =	sne.s32 s0, $0x7E00  }
0x17a: {  	s1 =	sshra.s32 s31, $0x2;
	[tilespmem:v3+s26+$0x0] =	vst.idx.add.f32.msk $0xffff, v1;
	s31 =	smov.u32 s0;
	s0 =	sadd.s32 $0x200, s0  }
0x17b: {  	v3 =	vld [tilespmem:s1+$0x2000]  }
0x17c: {  	v4 =	vld [tilespmem:s1+$0x2010]  }
0x17d: {  	v5 =	vld [tilespmem:s1+$0x2020]  }
0x17e: {  	v6 =	vld [tilespmem:s1+$0x2030]  }
0x17f: {  	v7 =	vld [tilespmem:s1+$0x2040]  }
0x180: {  	v8 =	vld [tilespmem:s1+$0x2050];
	v9 =	vshrl.u32 v3, $0xF;
	vm0 =	vlt.s32 v3, $0x0  }
0x181: {  	v3 =	vld [tilespmem:s1+$0x2060];
	v9 =	vsel vm0, v2, v9;
	v10 =	vshrl.u32 v4, $0xF;
	vm0 =	vlt.s32 v4, $0x0  }
0x182: {  	v4 =	vld [tilespmem:s1+$0x2070];
	v10 =	vsel vm0, v2, v10;
	v11 =	vshrl.u32 v5, $0xF;
	vm0 =	vlt.s32 v5, $0x0  }
0x183: {  	v5 =	vsel vm0, v2, v11;
	v11 =	vshrl.u32 v6, $0xF;
	vm0 =	vlt.s32 v6, $0x0  }
0x184: {  	v6 =	vsel vm0, v2, v11;
	v11 =	vshrl.u32 v7, $0xF;
	vm0 =	vlt.s32 v7, $0x0  }
0x185: {  	v7 =	vsel vm0, v2, v11;
	v11 =	vshrl.u32 v8, $0xF;
	vm0 =	vlt.s32 v8, $0x0  }
0x186: {  	v8 =	vsel vm0, v2, v11;
	v11 =	vshrl.u32 v3, $0xF;
	vm0 =	vlt.s32 v3, $0x0;
	[tilespmem:v9+s26+$0x0] =	vst.idx.add.f32.msk $0xffff, v1  }
0x187: {  	v9 =	vsel vm0, v2, v11;
	v3 =	vshrl.u32 v4, $0xF;
	vm0 =	vlt.s32 v4, $0x0;
	[tilespmem:v10+s26+$0x0] =	vst.idx.add.f32.msk $0xffff, v1  }
.Ltmp6:
0x188: {  	v3 =	vsel vm0, v2, v3;
	[tilespmem:v5+s26+$0x0] =	vst.idx.add.f32.msk $0xffff, v1;
	(pc) =	sbr.rel @p0 .LBB2_14-.Ltmp6, $4  }
0x189: {  	[tilespmem:v6+s26+$0x0] =	vst.idx.add.f32.msk $0xffff, v1  }
0x18a: {  	[tilespmem:v7+s26+$0x0] =	vst.idx.add.f32.msk $0xffff, v1  }
0x18b: {  	[tilespmem:v8+s26+$0x0] =	vst.idx.add.f32.msk $0xffff, v1  }
0x18c: {  	[tilespmem:v9+s26+$0x0] =	vst.idx.add.f32.msk $0xffff, v1  }
0x18d: {  	_ =	sdelay $0x3  }
0x18e: {  	s0 =	sshra.s32 s31, $0x2;
	[tilespmem:v3+s26+$0x0] =	vst.idx.add.f32.msk $0xffff, v1  }
0x18f: {  	v3 =	vld [tilespmem:s0+$0x2000]  }
0x190: {  	v4 =	vld [tilespmem:s0+$0x2010]  }
0x191: {  	v5 =	vld [tilespmem:s0+$0x2020]  }
0x192: {  	v6 =	vld [tilespmem:s0+$0x2030]  }
0x193: {  	v7 =	vld [tilespmem:s0+$0x2040]  }
0x194: {  	v8 =	vld [tilespmem:s0+$0x2050];
	v9 =	vshrl.u32 v3, $0xF;
	vm0 =	vlt.s32 v3, $0x0  }
0x195: {  	v3 =	vld [tilespmem:s0+$0x2060];
	v10 =	vshrl.u32 v4, $0xF;
	vm13 =	vlt.s32 v4, $0x0;
	v9 =	vsel vm0, v2, v9  }
0x196: {  	v4 =	vld [tilespmem:s0+$0x2070];
	v11 =	vshrl.u32 v5, $0xF;
	vm14 =	vlt.s32 v5, $0x0;
	v10 =	vsel vm13, v2, v10  }
0x197: {  	v47 =	vshrl.u32 v6, $0xF;
	vm15 =	vlt.s32 v6, $0x0;
	v5 =	vsel vm14, v2, v11  }
0x198: {  	v48 =	vshrl.u32 v7, $0xF;
	vm4 =	vlt.s32 v7, $0x0;
	v6 =	vsel vm15, v2, v47  }
0x199: {  	v49 =	vshrl.u32 v8, $0xF;
	vm5 =	vlt.s32 v8, $0x0;
	v7 =	vsel vm4, v2, v48  }
0x19a: {  	v8 =	vsel vm5, v2, v49;
	v50 =	vshrl.u32 v3, $0xF;
	vm6 =	vlt.s32 v3, $0x0;
	[tilespmem:v9+s26+$0x0] =	vst.idx.add.f32.msk $0xffff, v1  }
0x19b: {  	v51 =	vshrl.u32 v4, $0xF;
	vm7 =	vlt.s32 v4, $0x0;
	v3 =	vsel vm6, v2, v50;
	[tilespmem:v10+s26+$0x0] =	vst.idx.add.f32.msk $0xffff, v1  }
0x19c: {  	v4 =	vsel vm7, v2, v51;
	[tilespmem:v5+s26+$0x0] =	vst.idx.add.f32.msk $0xffff, v1  }
0x19d: {  	[tilespmem:v6+s26+$0x0] =	vst.idx.add.f32.msk $0xffff, v1  }
0x19e: {  	[tilespmem:v7+s26+$0x0] =	vst.idx.add.f32.msk $0xffff, v1  }
0x19f: {  	[tilespmem:v8+s26+$0x0] =	vst.idx.add.f32.msk $0xffff, v1  }
0x1a0: {  	[tilespmem:v3+s26+$0x0] =	vst.idx.add.f32.msk $0xffff, v1  }
0x1a1: {  	s1 =	simm.s32 $0x0;
	[tilespmem:v4+s26+$0x0] =	vst.idx.add.f32.msk $0xffff, v1  }
0x1a2: {  	[tilespmem:s24], [sflag:$0x2] =	stream.linear.gather [hbm4b:s11+s1], $0x2000, $0x38;
	[tilespmem:$0x14080] =	vst v63  }
0x1a3: {  	_ =	swait.ge [sflag:s25], $0x2000  }
0x1a4: {  	[sflag:s25] =	ssyncset.done $0x0  }
0x1a5: {  	s1 =	simm.s32 $0x0;
	[sflag:s25] =	ssyncadd.s32 $0xFFFFE000  }
0x1a6: {  	v3 =	vld [tilespmem:s1+$0x0]  }
0x1a7: {  	v4 =	vld [tilespmem:s1+$0x10]  }
0x1a8: {  	v5 =	vld [tilespmem:s1+$0x20]  }
0x1a9: {  	v52 =	vld [tilespmem:s1+$0x30]  }
0x1aa: {  	v53 =	vld [tilespmem:s1+$0x40]  }
0x1ab: {  	v54 =	vld [tilespmem:s1+$0x50];
	v55 =	vshrl.u32 v3, $0xF;
	vm8 =	vlt.s32 v3, $0x0  }
0x1ac: {  	v3 =	vld [tilespmem:s1+$0x60];
	v56 =	vshrl.u32 v4, $0xF;
	vm9 =	vlt.s32 v4, $0x0;
	v9 =	vsel vm8, v2, v55  }
0x1ad: {  	v57 =	vshrl.u32 v5, $0xF;
	vm10 =	vlt.s32 v5, $0x0;
	v4 =	vsel vm9, v2, v56  }
0x1ae: {  	v60 =	vld [tilespmem:s1+$0x70];
	v58 =	vshrl.u32 v52, $0xF;
	vm11 =	vlt.s32 v52, $0x0;
	v5 =	vsel vm10, v2, v57  }
0x1af: {  	v59 =	vshrl.u32 v53, $0xF;
	vm12 =	vlt.s32 v53, $0x0;
	v6 =	vsel vm11, v2, v58  }
0x1b0: {  	v61 =	vshrl.u32 v54, $0xF;
	vm13 =	vlt.s32 v54, $0x0;
	v10 =	vsel vm12, v2, v59  }
0x1b1: {  	v8 =	vsel vm13, v2, v61;
	v62 =	vshrl.u32 v3, $0xF;
	vm14 =	vlt.s32 v3, $0x0;
	[tilespmem:v9+s26+$0x0] =	vst.idx.add.f32.msk $0xffff, v1  }
0x1b2: {  	v63 =	vsel vm14, v2, v62;
	[tilespmem:v4+s26+$0x0] =	vst.idx.add.f32.msk $0xffff, v1  }
0x1b3: {  	vm15 =	vlt.s32 v60, $0x0;
	v3 =	vshrl.u32 v60, $0xF;
	[tilespmem:v5+s26+$0x0] =	vst.idx.add.f32.msk $0xffff, v1  }
0x1b4: {  	v3 =	vsel vm15, v2, v3;
	[tilespmem:v6+s26+$0x0] =	vst.idx.add.f32.msk $0xffff, v1  }
0x1b5: {  	[tilespmem:v10+s26+$0x0] =	vst.idx.add.f32.msk $0xffff, v1  }
0x1b6: {  	[tilespmem:v8+s26+$0x0] =	vst.idx.add.f32.msk $0xffff, v1  }
0x1b7: {  	s31 =	simm.s32 $0x200;
	s0 =	simm.s32 $0x400;
	[tilespmem:v63+s26+$0x0] =	vst.idx.add.f32.msk $0xffff, v1  }
.LBB2_16:
0x1b8: {  	p0 =	sne.s32 s0, $0x7E00  }
0x1b9: {  	s1 =	sshra.s32 s31, $0x2;
	[tilespmem:v3+s26+$0x0] =	vst.idx.add.f32.msk $0xffff, v1;
	s31 =	smov.u32 s0;
	s0 =	sadd.s32 $0x200, s0  }
0x1ba: {  	v3 =	vld [tilespmem:s1+$0x0]  }
0x1bb: {  	v4 =	vld [tilespmem:s1+$0x10]  }
0x1bc: {  	v5 =	vld [tilespmem:s1+$0x20]  }
0x1bd: {  	v6 =	vld [tilespmem:s1+$0x30]  }
0x1be: {  	v7 =	vld [tilespmem:s1+$0x40]  }
0x1bf: {  	v8 =	vld [tilespmem:s1+$0x50];
	v9 =	vshrl.u32 v3, $0xF;
	vm0 =	vlt.s32 v3, $0x0  }
0x1c0: {  	v3 =	vld [tilespmem:s1+$0x60];
	v9 =	vsel vm0, v2, v9;
	v10 =	vshrl.u32 v4, $0xF;
	vm0 =	vlt.s32 v4, $0x0  }
0x1c1: {  	v4 =	vld [tilespmem:s1+$0x70];
	v10 =	vsel vm0, v2, v10;
	v11 =	vshrl.u32 v5, $0xF;
	vm0 =	vlt.s32 v5, $0x0  }
0x1c2: {  	v5 =	vsel vm0, v2, v11;
	v11 =	vshrl.u32 v6, $0xF;
	vm0 =	vlt.s32 v6, $0x0  }
0x1c3: {  	v6 =	vsel vm0, v2, v11;
	v11 =	vshrl.u32 v7, $0xF;
	vm0 =	vlt.s32 v7, $0x0  }
0x1c4: {  	v7 =	vsel vm0, v2, v11;
	v11 =	vshrl.u32 v8, $0xF;
	vm0 =	vlt.s32 v8, $0x0  }
0x1c5: {  	v8 =	vsel vm0, v2, v11;
	v11 =	vshrl.u32 v3, $0xF;
	vm0 =	vlt.s32 v3, $0x0;
	[tilespmem:v9+s26+$0x0] =	vst.idx.add.f32.msk $0xffff, v1  }
0x1c6: {  	v9 =	vsel vm0, v2, v11;
	v3 =	vshrl.u32 v4, $0xF;
	vm0 =	vlt.s32 v4, $0x0;
	[tilespmem:v10+s26+$0x0] =	vst.idx.add.f32.msk $0xffff, v1  }
.Ltmp7:
0x1c7: {  	v3 =	vsel vm0, v2, v3;
	[tilespmem:v5+s26+$0x0] =	vst.idx.add.f32.msk $0xffff, v1;
	(pc) =	sbr.rel @p0 .LBB2_16-.Ltmp7, $4  }
0x1c8: {  	[tilespmem:v6+s26+$0x0] =	vst.idx.add.f32.msk $0xffff, v1  }
0x1c9: {  	[tilespmem:v7+s26+$0x0] =	vst.idx.add.f32.msk $0xffff, v1  }
0x1ca: {  	[tilespmem:v8+s26+$0x0] =	vst.idx.add.f32.msk $0xffff, v1  }
0x1cb: {  	[tilespmem:v9+s26+$0x0] =	vst.idx.add.f32.msk $0xffff, v1  }
0x1cc: {  	_ =	sdelay $0x3  }
0x1cd: {  	s0 =	sshra.s32 s31, $0x2;
	[tilespmem:v3+s26+$0x0] =	vst.idx.add.f32.msk $0xffff, v1  }
0x1ce: {  	v3 =	vld [tilespmem:s0+$0x0]  }
0x1cf: {  	v4 =	vld [tilespmem:s0+$0x10]  }
0x1d0: {  	v5 =	vld [tilespmem:s0+$0x20]  }
0x1d1: {  	v6 =	vld [tilespmem:s0+$0x30]  }
0x1d2: {  	v7 =	vld [tilespmem:s0+$0x40]  }
0x1d3: {  	v8 =	vld [tilespmem:s0+$0x50];
	v9 =	vshrl.u32 v3, $0xF;
	vm0 =	vlt.s32 v3, $0x0  }
0x1d4: {  	v3 =	vld [tilespmem:s0+$0x60];
	v10 =	vshrl.u32 v4, $0xF;
	vm13 =	vlt.s32 v4, $0x0;
	v9 =	vsel vm0, v2, v9  }
0x1d5: {  	v4 =	vld [tilespmem:s0+$0x70];
	v11 =	vshrl.u32 v5, $0xF;
	vm14 =	vlt.s32 v5, $0x0;
	v10 =	vsel vm13, v2, v10  }
0x1d6: {  	v47 =	vshrl.u32 v6, $0xF;
	vm15 =	vlt.s32 v6, $0x0;
	v5 =	vsel vm14, v2, v11  }
0x1d7: {  	v48 =	vshrl.u32 v7, $0xF;
	vm4 =	vlt.s32 v7, $0x0;
	v6 =	vsel vm15, v2, v47  }
0x1d8: {  	v49 =	vshrl.u32 v8, $0xF;
	vm5 =	vlt.s32 v8, $0x0;
	v7 =	vsel vm4, v2, v48  }
0x1d9: {  	v8 =	vsel vm5, v2, v49;
	v50 =	vshrl.u32 v3, $0xF;
	vm6 =	vlt.s32 v3, $0x0;
	[tilespmem:v9+s26+$0x0] =	vst.idx.add.f32.msk $0xffff, v1  }
0x1da: {  	v51 =	vshrl.u32 v4, $0xF;
	vm7 =	vlt.s32 v4, $0x0;
	v3 =	vsel vm6, v2, v50;
	[tilespmem:v10+s26+$0x0] =	vst.idx.add.f32.msk $0xffff, v1  }
0x1db: {  	v4 =	vsel vm7, v2, v51;
	[tilespmem:v5+s26+$0x0] =	vst.idx.add.f32.msk $0xffff, v1  }
0x1dc: {  	[tilespmem:v6+s26+$0x0] =	vst.idx.add.f32.msk $0xffff, v1  }
0x1dd: {  	[tilespmem:v7+s26+$0x0] =	vst.idx.add.f32.msk $0xffff, v1  }
0x1de: {  	[tilespmem:v8+s26+$0x0] =	vst.idx.add.f32.msk $0xffff, v1  }
0x1df: {  	[tilespmem:v3+s26+$0x0] =	vst.idx.add.f32.msk $0xffff, v1  }
0x1e0: {  	s1 =	simm.s32 $0x0;
	[tilespmem:v4+s26+$0x0] =	vst.idx.add.f32.msk $0xffff, v1  }
0x1e1: {  	[tilespmem:s1], [sflag:$0x1] =	stream.linear.gather [hbm4b:s12+s1], $0x2000, $0x38;
	[tilespmem:$0x14080] =	vst v63  }
0x1e2: {  	_ =	swait.ge [sflag:s28], $0x2000  }
0x1e3: {  	[sflag:s28] =	ssyncset.done $0x0  }
0x1e4: {  	s1 =	simm.s32 $0x0;
	[sflag:s28] =	ssyncadd.s32 $0xFFFFE000  }
0x1e5: {  	v3 =	vld [tilespmem:s1+$0x2000]  }
0x1e6: {  	v4 =	vld [tilespmem:s1+$0x2010]  }
0x1e7: {  	v5 =	vld [tilespmem:s1+$0x2020]  }
0x1e8: {  	v52 =	vld [tilespmem:s1+$0x2030]  }
0x1e9: {  	v53 =	vld [tilespmem:s1+$0x2040]  }
0x1ea: {  	v54 =	vld [tilespmem:s1+$0x2050];
	v55 =	vshrl.u32 v3, $0xF;
	vm8 =	vlt.s32 v3, $0x0  }
0x1eb: {  	v3 =	vld [tilespmem:s1+$0x2060];
	v56 =	vshrl.u32 v4, $0xF;
	vm9 =	vlt.s32 v4, $0x0;
	v9 =	vsel vm8, v2, v55  }
0x1ec: {  	v57 =	vshrl.u32 v5, $0xF;
	vm10 =	vlt.s32 v5, $0x0;
	v4 =	vsel vm9, v2, v56  }
0x1ed: {  	v60 =	vld [tilespmem:s1+$0x2070];
	v58 =	vshrl.u32 v52, $0xF;
	vm11 =	vlt.s32 v52, $0x0;
	v5 =	vsel vm10, v2, v57  }
0x1ee: {  	v59 =	vshrl.u32 v53, $0xF;
	vm12 =	vlt.s32 v53, $0x0;
	v6 =	vsel vm11, v2, v58  }
0x1ef: {  	v61 =	vshrl.u32 v54, $0xF;
	vm13 =	vlt.s32 v54, $0x0;
	v10 =	vsel vm12, v2, v59  }
0x1f0: {  	v8 =	vsel vm13, v2, v61;
	v62 =	vshrl.u32 v3, $0xF;
	vm14 =	vlt.s32 v3, $0x0;
	[tilespmem:v9+s26+$0x0] =	vst.idx.add.f32.msk $0xffff, v1  }
0x1f1: {  	v63 =	vsel vm14, v2, v62;
	[tilespmem:v4+s26+$0x0] =	vst.idx.add.f32.msk $0xffff, v1  }
0x1f2: {  	vm15 =	vlt.s32 v60, $0x0;
	v3 =	vshrl.u32 v60, $0xF;
	[tilespmem:v5+s26+$0x0] =	vst.idx.add.f32.msk $0xffff, v1  }
0x1f3: {  	v3 =	vsel vm15, v2, v3;
	[tilespmem:v6+s26+$0x0] =	vst.idx.add.f32.msk $0xffff, v1  }
0x1f4: {  	[tilespmem:v10+s26+$0x0] =	vst.idx.add.f32.msk $0xffff, v1  }
0x1f5: {  	[tilespmem:v8+s26+$0x0] =	vst.idx.add.f32.msk $0xffff, v1  }
0x1f6: {  	s31 =	simm.s32 $0x200;
	s0 =	simm.s32 $0x400;
	[tilespmem:v63+s26+$0x0] =	vst.idx.add.f32.msk $0xffff, v1  }
.LBB2_18:
0x1f7: {  	p0 =	sne.s32 s0, $0x7E00  }
0x1f8: {  	s1 =	sshra.s32 s31, $0x2;
	[tilespmem:v3+s26+$0x0] =	vst.idx.add.f32.msk $0xffff, v1;
	s31 =	smov.u32 s0;
	s0 =	sadd.s32 $0x200, s0  }
0x1f9: {  	v3 =	vld [tilespmem:s1+$0x2000]  }
0x1fa: {  	v4 =	vld [tilespmem:s1+$0x2010]  }
0x1fb: {  	v5 =	vld [tilespmem:s1+$0x2020]  }
0x1fc: {  	v6 =	vld [tilespmem:s1+$0x2030]  }
0x1fd: {  	v7 =	vld [tilespmem:s1+$0x2040]  }
0x1fe: {  	v8 =	vld [tilespmem:s1+$0x2050];
	v9 =	vshrl.u32 v3, $0xF;
	vm0 =	vlt.s32 v3, $0x0  }
0x1ff: {  	v3 =	vld [tilespmem:s1+$0x2060];
	v9 =	vsel vm0, v2, v9;
	v10 =	vshrl.u32 v4, $0xF;
	vm0 =	vlt.s32 v4, $0x0  }
0x200: {  	v4 =	vld [tilespmem:s1+$0x2070];
	v10 =	vsel vm0, v2, v10;
	v11 =	vshrl.u32 v5, $0xF;
	vm0 =	vlt.s32 v5, $0x0  }
0x201: {  	v5 =	vsel vm0, v2, v11;
	v11 =	vshrl.u32 v6, $0xF;
	vm0 =	vlt.s32 v6, $0x0  }
0x202: {  	v6 =	vsel vm0, v2, v11;
	v11 =	vshrl.u32 v7, $0xF;
	vm0 =	vlt.s32 v7, $0x0  }
0x203: {  	v7 =	vsel vm0, v2, v11;
	v11 =	vshrl.u32 v8, $0xF;
	vm0 =	vlt.s32 v8, $0x0  }
0x204: {  	v8 =	vsel vm0, v2, v11;
	v11 =	vshrl.u32 v3, $0xF;
	vm0 =	vlt.s32 v3, $0x0;
	[tilespmem:v9+s26+$0x0] =	vst.idx.add.f32.msk $0xffff, v1  }
0x205: {  	v9 =	vsel vm0, v2, v11;
	v3 =	vshrl.u32 v4, $0xF;
	vm0 =	vlt.s32 v4, $0x0;
	[tilespmem:v10+s26+$0x0] =	vst.idx.add.f32.msk $0xffff, v1  }
.Ltmp8:
0x206: {  	v3 =	vsel vm0, v2, v3;
	[tilespmem:v5+s26+$0x0] =	vst.idx.add.f32.msk $0xffff, v1;
	(pc) =	sbr.rel @p0 .LBB2_18-.Ltmp8, $4  }
0x207: {  	[tilespmem:v6+s26+$0x0] =	vst.idx.add.f32.msk $0xffff, v1  }
0x208: {  	[tilespmem:v7+s26+$0x0] =	vst.idx.add.f32.msk $0xffff, v1  }
0x209: {  	[tilespmem:v8+s26+$0x0] =	vst.idx.add.f32.msk $0xffff, v1  }
0x20a: {  	[tilespmem:v9+s26+$0x0] =	vst.idx.add.f32.msk $0xffff, v1  }
0x20b: {  	_ =	sdelay $0x3  }
0x20c: {  	s0 =	sshra.s32 s31, $0x2;
	[tilespmem:v3+s26+$0x0] =	vst.idx.add.f32.msk $0xffff, v1  }
0x20d: {  	v3 =	vld [tilespmem:s0+$0x2000]  }
0x20e: {  	v4 =	vld [tilespmem:s0+$0x2010]  }
0x20f: {  	v5 =	vld [tilespmem:s0+$0x2020]  }
0x210: {  	v6 =	vld [tilespmem:s0+$0x2030]  }
0x211: {  	v7 =	vld [tilespmem:s0+$0x2040]  }
0x212: {  	v8 =	vld [tilespmem:s0+$0x2050];
	v9 =	vshrl.u32 v3, $0xF;
	vm0 =	vlt.s32 v3, $0x0  }
0x213: {  	v3 =	vld [tilespmem:s0+$0x2060];
	v10 =	vshrl.u32 v4, $0xF;
	vm13 =	vlt.s32 v4, $0x0;
	v9 =	vsel vm0, v2, v9  }
0x214: {  	v4 =	vld [tilespmem:s0+$0x2070];
	v11 =	vshrl.u32 v5, $0xF;
	vm14 =	vlt.s32 v5, $0x0;
	v10 =	vsel vm13, v2, v10  }
0x215: {  	v47 =	vshrl.u32 v6, $0xF;
	vm15 =	vlt.s32 v6, $0x0;
	v5 =	vsel vm14, v2, v11  }
0x216: {  	v48 =	vshrl.u32 v7, $0xF;
	vm4 =	vlt.s32 v7, $0x0;
	v6 =	vsel vm15, v2, v47  }
0x217: {  	v49 =	vshrl.u32 v8, $0xF;
	vm5 =	vlt.s32 v8, $0x0;
	v7 =	vsel vm4, v2, v48  }
0x218: {  	v8 =	vsel vm5, v2, v49;
	v50 =	vshrl.u32 v3, $0xF;
	vm6 =	vlt.s32 v3, $0x0;
	[tilespmem:v9+s26+$0x0] =	vst.idx.add.f32.msk $0xffff, v1  }
0x219: {  	v51 =	vshrl.u32 v4, $0xF;
	vm7 =	vlt.s32 v4, $0x0;
	v3 =	vsel vm6, v2, v50;
	[tilespmem:v10+s26+$0x0] =	vst.idx.add.f32.msk $0xffff, v1  }
0x21a: {  	v4 =	vsel vm7, v2, v51;
	[tilespmem:v5+s26+$0x0] =	vst.idx.add.f32.msk $0xffff, v1  }
0x21b: {  	[tilespmem:v6+s26+$0x0] =	vst.idx.add.f32.msk $0xffff, v1  }
0x21c: {  	[tilespmem:v7+s26+$0x0] =	vst.idx.add.f32.msk $0xffff, v1  }
0x21d: {  	[tilespmem:v8+s26+$0x0] =	vst.idx.add.f32.msk $0xffff, v1  }
0x21e: {  	[tilespmem:v3+s26+$0x0] =	vst.idx.add.f32.msk $0xffff, v1  }
0x21f: {  	s1 =	simm.s32 $0x0;
	[tilespmem:v4+s26+$0x0] =	vst.idx.add.f32.msk $0xffff, v1  }
0x220: {  	[tilespmem:s24], [sflag:$0x2] =	stream.linear.gather [hbm4b:s13+s1], $0x2000, $0x38;
	[tilespmem:$0x14080] =	vst v63  }
0x221: {  	_ =	swait.ge [sflag:s25], $0x2000  }
0x222: {  	[sflag:s25] =	ssyncset.done $0x0  }
0x223: {  	s1 =	simm.s32 $0x0;
	[sflag:s25] =	ssyncadd.s32 $0xFFFFE000  }
0x224: {  	v3 =	vld [tilespmem:s1+$0x0]  }
0x225: {  	v4 =	vld [tilespmem:s1+$0x10]  }
0x226: {  	v5 =	vld [tilespmem:s1+$0x20]  }
0x227: {  	v52 =	vld [tilespmem:s1+$0x30]  }
0x228: {  	v53 =	vld [tilespmem:s1+$0x40]  }
0x229: {  	v54 =	vld [tilespmem:s1+$0x50];
	v55 =	vshrl.u32 v3, $0xF;
	vm8 =	vlt.s32 v3, $0x0  }
0x22a: {  	v3 =	vld [tilespmem:s1+$0x60];
	v56 =	vshrl.u32 v4, $0xF;
	vm9 =	vlt.s32 v4, $0x0;
	v9 =	vsel vm8, v2, v55  }
0x22b: {  	v57 =	vshrl.u32 v5, $0xF;
	vm10 =	vlt.s32 v5, $0x0;
	v4 =	vsel vm9, v2, v56  }
0x22c: {  	v60 =	vld [tilespmem:s1+$0x70];
	v58 =	vshrl.u32 v52, $0xF;
	vm11 =	vlt.s32 v52, $0x0;
	v5 =	vsel vm10, v2, v57  }
0x22d: {  	v59 =	vshrl.u32 v53, $0xF;
	vm12 =	vlt.s32 v53, $0x0;
	v6 =	vsel vm11, v2, v58  }
0x22e: {  	v61 =	vshrl.u32 v54, $0xF;
	vm13 =	vlt.s32 v54, $0x0;
	v10 =	vsel vm12, v2, v59  }
0x22f: {  	v8 =	vsel vm13, v2, v61;
	v62 =	vshrl.u32 v3, $0xF;
	vm14 =	vlt.s32 v3, $0x0;
	[tilespmem:v9+s26+$0x0] =	vst.idx.add.f32.msk $0xffff, v1  }
0x230: {  	v63 =	vsel vm14, v2, v62;
	[tilespmem:v4+s26+$0x0] =	vst.idx.add.f32.msk $0xffff, v1  }
0x231: {  	vm15 =	vlt.s32 v60, $0x0;
	v3 =	vshrl.u32 v60, $0xF;
	[tilespmem:v5+s26+$0x0] =	vst.idx.add.f32.msk $0xffff, v1  }
0x232: {  	v3 =	vsel vm15, v2, v3;
	[tilespmem:v6+s26+$0x0] =	vst.idx.add.f32.msk $0xffff, v1  }
0x233: {  	[tilespmem:v10+s26+$0x0] =	vst.idx.add.f32.msk $0xffff, v1  }
0x234: {  	[tilespmem:v8+s26+$0x0] =	vst.idx.add.f32.msk $0xffff, v1  }
0x235: {  	s31 =	simm.s32 $0x200;
	s0 =	simm.s32 $0x400;
	[tilespmem:v63+s26+$0x0] =	vst.idx.add.f32.msk $0xffff, v1  }
.LBB2_20:
0x236: {  	p0 =	sne.s32 s0, $0x7E00  }
0x237: {  	s1 =	sshra.s32 s31, $0x2;
	[tilespmem:v3+s26+$0x0] =	vst.idx.add.f32.msk $0xffff, v1;
	s31 =	smov.u32 s0;
	s0 =	sadd.s32 $0x200, s0  }
0x238: {  	v3 =	vld [tilespmem:s1+$0x0]  }
0x239: {  	v4 =	vld [tilespmem:s1+$0x10]  }
0x23a: {  	v5 =	vld [tilespmem:s1+$0x20]  }
0x23b: {  	v6 =	vld [tilespmem:s1+$0x30]  }
0x23c: {  	v7 =	vld [tilespmem:s1+$0x40]  }
0x23d: {  	v8 =	vld [tilespmem:s1+$0x50];
	v9 =	vshrl.u32 v3, $0xF;
	vm0 =	vlt.s32 v3, $0x0  }
0x23e: {  	v3 =	vld [tilespmem:s1+$0x60];
	v9 =	vsel vm0, v2, v9;
	v10 =	vshrl.u32 v4, $0xF;
	vm0 =	vlt.s32 v4, $0x0  }
0x23f: {  	v4 =	vld [tilespmem:s1+$0x70];
	v10 =	vsel vm0, v2, v10;
	v11 =	vshrl.u32 v5, $0xF;
	vm0 =	vlt.s32 v5, $0x0  }
0x240: {  	v5 =	vsel vm0, v2, v11;
	v11 =	vshrl.u32 v6, $0xF;
	vm0 =	vlt.s32 v6, $0x0  }
0x241: {  	v6 =	vsel vm0, v2, v11;
	v11 =	vshrl.u32 v7, $0xF;
	vm0 =	vlt.s32 v7, $0x0  }
0x242: {  	v7 =	vsel vm0, v2, v11;
	v11 =	vshrl.u32 v8, $0xF;
	vm0 =	vlt.s32 v8, $0x0  }
0x243: {  	v8 =	vsel vm0, v2, v11;
	v11 =	vshrl.u32 v3, $0xF;
	vm0 =	vlt.s32 v3, $0x0;
	[tilespmem:v9+s26+$0x0] =	vst.idx.add.f32.msk $0xffff, v1  }
0x244: {  	v9 =	vsel vm0, v2, v11;
	v3 =	vshrl.u32 v4, $0xF;
	vm0 =	vlt.s32 v4, $0x0;
	[tilespmem:v10+s26+$0x0] =	vst.idx.add.f32.msk $0xffff, v1  }
.Ltmp9:
0x245: {  	v3 =	vsel vm0, v2, v3;
	[tilespmem:v5+s26+$0x0] =	vst.idx.add.f32.msk $0xffff, v1;
	(pc) =	sbr.rel @p0 .LBB2_20-.Ltmp9, $4  }
0x246: {  	[tilespmem:v6+s26+$0x0] =	vst.idx.add.f32.msk $0xffff, v1  }
0x247: {  	[tilespmem:v7+s26+$0x0] =	vst.idx.add.f32.msk $0xffff, v1  }
0x248: {  	[tilespmem:v8+s26+$0x0] =	vst.idx.add.f32.msk $0xffff, v1  }
0x249: {  	[tilespmem:v9+s26+$0x0] =	vst.idx.add.f32.msk $0xffff, v1  }
0x24a: {  	_ =	sdelay $0x3  }
0x24b: {  	s0 =	sshra.s32 s31, $0x2;
	[tilespmem:v3+s26+$0x0] =	vst.idx.add.f32.msk $0xffff, v1  }
0x24c: {  	v3 =	vld [tilespmem:s0+$0x0]  }
0x24d: {  	v4 =	vld [tilespmem:s0+$0x10]  }
0x24e: {  	v5 =	vld [tilespmem:s0+$0x20]  }
0x24f: {  	v6 =	vld [tilespmem:s0+$0x30]  }
0x250: {  	v7 =	vld [tilespmem:s0+$0x40]  }
0x251: {  	v8 =	vld [tilespmem:s0+$0x50];
	v9 =	vshrl.u32 v3, $0xF;
	vm0 =	vlt.s32 v3, $0x0  }
0x252: {  	v3 =	vld [tilespmem:s0+$0x60];
	v10 =	vshrl.u32 v4, $0xF;
	vm13 =	vlt.s32 v4, $0x0;
	v9 =	vsel vm0, v2, v9  }
0x253: {  	v4 =	vld [tilespmem:s0+$0x70];
	v11 =	vshrl.u32 v5, $0xF;
	vm14 =	vlt.s32 v5, $0x0;
	v10 =	vsel vm13, v2, v10  }
0x254: {  	v47 =	vshrl.u32 v6, $0xF;
	vm15 =	vlt.s32 v6, $0x0;
	v5 =	vsel vm14, v2, v11  }
0x255: {  	v48 =	vshrl.u32 v7, $0xF;
	vm4 =	vlt.s32 v7, $0x0;
	v6 =	vsel vm15, v2, v47  }
0x256: {  	v49 =	vshrl.u32 v8, $0xF;
	vm5 =	vlt.s32 v8, $0x0;
	v7 =	vsel vm4, v2, v48  }
0x257: {  	v8 =	vsel vm5, v2, v49;
	v50 =	vshrl.u32 v3, $0xF;
	vm6 =	vlt.s32 v3, $0x0;
	[tilespmem:v9+s26+$0x0] =	vst.idx.add.f32.msk $0xffff, v1  }
0x258: {  	v51 =	vshrl.u32 v4, $0xF;
	vm7 =	vlt.s32 v4, $0x0;
	v3 =	vsel vm6, v2, v50;
	[tilespmem:v10+s26+$0x0] =	vst.idx.add.f32.msk $0xffff, v1  }
0x259: {  	v4 =	vsel vm7, v2, v51;
	[tilespmem:v5+s26+$0x0] =	vst.idx.add.f32.msk $0xffff, v1  }
0x25a: {  	[tilespmem:v6+s26+$0x0] =	vst.idx.add.f32.msk $0xffff, v1  }
0x25b: {  	[tilespmem:v7+s26+$0x0] =	vst.idx.add.f32.msk $0xffff, v1  }
0x25c: {  	[tilespmem:v8+s26+$0x0] =	vst.idx.add.f32.msk $0xffff, v1  }
0x25d: {  	[tilespmem:v3+s26+$0x0] =	vst.idx.add.f32.msk $0xffff, v1  }
0x25e: {  	s1 =	simm.s32 $0x0;
	[tilespmem:v4+s26+$0x0] =	vst.idx.add.f32.msk $0xffff, v1  }
0x25f: {  	[tilespmem:s1], [sflag:$0x1] =	stream.linear.gather [hbm4b:s14+s1], $0x2000, $0x38;
	[tilespmem:$0x14080] =	vst v63  }
0x260: {  	_ =	swait.ge [sflag:s28], $0x2000  }
0x261: {  	[sflag:s28] =	ssyncset.done $0x0  }
0x262: {  	s1 =	simm.s32 $0x0;
	[sflag:s28] =	ssyncadd.s32 $0xFFFFE000  }
0x263: {  	v3 =	vld [tilespmem:s1+$0x2000]  }
0x264: {  	v4 =	vld [tilespmem:s1+$0x2010]  }
0x265: {  	v5 =	vld [tilespmem:s1+$0x2020]  }
0x266: {  	v52 =	vld [tilespmem:s1+$0x2030]  }
0x267: {  	v53 =	vld [tilespmem:s1+$0x2040]  }
0x268: {  	v54 =	vld [tilespmem:s1+$0x2050];
	v55 =	vshrl.u32 v3, $0xF;
	vm8 =	vlt.s32 v3, $0x0  }
0x269: {  	v3 =	vld [tilespmem:s1+$0x2060];
	v56 =	vshrl.u32 v4, $0xF;
	vm9 =	vlt.s32 v4, $0x0;
	v9 =	vsel vm8, v2, v55  }
0x26a: {  	v57 =	vshrl.u32 v5, $0xF;
	vm10 =	vlt.s32 v5, $0x0;
	v4 =	vsel vm9, v2, v56  }
0x26b: {  	v60 =	vld [tilespmem:s1+$0x2070];
	v58 =	vshrl.u32 v52, $0xF;
	vm11 =	vlt.s32 v52, $0x0;
	v5 =	vsel vm10, v2, v57  }
0x26c: {  	v59 =	vshrl.u32 v53, $0xF;
	vm12 =	vlt.s32 v53, $0x0;
	v6 =	vsel vm11, v2, v58  }
0x26d: {  	v61 =	vshrl.u32 v54, $0xF;
	vm13 =	vlt.s32 v54, $0x0;
	v10 =	vsel vm12, v2, v59  }
0x26e: {  	v8 =	vsel vm13, v2, v61;
	v62 =	vshrl.u32 v3, $0xF;
	vm14 =	vlt.s32 v3, $0x0;
	[tilespmem:v9+s26+$0x0] =	vst.idx.add.f32.msk $0xffff, v1  }
0x26f: {  	v63 =	vsel vm14, v2, v62;
	[tilespmem:v4+s26+$0x0] =	vst.idx.add.f32.msk $0xffff, v1  }
0x270: {  	vm15 =	vlt.s32 v60, $0x0;
	v3 =	vshrl.u32 v60, $0xF;
	[tilespmem:v5+s26+$0x0] =	vst.idx.add.f32.msk $0xffff, v1  }
0x271: {  	v3 =	vsel vm15, v2, v3;
	[tilespmem:v6+s26+$0x0] =	vst.idx.add.f32.msk $0xffff, v1  }
0x272: {  	[tilespmem:v10+s26+$0x0] =	vst.idx.add.f32.msk $0xffff, v1  }
0x273: {  	[tilespmem:v8+s26+$0x0] =	vst.idx.add.f32.msk $0xffff, v1  }
0x274: {  	s31 =	simm.s32 $0x200;
	s0 =	simm.s32 $0x400;
	[tilespmem:v63+s26+$0x0] =	vst.idx.add.f32.msk $0xffff, v1  }
.LBB2_22:
0x275: {  	p0 =	sne.s32 s0, $0x7E00  }
0x276: {  	s1 =	sshra.s32 s31, $0x2;
	[tilespmem:v3+s26+$0x0] =	vst.idx.add.f32.msk $0xffff, v1;
	s31 =	smov.u32 s0;
	s0 =	sadd.s32 $0x200, s0  }
0x277: {  	v3 =	vld [tilespmem:s1+$0x2000]  }
0x278: {  	v4 =	vld [tilespmem:s1+$0x2010]  }
0x279: {  	v5 =	vld [tilespmem:s1+$0x2020]  }
0x27a: {  	v6 =	vld [tilespmem:s1+$0x2030]  }
0x27b: {  	v7 =	vld [tilespmem:s1+$0x2040]  }
0x27c: {  	v8 =	vld [tilespmem:s1+$0x2050];
	v9 =	vshrl.u32 v3, $0xF;
	vm0 =	vlt.s32 v3, $0x0  }
0x27d: {  	v3 =	vld [tilespmem:s1+$0x2060];
	v9 =	vsel vm0, v2, v9;
	v10 =	vshrl.u32 v4, $0xF;
	vm0 =	vlt.s32 v4, $0x0  }
0x27e: {  	v4 =	vld [tilespmem:s1+$0x2070];
	v10 =	vsel vm0, v2, v10;
	v11 =	vshrl.u32 v5, $0xF;
	vm0 =	vlt.s32 v5, $0x0  }
0x27f: {  	v5 =	vsel vm0, v2, v11;
	v11 =	vshrl.u32 v6, $0xF;
	vm0 =	vlt.s32 v6, $0x0  }
0x280: {  	v6 =	vsel vm0, v2, v11;
	v11 =	vshrl.u32 v7, $0xF;
	vm0 =	vlt.s32 v7, $0x0  }
0x281: {  	v7 =	vsel vm0, v2, v11;
	v11 =	vshrl.u32 v8, $0xF;
	vm0 =	vlt.s32 v8, $0x0  }
0x282: {  	v8 =	vsel vm0, v2, v11;
	v11 =	vshrl.u32 v3, $0xF;
	vm0 =	vlt.s32 v3, $0x0;
	[tilespmem:v9+s26+$0x0] =	vst.idx.add.f32.msk $0xffff, v1  }
0x283: {  	v9 =	vsel vm0, v2, v11;
	v3 =	vshrl.u32 v4, $0xF;
	vm0 =	vlt.s32 v4, $0x0;
	[tilespmem:v10+s26+$0x0] =	vst.idx.add.f32.msk $0xffff, v1  }
.Ltmp10:
0x284: {  	v3 =	vsel vm0, v2, v3;
	[tilespmem:v5+s26+$0x0] =	vst.idx.add.f32.msk $0xffff, v1;
	(pc) =	sbr.rel @p0 .LBB2_22-.Ltmp10, $4  }
0x285: {  	[tilespmem:v6+s26+$0x0] =	vst.idx.add.f32.msk $0xffff, v1  }
0x286: {  	[tilespmem:v7+s26+$0x0] =	vst.idx.add.f32.msk $0xffff, v1  }
0x287: {  	[tilespmem:v8+s26+$0x0] =	vst.idx.add.f32.msk $0xffff, v1  }
0x288: {  	[tilespmem:v9+s26+$0x0] =	vst.idx.add.f32.msk $0xffff, v1  }
0x289: {  	_ =	sdelay $0x3  }
0x28a: {  	s0 =	sshra.s32 s31, $0x2;
	[tilespmem:v3+s26+$0x0] =	vst.idx.add.f32.msk $0xffff, v1  }
0x28b: {  	v3 =	vld [tilespmem:s0+$0x2000]  }
0x28c: {  	v4 =	vld [tilespmem:s0+$0x2010]  }
0x28d: {  	v5 =	vld [tilespmem:s0+$0x2020]  }
0x28e: {  	v6 =	vld [tilespmem:s0+$0x2030]  }
0x28f: {  	v7 =	vld [tilespmem:s0+$0x2040]  }
0x290: {  	v8 =	vld [tilespmem:s0+$0x2050];
	v9 =	vshrl.u32 v3, $0xF;
	vm0 =	vlt.s32 v3, $0x0  }
0x291: {  	v3 =	vld [tilespmem:s0+$0x2060];
	v10 =	vshrl.u32 v4, $0xF;
	vm13 =	vlt.s32 v4, $0x0;
	v9 =	vsel vm0, v2, v9  }
0x292: {  	v4 =	vld [tilespmem:s0+$0x2070];
	v11 =	vshrl.u32 v5, $0xF;
	vm14 =	vlt.s32 v5, $0x0;
	v10 =	vsel vm13, v2, v10  }
0x293: {  	v47 =	vshrl.u32 v6, $0xF;
	vm15 =	vlt.s32 v6, $0x0;
	v5 =	vsel vm14, v2, v11  }
0x294: {  	v48 =	vshrl.u32 v7, $0xF;
	vm4 =	vlt.s32 v7, $0x0;
	v6 =	vsel vm15, v2, v47  }
0x295: {  	v49 =	vshrl.u32 v8, $0xF;
	vm5 =	vlt.s32 v8, $0x0;
	v7 =	vsel vm4, v2, v48  }
0x296: {  	v8 =	vsel vm5, v2, v49;
	v50 =	vshrl.u32 v3, $0xF;
	vm6 =	vlt.s32 v3, $0x0;
	[tilespmem:v9+s26+$0x0] =	vst.idx.add.f32.msk $0xffff, v1  }
0x297: {  	v51 =	vshrl.u32 v4, $0xF;
	vm7 =	vlt.s32 v4, $0x0;
	v3 =	vsel vm6, v2, v50;
	[tilespmem:v10+s26+$0x0] =	vst.idx.add.f32.msk $0xffff, v1  }
0x298: {  	v4 =	vsel vm7, v2, v51;
	[tilespmem:v5+s26+$0x0] =	vst.idx.add.f32.msk $0xffff, v1  }
0x299: {  	[tilespmem:v6+s26+$0x0] =	vst.idx.add.f32.msk $0xffff, v1  }
0x29a: {  	[tilespmem:v7+s26+$0x0] =	vst.idx.add.f32.msk $0xffff, v1  }
0x29b: {  	[tilespmem:v8+s26+$0x0] =	vst.idx.add.f32.msk $0xffff, v1  }
0x29c: {  	[tilespmem:v3+s26+$0x0] =	vst.idx.add.f32.msk $0xffff, v1  }
0x29d: {  	s1 =	simm.s32 $0x0;
	[tilespmem:v4+s26+$0x0] =	vst.idx.add.f32.msk $0xffff, v1  }
0x29e: {  	[tilespmem:s24], [sflag:$0x2] =	stream.linear.gather [hbm4b:s15+s1], $0x2000, $0x38;
	[tilespmem:$0x14080] =	vst v63  }
0x29f: {  	_ =	swait.ge [sflag:s25], $0x2000  }
0x2a0: {  	[sflag:s25] =	ssyncset.done $0x0  }
0x2a1: {  	s1 =	simm.s32 $0x0;
	[sflag:s25] =	ssyncadd.s32 $0xFFFFE000  }
0x2a2: {  	v3 =	vld [tilespmem:s1+$0x0]  }
0x2a3: {  	v4 =	vld [tilespmem:s1+$0x10]  }
0x2a4: {  	v5 =	vld [tilespmem:s1+$0x20]  }
0x2a5: {  	v52 =	vld [tilespmem:s1+$0x30]  }
0x2a6: {  	v53 =	vld [tilespmem:s1+$0x40]  }
0x2a7: {  	v54 =	vld [tilespmem:s1+$0x50];
	v55 =	vshrl.u32 v3, $0xF;
	vm8 =	vlt.s32 v3, $0x0  }
0x2a8: {  	v3 =	vld [tilespmem:s1+$0x60];
	v56 =	vshrl.u32 v4, $0xF;
	vm9 =	vlt.s32 v4, $0x0;
	v9 =	vsel vm8, v2, v55  }
0x2a9: {  	v57 =	vshrl.u32 v5, $0xF;
	vm10 =	vlt.s32 v5, $0x0;
	v4 =	vsel vm9, v2, v56  }
0x2aa: {  	v60 =	vld [tilespmem:s1+$0x70];
	v58 =	vshrl.u32 v52, $0xF;
	vm11 =	vlt.s32 v52, $0x0;
	v5 =	vsel vm10, v2, v57  }
0x2ab: {  	v59 =	vshrl.u32 v53, $0xF;
	vm12 =	vlt.s32 v53, $0x0;
	v6 =	vsel vm11, v2, v58  }
0x2ac: {  	v61 =	vshrl.u32 v54, $0xF;
	vm13 =	vlt.s32 v54, $0x0;
	v10 =	vsel vm12, v2, v59  }
0x2ad: {  	v8 =	vsel vm13, v2, v61;
	v62 =	vshrl.u32 v3, $0xF;
	vm14 =	vlt.s32 v3, $0x0;
	[tilespmem:v9+s26+$0x0] =	vst.idx.add.f32.msk $0xffff, v1  }
0x2ae: {  	v63 =	vsel vm14, v2, v62;
	[tilespmem:v4+s26+$0x0] =	vst.idx.add.f32.msk $0xffff, v1  }
0x2af: {  	vm15 =	vlt.s32 v60, $0x0;
	v3 =	vshrl.u32 v60, $0xF;
	[tilespmem:v5+s26+$0x0] =	vst.idx.add.f32.msk $0xffff, v1  }
0x2b0: {  	v3 =	vsel vm15, v2, v3;
	[tilespmem:v6+s26+$0x0] =	vst.idx.add.f32.msk $0xffff, v1  }
0x2b1: {  	[tilespmem:v10+s26+$0x0] =	vst.idx.add.f32.msk $0xffff, v1  }
0x2b2: {  	[tilespmem:v8+s26+$0x0] =	vst.idx.add.f32.msk $0xffff, v1  }
0x2b3: {  	s31 =	simm.s32 $0x200;
	s0 =	simm.s32 $0x400;
	[tilespmem:v63+s26+$0x0] =	vst.idx.add.f32.msk $0xffff, v1  }
.LBB2_24:
0x2b4: {  	p0 =	sne.s32 s0, $0x7E00  }
0x2b5: {  	s1 =	sshra.s32 s31, $0x2;
	[tilespmem:v3+s26+$0x0] =	vst.idx.add.f32.msk $0xffff, v1;
	s31 =	smov.u32 s0;
	s0 =	sadd.s32 $0x200, s0  }
0x2b6: {  	v3 =	vld [tilespmem:s1+$0x0]  }
0x2b7: {  	v4 =	vld [tilespmem:s1+$0x10]  }
0x2b8: {  	v5 =	vld [tilespmem:s1+$0x20]  }
0x2b9: {  	v6 =	vld [tilespmem:s1+$0x30]  }
0x2ba: {  	v7 =	vld [tilespmem:s1+$0x40]  }
0x2bb: {  	v8 =	vld [tilespmem:s1+$0x50];
	v9 =	vshrl.u32 v3, $0xF;
	vm0 =	vlt.s32 v3, $0x0  }
0x2bc: {  	v3 =	vld [tilespmem:s1+$0x60];
	v9 =	vsel vm0, v2, v9;
	v10 =	vshrl.u32 v4, $0xF;
	vm0 =	vlt.s32 v4, $0x0  }
0x2bd: {  	v4 =	vld [tilespmem:s1+$0x70];
	v10 =	vsel vm0, v2, v10;
	v11 =	vshrl.u32 v5, $0xF;
	vm0 =	vlt.s32 v5, $0x0  }
0x2be: {  	v5 =	vsel vm0, v2, v11;
	v11 =	vshrl.u32 v6, $0xF;
	vm0 =	vlt.s32 v6, $0x0  }
0x2bf: {  	v6 =	vsel vm0, v2, v11;
	v11 =	vshrl.u32 v7, $0xF;
	vm0 =	vlt.s32 v7, $0x0  }
0x2c0: {  	v7 =	vsel vm0, v2, v11;
	v11 =	vshrl.u32 v8, $0xF;
	vm0 =	vlt.s32 v8, $0x0  }
0x2c1: {  	v8 =	vsel vm0, v2, v11;
	v11 =	vshrl.u32 v3, $0xF;
	vm0 =	vlt.s32 v3, $0x0;
	[tilespmem:v9+s26+$0x0] =	vst.idx.add.f32.msk $0xffff, v1  }
0x2c2: {  	v9 =	vsel vm0, v2, v11;
	v3 =	vshrl.u32 v4, $0xF;
	vm0 =	vlt.s32 v4, $0x0;
	[tilespmem:v10+s26+$0x0] =	vst.idx.add.f32.msk $0xffff, v1  }
.Ltmp11:
0x2c3: {  	v3 =	vsel vm0, v2, v3;
	[tilespmem:v5+s26+$0x0] =	vst.idx.add.f32.msk $0xffff, v1;
	(pc) =	sbr.rel @p0 .LBB2_24-.Ltmp11, $4  }
0x2c4: {  	[tilespmem:v6+s26+$0x0] =	vst.idx.add.f32.msk $0xffff, v1  }
0x2c5: {  	[tilespmem:v7+s26+$0x0] =	vst.idx.add.f32.msk $0xffff, v1  }
0x2c6: {  	[tilespmem:v8+s26+$0x0] =	vst.idx.add.f32.msk $0xffff, v1  }
0x2c7: {  	[tilespmem:v9+s26+$0x0] =	vst.idx.add.f32.msk $0xffff, v1  }
0x2c8: {  	_ =	sdelay $0x3  }
0x2c9: {  	s0 =	sshra.s32 s31, $0x2;
	[tilespmem:v3+s26+$0x0] =	vst.idx.add.f32.msk $0xffff, v1  }
0x2ca: {  	v3 =	vld [tilespmem:s0+$0x0]  }
0x2cb: {  	v4 =	vld [tilespmem:s0+$0x10]  }
0x2cc: {  	v5 =	vld [tilespmem:s0+$0x20]  }
0x2cd: {  	v6 =	vld [tilespmem:s0+$0x30]  }
0x2ce: {  	v7 =	vld [tilespmem:s0+$0x40]  }
0x2cf: {  	v8 =	vld [tilespmem:s0+$0x50];
	v9 =	vshrl.u32 v3, $0xF;
	vm0 =	vlt.s32 v3, $0x0  }
0x2d0: {  	v3 =	vld [tilespmem:s0+$0x60];
	v10 =	vshrl.u32 v4, $0xF;
	vm13 =	vlt.s32 v4, $0x0;
	v9 =	vsel vm0, v2, v9  }
0x2d1: {  	v4 =	vld [tilespmem:s0+$0x70];
	v11 =	vshrl.u32 v5, $0xF;
	vm14 =	vlt.s32 v5, $0x0;
	v10 =	vsel vm13, v2, v10  }
0x2d2: {  	v47 =	vshrl.u32 v6, $0xF;
	vm15 =	vlt.s32 v6, $0x0;
	v5 =	vsel vm14, v2, v11  }
0x2d3: {  	v48 =	vshrl.u32 v7, $0xF;
	vm4 =	vlt.s32 v7, $0x0;
	v6 =	vsel vm15, v2, v47  }
0x2d4: {  	v49 =	vshrl.u32 v8, $0xF;
	vm5 =	vlt.s32 v8, $0x0;
	v7 =	vsel vm4, v2, v48  }
0x2d5: {  	v8 =	vsel vm5, v2, v49;
	v50 =	vshrl.u32 v3, $0xF;
	vm6 =	vlt.s32 v3, $0x0;
	[tilespmem:v9+s26+$0x0] =	vst.idx.add.f32.msk $0xffff, v1  }
0x2d6: {  	v51 =	vshrl.u32 v4, $0xF;
	vm7 =	vlt.s32 v4, $0x0;
	v3 =	vsel vm6, v2, v50;
	[tilespmem:v10+s26+$0x0] =	vst.idx.add.f32.msk $0xffff, v1  }
0x2d7: {  	v4 =	vsel vm7, v2, v51;
	[tilespmem:v5+s26+$0x0] =	vst.idx.add.f32.msk $0xffff, v1  }
0x2d8: {  	[tilespmem:v6+s26+$0x0] =	vst.idx.add.f32.msk $0xffff, v1  }
0x2d9: {  	[tilespmem:v7+s26+$0x0] =	vst.idx.add.f32.msk $0xffff, v1  }
0x2da: {  	[tilespmem:v8+s26+$0x0] =	vst.idx.add.f32.msk $0xffff, v1  }
0x2db: {  	[tilespmem:v3+s26+$0x0] =	vst.idx.add.f32.msk $0xffff, v1  }
0x2dc: {  	s1 =	simm.s32 $0x0;
	[tilespmem:v4+s26+$0x0] =	vst.idx.add.f32.msk $0xffff, v1  }
0x2dd: {  	[tilespmem:s1], [sflag:$0x1] =	stream.linear.gather [hbm4b:s16+s1], $0x2000, $0x38;
	[tilespmem:$0x14080] =	vst v63  }
0x2de: {  	_ =	swait.ge [sflag:s28], $0x2000  }
0x2df: {  	[sflag:s28] =	ssyncset.done $0x0  }
0x2e0: {  	s1 =	simm.s32 $0x0;
	[sflag:s28] =	ssyncadd.s32 $0xFFFFE000  }
0x2e1: {  	v3 =	vld [tilespmem:s1+$0x2000]  }
0x2e2: {  	v4 =	vld [tilespmem:s1+$0x2010]  }
0x2e3: {  	v5 =	vld [tilespmem:s1+$0x2020]  }
0x2e4: {  	v52 =	vld [tilespmem:s1+$0x2030]  }
0x2e5: {  	v53 =	vld [tilespmem:s1+$0x2040]  }
0x2e6: {  	v54 =	vld [tilespmem:s1+$0x2050];
	v55 =	vshrl.u32 v3, $0xF;
	vm8 =	vlt.s32 v3, $0x0  }
0x2e7: {  	v3 =	vld [tilespmem:s1+$0x2060];
	v56 =	vshrl.u32 v4, $0xF;
	vm9 =	vlt.s32 v4, $0x0;
	v9 =	vsel vm8, v2, v55  }
0x2e8: {  	v57 =	vshrl.u32 v5, $0xF;
	vm10 =	vlt.s32 v5, $0x0;
	v4 =	vsel vm9, v2, v56  }
0x2e9: {  	v60 =	vld [tilespmem:s1+$0x2070];
	v58 =	vshrl.u32 v52, $0xF;
	vm11 =	vlt.s32 v52, $0x0;
	v5 =	vsel vm10, v2, v57  }
0x2ea: {  	v59 =	vshrl.u32 v53, $0xF;
	vm12 =	vlt.s32 v53, $0x0;
	v6 =	vsel vm11, v2, v58  }
0x2eb: {  	v61 =	vshrl.u32 v54, $0xF;
	vm13 =	vlt.s32 v54, $0x0;
	v10 =	vsel vm12, v2, v59  }
0x2ec: {  	v8 =	vsel vm13, v2, v61;
	v62 =	vshrl.u32 v3, $0xF;
	vm14 =	vlt.s32 v3, $0x0;
	[tilespmem:v9+s26+$0x0] =	vst.idx.add.f32.msk $0xffff, v1  }
0x2ed: {  	v63 =	vsel vm14, v2, v62;
	[tilespmem:v4+s26+$0x0] =	vst.idx.add.f32.msk $0xffff, v1  }
0x2ee: {  	vm15 =	vlt.s32 v60, $0x0;
	v3 =	vshrl.u32 v60, $0xF;
	[tilespmem:v5+s26+$0x0] =	vst.idx.add.f32.msk $0xffff, v1  }
0x2ef: {  	v3 =	vsel vm15, v2, v3;
	[tilespmem:v6+s26+$0x0] =	vst.idx.add.f32.msk $0xffff, v1  }
0x2f0: {  	[tilespmem:v10+s26+$0x0] =	vst.idx.add.f32.msk $0xffff, v1  }
0x2f1: {  	[tilespmem:v8+s26+$0x0] =	vst.idx.add.f32.msk $0xffff, v1  }
0x2f2: {  	s31 =	simm.s32 $0x200;
	s0 =	simm.s32 $0x400;
	[tilespmem:v63+s26+$0x0] =	vst.idx.add.f32.msk $0xffff, v1  }
.LBB2_26:
0x2f3: {  	p0 =	sne.s32 s0, $0x7E00  }
0x2f4: {  	s1 =	sshra.s32 s31, $0x2;
	[tilespmem:v3+s26+$0x0] =	vst.idx.add.f32.msk $0xffff, v1;
	s31 =	smov.u32 s0;
	s0 =	sadd.s32 $0x200, s0  }
0x2f5: {  	v3 =	vld [tilespmem:s1+$0x2000]  }
0x2f6: {  	v4 =	vld [tilespmem:s1+$0x2010]  }
0x2f7: {  	v5 =	vld [tilespmem:s1+$0x2020]  }
0x2f8: {  	v6 =	vld [tilespmem:s1+$0x2030]  }
0x2f9: {  	v7 =	vld [tilespmem:s1+$0x2040]  }
0x2fa: {  	v8 =	vld [tilespmem:s1+$0x2050];
	v9 =	vshrl.u32 v3, $0xF;
	vm0 =	vlt.s32 v3, $0x0  }
0x2fb: {  	v3 =	vld [tilespmem:s1+$0x2060];
	v9 =	vsel vm0, v2, v9;
	v10 =	vshrl.u32 v4, $0xF;
	vm0 =	vlt.s32 v4, $0x0  }
0x2fc: {  	v4 =	vld [tilespmem:s1+$0x2070];
	v10 =	vsel vm0, v2, v10;
	v11 =	vshrl.u32 v5, $0xF;
	vm0 =	vlt.s32 v5, $0x0  }
0x2fd: {  	v5 =	vsel vm0, v2, v11;
	v11 =	vshrl.u32 v6, $0xF;
	vm0 =	vlt.s32 v6, $0x0  }
0x2fe: {  	v6 =	vsel vm0, v2, v11;
	v11 =	vshrl.u32 v7, $0xF;
	vm0 =	vlt.s32 v7, $0x0  }
0x2ff: {  	v7 =	vsel vm0, v2, v11;
	v11 =	vshrl.u32 v8, $0xF;
	vm0 =	vlt.s32 v8, $0x0  }
0x300: {  	v8 =	vsel vm0, v2, v11;
	v11 =	vshrl.u32 v3, $0xF;
	vm0 =	vlt.s32 v3, $0x0;
	[tilespmem:v9+s26+$0x0] =	vst.idx.add.f32.msk $0xffff, v1  }
0x301: {  	v9 =	vsel vm0, v2, v11;
	v3 =	vshrl.u32 v4, $0xF;
	vm0 =	vlt.s32 v4, $0x0;
	[tilespmem:v10+s26+$0x0] =	vst.idx.add.f32.msk $0xffff, v1  }
.Ltmp12:
0x302: {  	v3 =	vsel vm0, v2, v3;
	[tilespmem:v5+s26+$0x0] =	vst.idx.add.f32.msk $0xffff, v1;
	(pc) =	sbr.rel @p0 .LBB2_26-.Ltmp12, $4  }
0x303: {  	[tilespmem:v6+s26+$0x0] =	vst.idx.add.f32.msk $0xffff, v1  }
0x304: {  	[tilespmem:v7+s26+$0x0] =	vst.idx.add.f32.msk $0xffff, v1  }
0x305: {  	[tilespmem:v8+s26+$0x0] =	vst.idx.add.f32.msk $0xffff, v1  }
0x306: {  	[tilespmem:v9+s26+$0x0] =	vst.idx.add.f32.msk $0xffff, v1  }
0x307: {  	_ =	sdelay $0x3  }
0x308: {  	s0 =	sshra.s32 s31, $0x2;
	[tilespmem:v3+s26+$0x0] =	vst.idx.add.f32.msk $0xffff, v1  }
0x309: {  	v3 =	vld [tilespmem:s0+$0x2000]  }
0x30a: {  	v4 =	vld [tilespmem:s0+$0x2010]  }
0x30b: {  	v5 =	vld [tilespmem:s0+$0x2020]  }
0x30c: {  	v6 =	vld [tilespmem:s0+$0x2030]  }
0x30d: {  	v7 =	vld [tilespmem:s0+$0x2040]  }
0x30e: {  	v8 =	vld [tilespmem:s0+$0x2050];
	v9 =	vshrl.u32 v3, $0xF;
	vm0 =	vlt.s32 v3, $0x0  }
0x30f: {  	v3 =	vld [tilespmem:s0+$0x2060];
	v10 =	vshrl.u32 v4, $0xF;
	vm13 =	vlt.s32 v4, $0x0;
	v9 =	vsel vm0, v2, v9  }
0x310: {  	v4 =	vld [tilespmem:s0+$0x2070];
	v11 =	vshrl.u32 v5, $0xF;
	vm14 =	vlt.s32 v5, $0x0;
	v10 =	vsel vm13, v2, v10  }
0x311: {  	v47 =	vshrl.u32 v6, $0xF;
	vm15 =	vlt.s32 v6, $0x0;
	v5 =	vsel vm14, v2, v11  }
0x312: {  	v48 =	vshrl.u32 v7, $0xF;
	vm4 =	vlt.s32 v7, $0x0;
	v6 =	vsel vm15, v2, v47  }
0x313: {  	v49 =	vshrl.u32 v8, $0xF;
	vm5 =	vlt.s32 v8, $0x0;
	v7 =	vsel vm4, v2, v48  }
0x314: {  	v8 =	vsel vm5, v2, v49;
	v50 =	vshrl.u32 v3, $0xF;
	vm6 =	vlt.s32 v3, $0x0;
	[tilespmem:v9+s26+$0x0] =	vst.idx.add.f32.msk $0xffff, v1  }
0x315: {  	v51 =	vshrl.u32 v4, $0xF;
	vm7 =	vlt.s32 v4, $0x0;
	v3 =	vsel vm6, v2, v50;
	[tilespmem:v10+s26+$0x0] =	vst.idx.add.f32.msk $0xffff, v1  }
0x316: {  	v4 =	vsel vm7, v2, v51;
	[tilespmem:v5+s26+$0x0] =	vst.idx.add.f32.msk $0xffff, v1  }
0x317: {  	[tilespmem:v6+s26+$0x0] =	vst.idx.add.f32.msk $0xffff, v1  }
0x318: {  	[tilespmem:v7+s26+$0x0] =	vst.idx.add.f32.msk $0xffff, v1  }
0x319: {  	[tilespmem:v8+s26+$0x0] =	vst.idx.add.f32.msk $0xffff, v1  }
0x31a: {  	[tilespmem:v3+s26+$0x0] =	vst.idx.add.f32.msk $0xffff, v1  }
0x31b: {  	s1 =	simm.s32 $0x0;
	[tilespmem:v4+s26+$0x0] =	vst.idx.add.f32.msk $0xffff, v1  }
0x31c: {  	[tilespmem:s24], [sflag:$0x2] =	stream.linear.gather [hbm4b:s17+s1], $0x2000, $0x38;
	[tilespmem:$0x14080] =	vst v63  }
0x31d: {  	_ =	swait.ge [sflag:s25], $0x2000  }
0x31e: {  	[sflag:s25] =	ssyncset.done $0x0  }
0x31f: {  	s1 =	simm.s32 $0x0;
	[sflag:s25] =	ssyncadd.s32 $0xFFFFE000  }
0x320: {  	v3 =	vld [tilespmem:s1+$0x0]  }
0x321: {  	v4 =	vld [tilespmem:s1+$0x10]  }
0x322: {  	v5 =	vld [tilespmem:s1+$0x20]  }
0x323: {  	v52 =	vld [tilespmem:s1+$0x30]  }
0x324: {  	v53 =	vld [tilespmem:s1+$0x40]  }
0x325: {  	v54 =	vld [tilespmem:s1+$0x50];
	v55 =	vshrl.u32 v3, $0xF;
	vm8 =	vlt.s32 v3, $0x0  }
0x326: {  	v3 =	vld [tilespmem:s1+$0x60];
	v56 =	vshrl.u32 v4, $0xF;
	vm9 =	vlt.s32 v4, $0x0;
	v9 =	vsel vm8, v2, v55  }
0x327: {  	v57 =	vshrl.u32 v5, $0xF;
	vm10 =	vlt.s32 v5, $0x0;
	v4 =	vsel vm9, v2, v56  }
0x328: {  	v60 =	vld [tilespmem:s1+$0x70];
	v58 =	vshrl.u32 v52, $0xF;
	vm11 =	vlt.s32 v52, $0x0;
	v5 =	vsel vm10, v2, v57  }
0x329: {  	v59 =	vshrl.u32 v53, $0xF;
	vm12 =	vlt.s32 v53, $0x0;
	v6 =	vsel vm11, v2, v58  }
0x32a: {  	v61 =	vshrl.u32 v54, $0xF;
	vm13 =	vlt.s32 v54, $0x0;
	v10 =	vsel vm12, v2, v59  }
0x32b: {  	v8 =	vsel vm13, v2, v61;
	v62 =	vshrl.u32 v3, $0xF;
	vm14 =	vlt.s32 v3, $0x0;
	[tilespmem:v9+s26+$0x0] =	vst.idx.add.f32.msk $0xffff, v1  }
0x32c: {  	v63 =	vsel vm14, v2, v62;
	[tilespmem:v4+s26+$0x0] =	vst.idx.add.f32.msk $0xffff, v1  }
0x32d: {  	vm15 =	vlt.s32 v60, $0x0;
	v3 =	vshrl.u32 v60, $0xF;
	[tilespmem:v5+s26+$0x0] =	vst.idx.add.f32.msk $0xffff, v1  }
0x32e: {  	v3 =	vsel vm15, v2, v3;
	[tilespmem:v6+s26+$0x0] =	vst.idx.add.f32.msk $0xffff, v1  }
0x32f: {  	[tilespmem:v10+s26+$0x0] =	vst.idx.add.f32.msk $0xffff, v1  }
0x330: {  	[tilespmem:v8+s26+$0x0] =	vst.idx.add.f32.msk $0xffff, v1  }
0x331: {  	s31 =	simm.s32 $0x200;
	s0 =	simm.s32 $0x400;
	[tilespmem:v63+s26+$0x0] =	vst.idx.add.f32.msk $0xffff, v1  }
.LBB2_28:
0x332: {  	p0 =	sne.s32 s0, $0x7E00  }
0x333: {  	s1 =	sshra.s32 s31, $0x2;
	[tilespmem:v3+s26+$0x0] =	vst.idx.add.f32.msk $0xffff, v1;
	s31 =	smov.u32 s0;
	s0 =	sadd.s32 $0x200, s0  }
0x334: {  	v3 =	vld [tilespmem:s1+$0x0]  }
0x335: {  	v4 =	vld [tilespmem:s1+$0x10]  }
0x336: {  	v5 =	vld [tilespmem:s1+$0x20]  }
0x337: {  	v6 =	vld [tilespmem:s1+$0x30]  }
0x338: {  	v7 =	vld [tilespmem:s1+$0x40]  }
0x339: {  	v8 =	vld [tilespmem:s1+$0x50];
	v9 =	vshrl.u32 v3, $0xF;
	vm0 =	vlt.s32 v3, $0x0  }
0x33a: {  	v3 =	vld [tilespmem:s1+$0x60];
	v9 =	vsel vm0, v2, v9;
	v10 =	vshrl.u32 v4, $0xF;
	vm0 =	vlt.s32 v4, $0x0  }
0x33b: {  	v4 =	vld [tilespmem:s1+$0x70];
	v10 =	vsel vm0, v2, v10;
	v11 =	vshrl.u32 v5, $0xF;
	vm0 =	vlt.s32 v5, $0x0  }
0x33c: {  	v5 =	vsel vm0, v2, v11;
	v11 =	vshrl.u32 v6, $0xF;
	vm0 =	vlt.s32 v6, $0x0  }
0x33d: {  	v6 =	vsel vm0, v2, v11;
	v11 =	vshrl.u32 v7, $0xF;
	vm0 =	vlt.s32 v7, $0x0  }
0x33e: {  	v7 =	vsel vm0, v2, v11;
	v11 =	vshrl.u32 v8, $0xF;
	vm0 =	vlt.s32 v8, $0x0  }
0x33f: {  	v8 =	vsel vm0, v2, v11;
	v11 =	vshrl.u32 v3, $0xF;
	vm0 =	vlt.s32 v3, $0x0;
	[tilespmem:v9+s26+$0x0] =	vst.idx.add.f32.msk $0xffff, v1  }
0x340: {  	v9 =	vsel vm0, v2, v11;
	v3 =	vshrl.u32 v4, $0xF;
	vm0 =	vlt.s32 v4, $0x0;
	[tilespmem:v10+s26+$0x0] =	vst.idx.add.f32.msk $0xffff, v1  }
.Ltmp13:
0x341: {  	v3 =	vsel vm0, v2, v3;
	[tilespmem:v5+s26+$0x0] =	vst.idx.add.f32.msk $0xffff, v1;
	(pc) =	sbr.rel @p0 .LBB2_28-.Ltmp13, $4  }
0x342: {  	[tilespmem:v6+s26+$0x0] =	vst.idx.add.f32.msk $0xffff, v1  }
0x343: {  	[tilespmem:v7+s26+$0x0] =	vst.idx.add.f32.msk $0xffff, v1  }
0x344: {  	[tilespmem:v8+s26+$0x0] =	vst.idx.add.f32.msk $0xffff, v1  }
0x345: {  	[tilespmem:v9+s26+$0x0] =	vst.idx.add.f32.msk $0xffff, v1  }
0x346: {  	_ =	sdelay $0x3  }
0x347: {  	s0 =	sshra.s32 s31, $0x2;
	[tilespmem:v3+s26+$0x0] =	vst.idx.add.f32.msk $0xffff, v1  }
0x348: {  	v3 =	vld [tilespmem:s0+$0x0]  }
0x349: {  	v4 =	vld [tilespmem:s0+$0x10]  }
0x34a: {  	v5 =	vld [tilespmem:s0+$0x20]  }
0x34b: {  	v6 =	vld [tilespmem:s0+$0x30]  }
0x34c: {  	v7 =	vld [tilespmem:s0+$0x40]  }
0x34d: {  	v8 =	vld [tilespmem:s0+$0x50];
	v9 =	vshrl.u32 v3, $0xF;
	vm0 =	vlt.s32 v3, $0x0  }
0x34e: {  	v3 =	vld [tilespmem:s0+$0x60];
	v10 =	vshrl.u32 v4, $0xF;
	vm13 =	vlt.s32 v4, $0x0;
	v9 =	vsel vm0, v2, v9  }
0x34f: {  	v4 =	vld [tilespmem:s0+$0x70];
	v11 =	vshrl.u32 v5, $0xF;
	vm14 =	vlt.s32 v5, $0x0;
	v10 =	vsel vm13, v2, v10  }
0x350: {  	v47 =	vshrl.u32 v6, $0xF;
	vm15 =	vlt.s32 v6, $0x0;
	v5 =	vsel vm14, v2, v11  }
0x351: {  	v48 =	vshrl.u32 v7, $0xF;
	vm4 =	vlt.s32 v7, $0x0;
	v6 =	vsel vm15, v2, v47  }
0x352: {  	v49 =	vshrl.u32 v8, $0xF;
	vm5 =	vlt.s32 v8, $0x0;
	v7 =	vsel vm4, v2, v48  }
0x353: {  	v8 =	vsel vm5, v2, v49;
	v50 =	vshrl.u32 v3, $0xF;
	vm6 =	vlt.s32 v3, $0x0;
	[tilespmem:v9+s26+$0x0] =	vst.idx.add.f32.msk $0xffff, v1  }
0x354: {  	v51 =	vshrl.u32 v4, $0xF;
	vm7 =	vlt.s32 v4, $0x0;
	v3 =	vsel vm6, v2, v50;
	[tilespmem:v10+s26+$0x0] =	vst.idx.add.f32.msk $0xffff, v1  }
0x355: {  	v4 =	vsel vm7, v2, v51;
	[tilespmem:v5+s26+$0x0] =	vst.idx.add.f32.msk $0xffff, v1  }
0x356: {  	[tilespmem:v6+s26+$0x0] =	vst.idx.add.f32.msk $0xffff, v1  }
0x357: {  	[tilespmem:v7+s26+$0x0] =	vst.idx.add.f32.msk $0xffff, v1  }
0x358: {  	[tilespmem:v8+s26+$0x0] =	vst.idx.add.f32.msk $0xffff, v1  }
0x359: {  	[tilespmem:v3+s26+$0x0] =	vst.idx.add.f32.msk $0xffff, v1  }
0x35a: {  	s1 =	simm.s32 $0x0;
	[tilespmem:v4+s26+$0x0] =	vst.idx.add.f32.msk $0xffff, v1  }
0x35b: {  	[tilespmem:s1], [sflag:$0x1] =	stream.linear.gather [hbm4b:s18+s1], $0x2000, $0x38;
	[tilespmem:$0x14080] =	vst v63  }
0x35c: {  	_ =	swait.ge [sflag:s28], $0x2000  }
0x35d: {  	[sflag:s28] =	ssyncset.done $0x0  }
0x35e: {  	s1 =	simm.s32 $0x0;
	[sflag:s28] =	ssyncadd.s32 $0xFFFFE000  }
0x35f: {  	v3 =	vld [tilespmem:s1+$0x2000]  }
0x360: {  	v4 =	vld [tilespmem:s1+$0x2010]  }
0x361: {  	v5 =	vld [tilespmem:s1+$0x2020]  }
0x362: {  	v52 =	vld [tilespmem:s1+$0x2030]  }
0x363: {  	v53 =	vld [tilespmem:s1+$0x2040]  }
0x364: {  	v54 =	vld [tilespmem:s1+$0x2050];
	v55 =	vshrl.u32 v3, $0xF;
	vm8 =	vlt.s32 v3, $0x0  }
0x365: {  	v3 =	vld [tilespmem:s1+$0x2060];
	v56 =	vshrl.u32 v4, $0xF;
	vm9 =	vlt.s32 v4, $0x0;
	v9 =	vsel vm8, v2, v55  }
0x366: {  	v57 =	vshrl.u32 v5, $0xF;
	vm10 =	vlt.s32 v5, $0x0;
	v4 =	vsel vm9, v2, v56  }
0x367: {  	v60 =	vld [tilespmem:s1+$0x2070];
	v58 =	vshrl.u32 v52, $0xF;
	vm11 =	vlt.s32 v52, $0x0;
	v5 =	vsel vm10, v2, v57  }
0x368: {  	v59 =	vshrl.u32 v53, $0xF;
	vm12 =	vlt.s32 v53, $0x0;
	v6 =	vsel vm11, v2, v58  }
0x369: {  	v61 =	vshrl.u32 v54, $0xF;
	vm13 =	vlt.s32 v54, $0x0;
	v10 =	vsel vm12, v2, v59  }
0x36a: {  	v8 =	vsel vm13, v2, v61;
	v62 =	vshrl.u32 v3, $0xF;
	vm14 =	vlt.s32 v3, $0x0;
	[tilespmem:v9+s26+$0x0] =	vst.idx.add.f32.msk $0xffff, v1  }
0x36b: {  	v63 =	vsel vm14, v2, v62;
	[tilespmem:v4+s26+$0x0] =	vst.idx.add.f32.msk $0xffff, v1  }
0x36c: {  	vm15 =	vlt.s32 v60, $0x0;
	v3 =	vshrl.u32 v60, $0xF;
	[tilespmem:v5+s26+$0x0] =	vst.idx.add.f32.msk $0xffff, v1  }
0x36d: {  	v3 =	vsel vm15, v2, v3;
	[tilespmem:v6+s26+$0x0] =	vst.idx.add.f32.msk $0xffff, v1  }
0x36e: {  	[tilespmem:v10+s26+$0x0] =	vst.idx.add.f32.msk $0xffff, v1  }
0x36f: {  	[tilespmem:v8+s26+$0x0] =	vst.idx.add.f32.msk $0xffff, v1  }
0x370: {  	s31 =	simm.s32 $0x200;
	s0 =	simm.s32 $0x400;
	[tilespmem:v63+s26+$0x0] =	vst.idx.add.f32.msk $0xffff, v1  }
.LBB2_30:
0x371: {  	p0 =	sne.s32 s0, $0x7E00  }
0x372: {  	s1 =	sshra.s32 s31, $0x2;
	[tilespmem:v3+s26+$0x0] =	vst.idx.add.f32.msk $0xffff, v1;
	s31 =	smov.u32 s0;
	s0 =	sadd.s32 $0x200, s0  }
0x373: {  	v3 =	vld [tilespmem:s1+$0x2000]  }
0x374: {  	v4 =	vld [tilespmem:s1+$0x2010]  }
0x375: {  	v5 =	vld [tilespmem:s1+$0x2020]  }
0x376: {  	v6 =	vld [tilespmem:s1+$0x2030]  }
0x377: {  	v7 =	vld [tilespmem:s1+$0x2040]  }
0x378: {  	v8 =	vld [tilespmem:s1+$0x2050];
	v9 =	vshrl.u32 v3, $0xF;
	vm0 =	vlt.s32 v3, $0x0  }
0x379: {  	v3 =	vld [tilespmem:s1+$0x2060];
	v9 =	vsel vm0, v2, v9;
	v10 =	vshrl.u32 v4, $0xF;
	vm0 =	vlt.s32 v4, $0x0  }
0x37a: {  	v4 =	vld [tilespmem:s1+$0x2070];
	v10 =	vsel vm0, v2, v10;
	v11 =	vshrl.u32 v5, $0xF;
	vm0 =	vlt.s32 v5, $0x0  }
0x37b: {  	v5 =	vsel vm0, v2, v11;
	v11 =	vshrl.u32 v6, $0xF;
	vm0 =	vlt.s32 v6, $0x0  }
0x37c: {  	v6 =	vsel vm0, v2, v11;
	v11 =	vshrl.u32 v7, $0xF;
	vm0 =	vlt.s32 v7, $0x0  }
0x37d: {  	v7 =	vsel vm0, v2, v11;
	v11 =	vshrl.u32 v8, $0xF;
	vm0 =	vlt.s32 v8, $0x0  }
0x37e: {  	v8 =	vsel vm0, v2, v11;
	v11 =	vshrl.u32 v3, $0xF;
	vm0 =	vlt.s32 v3, $0x0;
	[tilespmem:v9+s26+$0x0] =	vst.idx.add.f32.msk $0xffff, v1  }
0x37f: {  	v9 =	vsel vm0, v2, v11;
	v3 =	vshrl.u32 v4, $0xF;
	vm0 =	vlt.s32 v4, $0x0;
	[tilespmem:v10+s26+$0x0] =	vst.idx.add.f32.msk $0xffff, v1  }
.Ltmp14:
0x380: {  	v3 =	vsel vm0, v2, v3;
	[tilespmem:v5+s26+$0x0] =	vst.idx.add.f32.msk $0xffff, v1;
	(pc) =	sbr.rel @p0 .LBB2_30-.Ltmp14, $4  }
0x381: {  	[tilespmem:v6+s26+$0x0] =	vst.idx.add.f32.msk $0xffff, v1  }
0x382: {  	[tilespmem:v7+s26+$0x0] =	vst.idx.add.f32.msk $0xffff, v1  }
0x383: {  	[tilespmem:v8+s26+$0x0] =	vst.idx.add.f32.msk $0xffff, v1  }
0x384: {  	[tilespmem:v9+s26+$0x0] =	vst.idx.add.f32.msk $0xffff, v1  }
0x385: {  	_ =	sdelay $0x3  }
0x386: {  	s0 =	sshra.s32 s31, $0x2;
	[tilespmem:v3+s26+$0x0] =	vst.idx.add.f32.msk $0xffff, v1  }
0x387: {  	v3 =	vld [tilespmem:s0+$0x2000]  }
0x388: {  	v4 =	vld [tilespmem:s0+$0x2010]  }
0x389: {  	v5 =	vld [tilespmem:s0+$0x2020]  }
0x38a: {  	v6 =	vld [tilespmem:s0+$0x2030]  }
0x38b: {  	v7 =	vld [tilespmem:s0+$0x2040]  }
0x38c: {  	v8 =	vld [tilespmem:s0+$0x2050];
	v9 =	vshrl.u32 v3, $0xF;
	vm0 =	vlt.s32 v3, $0x0  }
0x38d: {  	v3 =	vld [tilespmem:s0+$0x2060];
	v10 =	vshrl.u32 v4, $0xF;
	vm13 =	vlt.s32 v4, $0x0;
	v9 =	vsel vm0, v2, v9  }
0x38e: {  	v4 =	vld [tilespmem:s0+$0x2070];
	v11 =	vshrl.u32 v5, $0xF;
	vm14 =	vlt.s32 v5, $0x0;
	v10 =	vsel vm13, v2, v10  }
0x38f: {  	v47 =	vshrl.u32 v6, $0xF;
	vm15 =	vlt.s32 v6, $0x0;
	v5 =	vsel vm14, v2, v11  }
0x390: {  	v48 =	vshrl.u32 v7, $0xF;
	vm4 =	vlt.s32 v7, $0x0;
	v6 =	vsel vm15, v2, v47  }
0x391: {  	v49 =	vshrl.u32 v8, $0xF;
	vm5 =	vlt.s32 v8, $0x0;
	v7 =	vsel vm4, v2, v48  }
0x392: {  	v8 =	vsel vm5, v2, v49;
	v50 =	vshrl.u32 v3, $0xF;
	vm6 =	vlt.s32 v3, $0x0;
	[tilespmem:v9+s26+$0x0] =	vst.idx.add.f32.msk $0xffff, v1  }
0x393: {  	v51 =	vshrl.u32 v4, $0xF;
	vm7 =	vlt.s32 v4, $0x0;
	v3 =	vsel vm6, v2, v50;
	[tilespmem:v10+s26+$0x0] =	vst.idx.add.f32.msk $0xffff, v1  }
0x394: {  	v4 =	vsel vm7, v2, v51;
	[tilespmem:v5+s26+$0x0] =	vst.idx.add.f32.msk $0xffff, v1  }
0x395: {  	[tilespmem:v6+s26+$0x0] =	vst.idx.add.f32.msk $0xffff, v1  }
0x396: {  	[tilespmem:v7+s26+$0x0] =	vst.idx.add.f32.msk $0xffff, v1  }
0x397: {  	[tilespmem:v8+s26+$0x0] =	vst.idx.add.f32.msk $0xffff, v1  }
0x398: {  	[tilespmem:v3+s26+$0x0] =	vst.idx.add.f32.msk $0xffff, v1  }
0x399: {  	s1 =	simm.s32 $0x0;
	[tilespmem:v4+s26+$0x0] =	vst.idx.add.f32.msk $0xffff, v1  }
0x39a: {  	[tilespmem:s24], [sflag:$0x2] =	stream.linear.gather [hbm4b:s19+s1], $0x2000, $0x38;
	[tilespmem:$0x14080] =	vst v63  }
0x39b: {  	_ =	swait.ge [sflag:s25], $0x2000  }
0x39c: {  	[sflag:s25] =	ssyncset.done $0x0  }
0x39d: {  	s1 =	simm.s32 $0x0;
	[sflag:s25] =	ssyncadd.s32 $0xFFFFE000  }
0x39e: {  	v3 =	vld [tilespmem:s1+$0x0]  }
0x39f: {  	v4 =	vld [tilespmem:s1+$0x10]  }
0x3a0: {  	v5 =	vld [tilespmem:s1+$0x20]  }
0x3a1: {  	v52 =	vld [tilespmem:s1+$0x30]  }
0x3a2: {  	v53 =	vld [tilespmem:s1+$0x40]  }
0x3a3: {  	v54 =	vld [tilespmem:s1+$0x50];
	v55 =	vshrl.u32 v3, $0xF;
	vm8 =	vlt.s32 v3, $0x0  }
0x3a4: {  	v3 =	vld [tilespmem:s1+$0x60];
	v56 =	vshrl.u32 v4, $0xF;
	vm9 =	vlt.s32 v4, $0x0;
	v9 =	vsel vm8, v2, v55  }
0x3a5: {  	v57 =	vshrl.u32 v5, $0xF;
	vm10 =	vlt.s32 v5, $0x0;
	v4 =	vsel vm9, v2, v56  }
0x3a6: {  	v60 =	vld [tilespmem:s1+$0x70];
	v58 =	vshrl.u32 v52, $0xF;
	vm11 =	vlt.s32 v52, $0x0;
	v5 =	vsel vm10, v2, v57  }
0x3a7: {  	v59 =	vshrl.u32 v53, $0xF;
	vm12 =	vlt.s32 v53, $0x0;
	v6 =	vsel vm11, v2, v58  }
0x3a8: {  	v61 =	vshrl.u32 v54, $0xF;
	vm13 =	vlt.s32 v54, $0x0;
	v10 =	vsel vm12, v2, v59  }
0x3a9: {  	v8 =	vsel vm13, v2, v61;
	v62 =	vshrl.u32 v3, $0xF;
	vm14 =	vlt.s32 v3, $0x0;
	[tilespmem:v9+s26+$0x0] =	vst.idx.add.f32.msk $0xffff, v1  }
0x3aa: {  	v63 =	vsel vm14, v2, v62;
	[tilespmem:v4+s26+$0x0] =	vst.idx.add.f32.msk $0xffff, v1  }
0x3ab: {  	vm15 =	vlt.s32 v60, $0x0;
	v3 =	vshrl.u32 v60, $0xF;
	[tilespmem:v5+s26+$0x0] =	vst.idx.add.f32.msk $0xffff, v1  }
0x3ac: {  	v3 =	vsel vm15, v2, v3;
	[tilespmem:v6+s26+$0x0] =	vst.idx.add.f32.msk $0xffff, v1  }
0x3ad: {  	[tilespmem:v10+s26+$0x0] =	vst.idx.add.f32.msk $0xffff, v1  }
0x3ae: {  	[tilespmem:v8+s26+$0x0] =	vst.idx.add.f32.msk $0xffff, v1  }
0x3af: {  	s31 =	simm.s32 $0x200;
	s0 =	simm.s32 $0x400;
	[tilespmem:v63+s26+$0x0] =	vst.idx.add.f32.msk $0xffff, v1  }
.LBB2_32:
0x3b0: {  	p0 =	sne.s32 s0, $0x7E00  }
0x3b1: {  	s1 =	sshra.s32 s31, $0x2;
	[tilespmem:v3+s26+$0x0] =	vst.idx.add.f32.msk $0xffff, v1;
	s31 =	smov.u32 s0;
	s0 =	sadd.s32 $0x200, s0  }
0x3b2: {  	v3 =	vld [tilespmem:s1+$0x0]  }
0x3b3: {  	v4 =	vld [tilespmem:s1+$0x10]  }
0x3b4: {  	v5 =	vld [tilespmem:s1+$0x20]  }
0x3b5: {  	v6 =	vld [tilespmem:s1+$0x30]  }
0x3b6: {  	v7 =	vld [tilespmem:s1+$0x40]  }
0x3b7: {  	v8 =	vld [tilespmem:s1+$0x50];
	v9 =	vshrl.u32 v3, $0xF;
	vm0 =	vlt.s32 v3, $0x0  }
0x3b8: {  	v3 =	vld [tilespmem:s1+$0x60];
	v9 =	vsel vm0, v2, v9;
	v10 =	vshrl.u32 v4, $0xF;
	vm0 =	vlt.s32 v4, $0x0  }
0x3b9: {  	v4 =	vld [tilespmem:s1+$0x70];
	v10 =	vsel vm0, v2, v10;
	v11 =	vshrl.u32 v5, $0xF;
	vm0 =	vlt.s32 v5, $0x0  }
0x3ba: {  	v5 =	vsel vm0, v2, v11;
	v11 =	vshrl.u32 v6, $0xF;
	vm0 =	vlt.s32 v6, $0x0  }
0x3bb: {  	v6 =	vsel vm0, v2, v11;
	v11 =	vshrl.u32 v7, $0xF;
	vm0 =	vlt.s32 v7, $0x0  }
0x3bc: {  	v7 =	vsel vm0, v2, v11;
	v11 =	vshrl.u32 v8, $0xF;
	vm0 =	vlt.s32 v8, $0x0  }
0x3bd: {  	v8 =	vsel vm0, v2, v11;
	v11 =	vshrl.u32 v3, $0xF;
	vm0 =	vlt.s32 v3, $0x0;
	[tilespmem:v9+s26+$0x0] =	vst.idx.add.f32.msk $0xffff, v1  }
0x3be: {  	v9 =	vsel vm0, v2, v11;
	v3 =	vshrl.u32 v4, $0xF;
	vm0 =	vlt.s32 v4, $0x0;
	[tilespmem:v10+s26+$0x0] =	vst.idx.add.f32.msk $0xffff, v1  }
.Ltmp15:
0x3bf: {  	v3 =	vsel vm0, v2, v3;
	[tilespmem:v5+s26+$0x0] =	vst.idx.add.f32.msk $0xffff, v1;
	(pc) =	sbr.rel @p0 .LBB2_32-.Ltmp15, $4  }
0x3c0: {  	[tilespmem:v6+s26+$0x0] =	vst.idx.add.f32.msk $0xffff, v1  }
0x3c1: {  	[tilespmem:v7+s26+$0x0] =	vst.idx.add.f32.msk $0xffff, v1  }
0x3c2: {  	[tilespmem:v8+s26+$0x0] =	vst.idx.add.f32.msk $0xffff, v1  }
0x3c3: {  	[tilespmem:v9+s26+$0x0] =	vst.idx.add.f32.msk $0xffff, v1  }
0x3c4: {  	_ =	sdelay $0x3  }
0x3c5: {  	s0 =	sshra.s32 s31, $0x2;
	[tilespmem:v3+s26+$0x0] =	vst.idx.add.f32.msk $0xffff, v1  }
0x3c6: {  	v3 =	vld [tilespmem:s0+$0x0]  }
0x3c7: {  	v4 =	vld [tilespmem:s0+$0x10]  }
0x3c8: {  	v5 =	vld [tilespmem:s0+$0x20]  }
0x3c9: {  	v6 =	vld [tilespmem:s0+$0x30]  }
0x3ca: {  	v7 =	vld [tilespmem:s0+$0x40]  }
0x3cb: {  	v8 =	vld [tilespmem:s0+$0x50];
	v9 =	vshrl.u32 v3, $0xF;
	vm0 =	vlt.s32 v3, $0x0  }
0x3cc: {  	v3 =	vld [tilespmem:s0+$0x60];
	v10 =	vshrl.u32 v4, $0xF;
	vm13 =	vlt.s32 v4, $0x0;
	v9 =	vsel vm0, v2, v9  }
0x3cd: {  	v4 =	vld [tilespmem:s0+$0x70];
	v11 =	vshrl.u32 v5, $0xF;
	vm14 =	vlt.s32 v5, $0x0;
	v10 =	vsel vm13, v2, v10  }
0x3ce: {  	v47 =	vshrl.u32 v6, $0xF;
	vm15 =	vlt.s32 v6, $0x0;
	v5 =	vsel vm14, v2, v11  }
0x3cf: {  	v48 =	vshrl.u32 v7, $0xF;
	vm4 =	vlt.s32 v7, $0x0;
	v6 =	vsel vm15, v2, v47  }
0x3d0: {  	v49 =	vshrl.u32 v8, $0xF;
	vm5 =	vlt.s32 v8, $0x0;
	v7 =	vsel vm4, v2, v48  }
0x3d1: {  	v8 =	vsel vm5, v2, v49;
	v50 =	vshrl.u32 v3, $0xF;
	vm6 =	vlt.s32 v3, $0x0;
	[tilespmem:v9+s26+$0x0] =	vst.idx.add.f32.msk $0xffff, v1  }
0x3d2: {  	v51 =	vshrl.u32 v4, $0xF;
	vm7 =	vlt.s32 v4, $0x0;
	v3 =	vsel vm6, v2, v50;
	[tilespmem:v10+s26+$0x0] =	vst.idx.add.f32.msk $0xffff, v1  }
0x3d3: {  	v4 =	vsel vm7, v2, v51;
	[tilespmem:v5+s26+$0x0] =	vst.idx.add.f32.msk $0xffff, v1  }
0x3d4: {  	[tilespmem:v6+s26+$0x0] =	vst.idx.add.f32.msk $0xffff, v1  }
0x3d5: {  	[tilespmem:v7+s26+$0x0] =	vst.idx.add.f32.msk $0xffff, v1  }
0x3d6: {  	[tilespmem:v8+s26+$0x0] =	vst.idx.add.f32.msk $0xffff, v1  }
0x3d7: {  	[tilespmem:v3+s26+$0x0] =	vst.idx.add.f32.msk $0xffff, v1  }
0x3d8: {  	[tilespmem:v4+s26+$0x0] =	vst.idx.add.f32.msk $0xffff, v1  }
0x3d9: {  	_ =	swait.ge [sflag:s28], $0x2000  }
0x3da: {  	[sflag:s28] =	ssyncset.done $0x0  }
0x3db: {  	s1 =	simm.s32 $0x0;
	[sflag:s28] =	ssyncadd.s32 $0xFFFFE000  }
0x3dc: {  	v3 =	vld [tilespmem:s1+$0x2000]  }
0x3dd: {  	v4 =	vld [tilespmem:s1+$0x2010]  }
0x3de: {  	v5 =	vld [tilespmem:s1+$0x2020]  }
0x3df: {  	v52 =	vld [tilespmem:s1+$0x2030]  }
0x3e0: {  	v53 =	vld [tilespmem:s1+$0x2040]  }
0x3e1: {  	v54 =	vld [tilespmem:s1+$0x2050];
	v55 =	vshrl.u32 v3, $0xF;
	vm8 =	vlt.s32 v3, $0x0  }
0x3e2: {  	v3 =	vld [tilespmem:s1+$0x2060];
	v56 =	vshrl.u32 v4, $0xF;
	vm9 =	vlt.s32 v4, $0x0;
	v9 =	vsel vm8, v2, v55  }
0x3e3: {  	v57 =	vshrl.u32 v5, $0xF;
	vm10 =	vlt.s32 v5, $0x0;
	v4 =	vsel vm9, v2, v56  }
0x3e4: {  	v60 =	vld [tilespmem:s1+$0x2070];
	v58 =	vshrl.u32 v52, $0xF;
	vm11 =	vlt.s32 v52, $0x0;
	v5 =	vsel vm10, v2, v57  }
0x3e5: {  	v59 =	vshrl.u32 v53, $0xF;
	vm12 =	vlt.s32 v53, $0x0;
	v6 =	vsel vm11, v2, v58  }
0x3e6: {  	v61 =	vshrl.u32 v54, $0xF;
	vm13 =	vlt.s32 v54, $0x0;
	v10 =	vsel vm12, v2, v59  }
0x3e7: {  	v8 =	vsel vm13, v2, v61;
	v62 =	vshrl.u32 v3, $0xF;
	vm14 =	vlt.s32 v3, $0x0;
	[tilespmem:v9+s26+$0x0] =	vst.idx.add.f32.msk $0xffff, v1  }
0x3e8: {  	v63 =	vsel vm14, v2, v62;
	[tilespmem:v4+s26+$0x0] =	vst.idx.add.f32.msk $0xffff, v1  }
0x3e9: {  	vm15 =	vlt.s32 v60, $0x0;
	v3 =	vshrl.u32 v60, $0xF;
	[tilespmem:v5+s26+$0x0] =	vst.idx.add.f32.msk $0xffff, v1  }
0x3ea: {  	v3 =	vsel vm15, v2, v3;
	[tilespmem:v6+s26+$0x0] =	vst.idx.add.f32.msk $0xffff, v1  }
0x3eb: {  	[tilespmem:v10+s26+$0x0] =	vst.idx.add.f32.msk $0xffff, v1  }
0x3ec: {  	[tilespmem:v8+s26+$0x0] =	vst.idx.add.f32.msk $0xffff, v1  }
0x3ed: {  	s31 =	simm.s32 $0x200;
	s0 =	simm.s32 $0x400;
	[tilespmem:v63+s26+$0x0] =	vst.idx.add.f32.msk $0xffff, v1  }
.LBB2_34:
0x3ee: {  	p0 =	sne.s32 s0, $0x7E00  }
0x3ef: {  	s1 =	sshra.s32 s31, $0x2;
	[tilespmem:v3+s26+$0x0] =	vst.idx.add.f32.msk $0xffff, v1;
	s31 =	smov.u32 s0;
	s0 =	sadd.s32 $0x200, s0  }
0x3f0: {  	v3 =	vld [tilespmem:s1+$0x2000]  }
0x3f1: {  	v4 =	vld [tilespmem:s1+$0x2010]  }
0x3f2: {  	v5 =	vld [tilespmem:s1+$0x2020]  }
0x3f3: {  	v6 =	vld [tilespmem:s1+$0x2030]  }
0x3f4: {  	v7 =	vld [tilespmem:s1+$0x2040]  }
0x3f5: {  	v8 =	vld [tilespmem:s1+$0x2050];
	v9 =	vshrl.u32 v3, $0xF;
	vm0 =	vlt.s32 v3, $0x0  }
0x3f6: {  	v3 =	vld [tilespmem:s1+$0x2060];
	v9 =	vsel vm0, v2, v9;
	v10 =	vshrl.u32 v4, $0xF;
	vm0 =	vlt.s32 v4, $0x0  }
0x3f7: {  	v4 =	vld [tilespmem:s1+$0x2070];
	v10 =	vsel vm0, v2, v10;
	v11 =	vshrl.u32 v5, $0xF;
	vm0 =	vlt.s32 v5, $0x0  }
0x3f8: {  	v5 =	vsel vm0, v2, v11;
	v11 =	vshrl.u32 v6, $0xF;
	vm0 =	vlt.s32 v6, $0x0  }
0x3f9: {  	v6 =	vsel vm0, v2, v11;
	v11 =	vshrl.u32 v7, $0xF;
	vm0 =	vlt.s32 v7, $0x0  }
0x3fa: {  	v7 =	vsel vm0, v2, v11;
	v11 =	vshrl.u32 v8, $0xF;
	vm0 =	vlt.s32 v8, $0x0  }
0x3fb: {  	v8 =	vsel vm0, v2, v11;
	v11 =	vshrl.u32 v3, $0xF;
	vm0 =	vlt.s32 v3, $0x0;
	[tilespmem:v9+s26+$0x0] =	vst.idx.add.f32.msk $0xffff, v1  }
0x3fc: {  	v9 =	vsel vm0, v2, v11;
	v3 =	vshrl.u32 v4, $0xF;
	vm0 =	vlt.s32 v4, $0x0;
	[tilespmem:v10+s26+$0x0] =	vst.idx.add.f32.msk $0xffff, v1  }
.Ltmp16:
0x3fd: {  	v3 =	vsel vm0, v2, v3;
	[tilespmem:v5+s26+$0x0] =	vst.idx.add.f32.msk $0xffff, v1;
	(pc) =	sbr.rel @p0 .LBB2_34-.Ltmp16, $4  }
0x3fe: {  	[tilespmem:v6+s26+$0x0] =	vst.idx.add.f32.msk $0xffff, v1  }
0x3ff: {  	[tilespmem:v7+s26+$0x0] =	vst.idx.add.f32.msk $0xffff, v1  }
0x400: {  	[tilespmem:v8+s26+$0x0] =	vst.idx.add.f32.msk $0xffff, v1  }
0x401: {  	[tilespmem:v9+s26+$0x0] =	vst.idx.add.f32.msk $0xffff, v1  }
0x402: {  	_ =	sdelay $0x3  }
0x403: {  	s0 =	sshra.s32 s31, $0x2;
	[tilespmem:v3+s26+$0x0] =	vst.idx.add.f32.msk $0xffff, v1  }
0x404: {  	v3 =	vld [tilespmem:s0+$0x2000]  }
0x405: {  	v4 =	vld [tilespmem:s0+$0x2010]  }
0x406: {  	v5 =	vld [tilespmem:s0+$0x2020]  }
0x407: {  	v6 =	vld [tilespmem:s0+$0x2030]  }
0x408: {  	v7 =	vld [tilespmem:s0+$0x2040]  }
0x409: {  	v8 =	vld [tilespmem:s0+$0x2050];
	v9 =	vshrl.u32 v3, $0xF;
	vm0 =	vlt.s32 v3, $0x0  }
0x40a: {  	v3 =	vld [tilespmem:s0+$0x2060];
	v10 =	vshrl.u32 v4, $0xF;
	vm9 =	vlt.s32 v4, $0x0;
	v9 =	vsel vm0, v2, v9  }
0x40b: {  	v58 =	vld [tilespmem:s0+$0x2070];
	v11 =	vshrl.u32 v5, $0xF;
	vm10 =	vlt.s32 v5, $0x0;
	v10 =	vsel vm9, v2, v10  }
0x40c: {  	v59 =	vshrl.u32 v6, $0xF;
	vm11 =	vlt.s32 v6, $0x0;
	v5 =	vsel vm10, v2, v11  }
0x40d: {  	v60 =	vshrl.u32 v7, $0xF;
	vm12 =	vlt.s32 v7, $0x0;
	v6 =	vsel vm11, v2, v59  }
0x40e: {  	v61 =	vshrl.u32 v8, $0xF;
	vm13 =	vlt.s32 v8, $0x0;
	v7 =	vsel vm12, v2, v60  }
0x40f: {  	v8 =	vsel vm13, v2, v61;
	v62 =	vshrl.u32 v3, $0xF;
	vm14 =	vlt.s32 v3, $0x0;
	[tilespmem:v9+s26+$0x0] =	vst.idx.add.f32.msk $0xffff, v1  }
0x410: {  	v63 =	vshrl.u32 v58, $0xF;
	vm15 =	vlt.s32 v58, $0x0;
	v3 =	vsel vm14, v2, v62;
	[tilespmem:v10+s26+$0x0] =	vst.idx.add.f32.msk $0xffff, v1  }
0x411: {  	v2 =	vsel vm15, v2, v63;
	[tilespmem:v5+s26+$0x0] =	vst.idx.add.f32.msk $0xffff, v1  }
0x412: {  	[tilespmem:v6+s26+$0x0] =	vst.idx.add.f32.msk $0xffff, v1  }
0x413: {  	[tilespmem:v7+s26+$0x0] =	vst.idx.add.f32.msk $0xffff, v1  }
0x414: {  	s3 =	sadd.s32 $0x1, s3;
	[tilespmem:v8+s26+$0x0] =	vst.idx.add.f32.msk $0xffff, v1  }
0x415: {  	p0 =	sne.s32 s3, s21;
	[tilespmem:v3+s26+$0x0] =	vst.idx.add.f32.msk $0xffff, v1  }
.Ltmp17:
0x416: {  	[tilespmem:v2+s26+$0x0] =	vst.idx.add.f32.msk $0xffff, v1;
	(pc) =	sbr.rel @p0 .LBB2_1-.Ltmp17, $4  }
0x417: {  	[hbm4b:s20+s29] =	stream.strided.scatter [tilespmem:s26], [sflag:$0x3], $0x10000, s30, s29, $0x38;
	[tilespmem:$0x14080] =	vst v63  }
0x418: {  	_ =	swait.ge [sflag:s23], $0x10000  }
0x419: {  	[sflag:s23] =	ssyncset.done $0x0  }
0x41a: {  	[sflag:s23] =	ssyncadd.s32 $0xFFFF0000  }
0x41b: {  	_ =	sfence.sel $0x180000  }
0x41c: {  	[bflag:$0x0] =	sbarrier.arrive $0xFFFF  }
0x41d: {  	_ =	strace $0x90000047  }
0x41e: {  	s0 =	stileid.u32;
	[bflag:$0x2] =	sbarrier.arrive $0xFFFF  }
0x41f: {  	p0 =	sne.s32 s0, $0x0;
	s0 =	rddreg [dreg:$0x1]  }
0x420: {  	s0 =	sadd.s32 @!p0 $0x100000, s0  }
0x421: {  	[sflag:s0] =	ssyncadd.tile.s32 @!p0 $0x1;
	_ =	shalt  }
.Lfunc_end2:
_tile_overlayer_lowered:
.L_overlay_start_2:
0x422: {  	(tag) =	ssettag $0x2  }
0x423: {  	s0 =	rddreg [dreg:$0x0];
	s2 =	stileid.u32  }
0x424: {  	s1 =	rddreg [dreg:$0x1];
	p0 =	sne.s32 s2, $0x0  }
0x425: {  	s3 =	rddreg [dreg:$0x2];
	[bflag:$0x3] =	sbarrier.arrive $0xFFFF;
	s2 =	simm.s32 @!p0 $0x1C03  }
0x426: {  	[timem:s3], [sflag:s2] =	dma.local @!p0 [hbm:s0], s1  }
0x427: {  	s0 =	simm.s32 @!p0 $0x3  }
0x428: {  	_ =	swait.ge @!p0 [sflag:s0], s1  }
0x429: {  	s1 =	ssub.s32 @!p0 $0x0, s1;
	[sflag:s0] =	ssyncset.done @!p0 $0x0  }
0x42a: {  	[sflag:s0] =	ssyncadd.s32 @!p0 s1  }
0x42b: {  	[bflag:$0x3] =	sbarrier.arrive $0xFFFF  }
0x42c: {  	_ =	shalt  }

</sc_bundles>
